<compile_context>
chip_gen: v7x
topology: tpu7x:2x2x1
jax: 0.10.2.dev20260603
libtpu: 0.0.44.dev20260713+nightly
codegen_flags: <defaults>
</compile_context>

<pallas_src>
import functools
import jax
import jax.numpy as jnp
from jax import lax
from jax.experimental import pallas as pl
from jax.experimental.pallas import tpu as pltpu, tpu_sc as plsc

N_FIELDS = 26
N_EMB = 100
BATCH = 16384
OUT_W = N_FIELDS * N_EMB
NW = 32
COLS_PER_W = BATCH // NW
CC = 128
RC = 2 * N_EMB
NCOL = COLS_PER_W // CC
NROW = OUT_W // RC
NCH = NCOL * NROW
NG = CC // 16

_mesh = plsc.VectorSubcoreMesh(core_axis_name="c", subcore_axis_name="s")


@functools.partial(
    pl.kernel,
    mesh=_mesh,
    out_type=jax.ShapeDtypeStruct((OUT_W, BATCH), jnp.int32),
    scratch_types=[
        pltpu.VMEM((RC, CC), jnp.int32),
        pltpu.VMEM((RC, CC), jnp.int32),
        pltpu.VMEM((2 * NG, 16), jnp.int32),
        pltpu.VMEM((2 * NG, 16), jnp.int32),
        pltpu.VMEM((N_FIELDS, CC), jnp.int32),
        pltpu.SemaphoreType.DMA,
        pltpu.SemaphoreType.DMA,
    ],
    compiler_params=pltpu.CompilerParams(
        use_tc_tiling_on_sc=True, needs_layout_passes=False),
)
def _sc_onehot_t(idxt_hbm, zeros_hbm, out_hbm, buf0, buf1, pos0, pos1,
                 idxc, sem0, sem1):
    wid = lax.axis_index("s") * 2 + lax.axis_index("c")
    col_base = wid * COLS_PER_W

    lane = lax.iota(jnp.int32, 16)
    ones = jnp.full((16,), 1, jnp.int32)
    zeros16 = jnp.full((16,), 0, jnp.int32)

    def process_chunk(m, buf, pos):
        for f in range(2):
            for g in range(NG):
                cols = lane + 16 * g
                old_rows = pos[2 * g + f, :]
                new_rows = idxc[2 * m + f, pl.ds(16 * g, 16)] + f * N_EMB
                plsc.store_scatter(buf, [old_rows, cols], zeros16,
                                   mask=old_rows != new_rows)
                plsc.store_scatter(buf, [new_rows, cols], ones)
                pos[2 * g + f, :] = new_rows

    pltpu.sync_copy(zeros_hbm, buf0)
    pltpu.sync_copy(zeros_hbm, buf1)
    for g in range(NG):
        for f in range(2):
            band = jnp.full((16,), f * N_EMB, jnp.int32)
            pos0[2 * g + f, :] = band
            pos1[2 * g + f, :] = band
    pltpu.sync_copy(idxt_hbm.at[:, pl.ds(col_base, CC)], idxc)
    process_chunk(0, buf0, pos0)
    pltpu.make_async_copy(
        buf0, out_hbm.at[pl.ds(0, RC), pl.ds(col_base, CC)], sem0).start()
    process_chunk(1, buf1, pos1)
    pltpu.make_async_copy(
        buf1, out_hbm.at[pl.ds(RC, RC), pl.ds(col_base, CC)], sem1).start()

    def body(t, _):
        c = t // NROW
        m = t - c * NROW

        @pl.when(m == 0)
        def _():
            pltpu.sync_copy(
                idxt_hbm.at[:, pl.ds(col_base + c * CC, CC)], idxc)

        col_off = col_base + c * CC

        @pl.when(t % 2 == 0)
        def _():
            pltpu.make_async_copy(
                buf0, out_hbm.at[pl.ds(0, RC), pl.ds(col_base, CC)],
                sem0).wait()
            process_chunk(m, buf0, pos0)
            pltpu.make_async_copy(
                buf0, out_hbm.at[pl.ds(m * RC, RC), pl.ds(col_off, CC)],
                sem0).start()

        @pl.when(t % 2 == 1)
        def _():
            pltpu.make_async_copy(
                buf1, out_hbm.at[pl.ds(0, RC), pl.ds(col_base, CC)],
                sem1).wait()
            process_chunk(m, buf1, pos1)
            pltpu.make_async_copy(
                buf1, out_hbm.at[pl.ds(m * RC, RC), pl.ds(col_off, CC)],
                sem1).start()
        return _

    lax.fori_loop(2, NCH, body, None)
    pltpu.make_async_copy(
        buf0, out_hbm.at[pl.ds(0, RC), pl.ds(col_base, CC)], sem0).wait()
    pltpu.make_async_copy(
        buf1, out_hbm.at[pl.ds(0, RC), pl.ds(col_base, CC)], sem1).wait()


def kernel(index_list):
    idxT = index_list.T
    zeros_hbm = jnp.zeros((RC, CC), jnp.int32)
    outT = _sc_onehot_t(idxT, zeros_hbm)
    return outT.T

# --- scband reference (transcript-rebuilt; emitter-appended) ---
"""Pipeline reference for scband-multi-one-hot-encoding-54563264529018 (READ-ONLY COPY).

The authoritative reference and input builder live on the scoring server;
editing this copy changes nothing except your own understanding.
"""

import jax, jax.numpy as jnp
import numpy as np

N_EMBEDDING_LIST = [100] * 26


def setup_inputs(seed: int = 0) -> dict:
    key = jax.random.key(seed)
    index_list = jax.random.randint(key, (16384, 26), 0, 100, dtype=jnp.int32)
    return {"index_list": index_list}


def reference(index_list):
    # Faithful translation of MultiOneHotEncoding.forward:
    # concat of per-field one-hot encodings along the last dim.
    assert index_list.shape[-1] == len(N_EMBEDDING_LIST)
    parts = []
    for i, n_embedding in enumerate(N_EMBEDDING_LIST):
        parts.append(jax.nn.one_hot(index_list[..., i], n_embedding, dtype=jnp.int32))
    result = jnp.concatenate(parts, axis=-1)
    return result

if __name__ == "__main__":
    import jax
    _d = setup_inputs()
    print(jax.jit(kernel)(*tuple(_d.values())))

</pallas_src>

<mosaic_0001>
#map = affine_map<(d0, d1) -> (0, 0)>
module attributes {stable_mosaic.version = 14 : i64} {
  func.func @_sc_onehot_t(%arg0: i32, %arg1: i32, %arg2: memref<26x16384xi32, #tpu.memory_space<hbm>>, %arg3: memref<200x128xi32, #tpu.memory_space<hbm>>, %arg4: memref<2600x16384xi32, #tpu.memory_space<hbm>>, %arg5: memref<200x128xi32, #tpu.memory_space<vmem>>, %arg6: memref<200x128xi32, #tpu.memory_space<vmem>>, %arg7: memref<16x16xi32, #tpu.memory_space<vmem>>, %arg8: memref<16x16xi32, #tpu.memory_space<vmem>>, %arg9: memref<26x128xi32, #tpu.memory_space<vmem>>, %arg10: memref<!tpu.dma_semaphore, #tpu.memory_space<semaphore_mem>>, %arg11: memref<!tpu.dma_semaphore, #tpu.memory_space<semaphore_mem>>) attributes {dimension_semantics = [#tpu.dimension_semantics<core_parallel>, #tpu.dimension_semantics<subcore_parallel>], iteration_bounds = array<i64: 2, 16>, scalar_prefetch = 0 : i64, scratch_operands = 7 : i64, tpu.core_type = #tpu.core_type<sc_vector_subcore>, window_params = [{transform_indices = #map}, {transform_indices = #map}, {transform_indices = #map}]} {
    %mul3A = arith.constant 2 : i32
    %mul3A_0 = arith.muli %arg1, %mul3A : i32
    %add3A = arith.addi %mul3A_0, %arg0 : i32
    %mul3A_1 = arith.constant 512 : i32
    %mul3A_2 = arith.muli %add3A, %mul3A_1 : i32
    %iota3A = tpu.iota {dimensions = array<i32: 0>} : vector<16xi32>
    %broadcast_in_dim3A = arith.constant 1 : i32
    %broadcast_in_dim3A_3 = vector.broadcast %broadcast_in_dim3A : i32 to vector<16xi32>
    %broadcast_in_dim3A_4 = arith.constant 0 : i32
    %broadcast_in_dim3A_5 = vector.broadcast %broadcast_in_dim3A_4 : i32 to vector<16xi32>
    "tpu.region"() ({
      %run_scoped3A = tpu.sem_alloc : memref<!tpu.dma_semaphore, #tpu.memory_space<semaphore_mem>>
      tpu.enqueue_dma source(%arg3 : memref<200x128xi32, #tpu.memory_space<hbm>>) target(%arg5 : memref<200x128xi32, #tpu.memory_space<vmem>>) target_semaphore(%run_scoped3A : memref<!tpu.dma_semaphore, #tpu.memory_space<semaphore_mem>>)
      tpu.wait_dma2 semaphore(%run_scoped3A : memref<!tpu.dma_semaphore, #tpu.memory_space<semaphore_mem>>) src(%arg3 : memref<200x128xi32, #tpu.memory_space<hbm>>) dst(%arg5 : memref<200x128xi32, #tpu.memory_space<vmem>>)
      tpu.yield
    }) : () -> ()
    "tpu.region"() ({
      %run_scoped3A = tpu.sem_alloc : memref<!tpu.dma_semaphore, #tpu.memory_space<semaphore_mem>>
      tpu.enqueue_dma source(%arg3 : memref<200x128xi32, #tpu.memory_space<hbm>>) target(%arg6 : memref<200x128xi32, #tpu.memory_space<vmem>>) target_semaphore(%run_scoped3A : memref<!tpu.dma_semaphore, #tpu.memory_space<semaphore_mem>>)
      tpu.wait_dma2 semaphore(%run_scoped3A : memref<!tpu.dma_semaphore, #tpu.memory_space<semaphore_mem>>) src(%arg3 : memref<200x128xi32, #tpu.memory_space<hbm>>) dst(%arg6 : memref<200x128xi32, #tpu.memory_space<vmem>>)
      tpu.yield
    }) : () -> ()
    %broadcast_in_dim3A_6 = arith.constant 0 : i32
    %broadcast_in_dim3A_7 = vector.broadcast %broadcast_in_dim3A_6 : i32 to vector<16xi32>
    %swap3A = arith.constant 0 : i32
    %swap3A_8 = arith.index_cast %swap3A : i32 to index
    %swap3A_9 = arith.constant 0 : index
    %swap3A_10 = tpu.vector_load %arg7[%swap3A_8, %swap3A_9] {strides = array<i32>} : memref<16x16xi32, #tpu.memory_space<vmem>>, vector<16xi32>,
    tpu.vector_store %arg7[%swap3A_8, %swap3A_9], %broadcast_in_dim3A_7 {strides = array<i32>} : memref<16x16xi32, #tpu.memory_space<vmem>>, vector<16xi32>,
    %swap3A_11 = arith.constant 0 : i32
    %swap3A_12 = arith.index_cast %swap3A_11 : i32 to index
    %swap3A_13 = arith.constant 0 : index
    %swap3A_14 = tpu.vector_load %arg8[%swap3A_12, %swap3A_13] {strides = array<i32>} : memref<16x16xi32, #tpu.memory_space<vmem>>, vector<16xi32>,
    tpu.vector_store %arg8[%swap3A_12, %swap3A_13], %broadcast_in_dim3A_7 {strides = array<i32>} : memref<16x16xi32, #tpu.memory_space<vmem>>, vector<16xi32>,
    %broadcast_in_dim3A_15 = arith.constant 100 : i32
    %broadcast_in_dim3A_16 = vector.broadcast %broadcast_in_dim3A_15 : i32 to vector<16xi32>
    %swap3A_17 = arith.constant 1 : i32
    %swap3A_18 = arith.index_cast %swap3A_17 : i32 to index
    %swap3A_19 = arith.constant 0 : index
    %swap3A_20 = tpu.vector_load %arg7[%swap3A_18, %swap3A_19] {strides = array<i32>} : memref<16x16xi32, #tpu.memory_space<vmem>>, vector<16xi32>,
    tpu.vector_store %arg7[%swap3A_18, %swap3A_19], %broadcast_in_dim3A_16 {strides = array<i32>} : memref<16x16xi32, #tpu.memory_space<vmem>>, vector<16xi32>,
    %swap3A_21 = arith.constant 1 : i32
    %swap3A_22 = arith.index_cast %swap3A_21 : i32 to index
    %swap3A_23 = arith.constant 0 : index
    %swap3A_24 = tpu.vector_load %arg8[%swap3A_22, %swap3A_23] {strides = array<i32>} : memref<16x16xi32, #tpu.memory_space<vmem>>, vector<16xi32>,
    tpu.vector_store %arg8[%swap3A_22, %swap3A_23], %broadcast_in_dim3A_16 {strides = array<i32>} : memref<16x16xi32, #tpu.memory_space<vmem>>, vector<16xi32>,
    %broadcast_in_dim3A_25 = arith.constant 0 : i32
    %broadcast_in_dim3A_26 = vector.broadcast %broadcast_in_dim3A_25 : i32 to vector<16xi32>
    %swap3A_27 = arith.constant 2 : i32
    %swap3A_28 = arith.index_cast %swap3A_27 : i32 to index
    %swap3A_29 = arith.constant 0 : index
    %swap3A_30 = tpu.vector_load %arg7[%swap3A_28, %swap3A_29] {strides = array<i32>} : memref<16x16xi32, #tpu.memory_space<vmem>>, vector<16xi32>,
    tpu.vector_store %arg7[%swap3A_28, %swap3A_29], %broadcast_in_dim3A_26 {strides = array<i32>} : memref<16x16xi32, #tpu.memory_space<vmem>>, vector<16xi32>,
    %swap3A_31 = arith.constant 2 : i32
    %swap3A_32 = arith.index_cast %swap3A_31 : i32 to index
    %swap3A_33 = arith.constant 0 : index
    %swap3A_34 = tpu.vector_load %arg8[%swap3A_32, %swap3A_33] {strides = array<i32>} : memref<16x16xi32, #tpu.memory_space<vmem>>, vector<16xi32>,
    tpu.vector_store %arg8[%swap3A_32, %swap3A_33], %broadcast_in_dim3A_26 {strides = array<i32>} : memref<16x16xi32, #tpu.memory_space<vmem>>, vector<16xi32>,
    %broadcast_in_dim3A_35 = arith.constant 100 : i32
    %broadcast_in_dim3A_36 = vector.broadcast %broadcast_in_dim3A_35 : i32 to vector<16xi32>
    %swap3A_37 = arith.constant 3 : i32
    %swap3A_38 = arith.index_cast %swap3A_37 : i32 to index
    %swap3A_39 = arith.constant 0 : index
    %swap3A_40 = tpu.vector_load %arg7[%swap3A_38, %swap3A_39] {strides = array<i32>} : memref<16x16xi32, #tpu.memory_space<vmem>>, vector<16xi32>,
    tpu.vector_store %arg7[%swap3A_38, %swap3A_39], %broadcast_in_dim3A_36 {strides = array<i32>} : memref<16x16xi32, #tpu.memory_space<vmem>>, vector<16xi32>,
    %swap3A_41 = arith.constant 3 : i32
    %swap3A_42 = arith.index_cast %swap3A_41 : i32 to index
    %swap3A_43 = arith.constant 0 : index
    %swap3A_44 = tpu.vector_load %arg8[%swap3A_42, %swap3A_43] {strides = array<i32>} : memref<16x16xi32, #tpu.memory_space<vmem>>, vector<16xi32>,
    tpu.vector_store %arg8[%swap3A_42, %swap3A_43], %broadcast_in_dim3A_36 {strides = array<i32>} : memref<16x16xi32, #tpu.memory_space<vmem>>, vector<16xi32>,
    %broadcast_in_dim3A_45 = arith.constant 0 : i32
    %broadcast_in_dim3A_46 = vector.broadcast %broadcast_in_dim3A_45 : i32 to vector<16xi32>
    %swap3A_47 = arith.constant 4 : i32
    %swap3A_48 = arith.index_cast %swap3A_47 : i32 to index
    %swap3A_49 = arith.constant 0 : index
    %swap3A_50 = tpu.vector_load %arg7[%swap3A_48, %swap3A_49] {strides = array<i32>} : memref<16x16xi32, #tpu.memory_space<vmem>>, vector<16xi32>,
    tpu.vector_store %arg7[%swap3A_48, %swap3A_49], %broadcast_in_dim3A_46 {strides = array<i32>} : memref<16x16xi32, #tpu.memory_space<vmem>>, vector<16xi32>,
    %swap3A_51 = arith.constant 4 : i32
    %swap3A_52 = arith.index_cast %swap3A_51 : i32 to index
    %swap3A_53 = arith.constant 0 : index
    %swap3A_54 = tpu.vector_load %arg8[%swap3A_52, %swap3A_53] {strides = array<i32>} : memref<16x16xi32, #tpu.memory_space<vmem>>, vector<16xi32>,
    tpu.vector_store %arg8[%swap3A_52, %swap3A_53], %broadcast_in_dim3A_46 {strides = array<i32>} : memref<16x16xi32, #tpu.memory_space<vmem>>, vector<16xi32>,
    %broadcast_in_dim3A_55 = arith.constant 100 : i32
    %broadcast_in_dim3A_56 = vector.broadcast %broadcast_in_dim3A_55 : i32 to vector<16xi32>
    %swap3A_57 = arith.constant 5 : i32
    %swap3A_58 = arith.index_cast %swap3A_57 : i32 to index
    %swap3A_59 = arith.constant 0 : index
    %swap3A_60 = tpu.vector_load %arg7[%swap3A_58, %swap3A_59] {strides = array<i32>} : memref<16x16xi32, #tpu.memory_space<vmem>>, vector<16xi32>,
    tpu.vector_store %arg7[%swap3A_58, %swap3A_59], %broadcast_in_dim3A_56 {strides = array<i32>} : memref<16x16xi32, #tpu.memory_space<vmem>>, vector<16xi32>,
    %swap3A_61 = arith.constant 5 : i32
    %swap3A_62 = arith.index_cast %swap3A_61 : i32 to index
    %swap3A_63 = arith.constant 0 : index
    %swap3A_64 = tpu.vector_load %arg8[%swap3A_62, %swap3A_63] {strides = array<i32>} : memref<16x16xi32, #tpu.memory_space<vmem>>, vector<16xi32>,
    tpu.vector_store %arg8[%swap3A_62, %swap3A_63], %broadcast_in_dim3A_56 {strides = array<i32>} : memref<16x16xi32, #tpu.memory_space<vmem>>, vector<16xi32>,
    %broadcast_in_dim3A_65 = arith.constant 0 : i32
    %broadcast_in_dim3A_66 = vector.broadcast %broadcast_in_dim3A_65 : i32 to vector<16xi32>
    %swap3A_67 = arith.constant 6 : i32
    %swap3A_68 = arith.index_cast %swap3A_67 : i32 to index
    %swap3A_69 = arith.constant 0 : index
    %swap3A_70 = tpu.vector_load %arg7[%swap3A_68, %swap3A_69] {strides = array<i32>} : memref<16x16xi32, #tpu.memory_space<vmem>>, vector<16xi32>,
    tpu.vector_store %arg7[%swap3A_68, %swap3A_69], %broadcast_in_dim3A_66 {strides = array<i32>} : memref<16x16xi32, #tpu.memory_space<vmem>>, vector<16xi32>,
    %swap3A_71 = arith.constant 6 : i32
    %swap3A_72 = arith.index_cast %swap3A_71 : i32 to index
    %swap3A_73 = arith.constant 0 : index
    %swap3A_74 = tpu.vector_load %arg8[%swap3A_72, %swap3A_73] {strides = array<i32>} : memref<16x16xi32, #tpu.memory_space<vmem>>, vector<16xi32>,
    tpu.vector_store %arg8[%swap3A_72, %swap3A_73], %broadcast_in_dim3A_66 {strides = array<i32>} : memref<16x16xi32, #tpu.memory_space<vmem>>, vector<16xi32>,
    %broadcast_in_dim3A_75 = arith.constant 100 : i32
    %broadcast_in_dim3A_76 = vector.broadcast %broadcast_in_dim3A_75 : i32 to vector<16xi32>
    %swap3A_77 = arith.constant 7 : i32
    %swap3A_78 = arith.index_cast %swap3A_77 : i32 to index
    %swap3A_79 = arith.constant 0 : index
    %swap3A_80 = tpu.vector_load %arg7[%swap3A_78, %swap3A_79] {strides = array<i32>} : memref<16x16xi32, #tpu.memory_space<vmem>>, vector<16xi32>,
    tpu.vector_store %arg7[%swap3A_78, %swap3A_79], %broadcast_in_dim3A_76 {strides = array<i32>} : memref<16x16xi32, #tpu.memory_space<vmem>>, vector<16xi32>,
    %swap3A_81 = arith.constant 7 : i32
    %swap3A_82 = arith.index_cast %swap3A_81 : i32 to index
    %swap3A_83 = arith.constant 0 : index
    %swap3A_84 = tpu.vector_load %arg8[%swap3A_82, %swap3A_83] {strides = array<i32>} : memref<16x16xi32, #tpu.memory_space<vmem>>, vector<16xi32>,
    tpu.vector_store %arg8[%swap3A_82, %swap3A_83], %broadcast_in_dim3A_76 {strides = array<i32>} : memref<16x16xi32, #tpu.memory_space<vmem>>, vector<16xi32>,
    %broadcast_in_dim3A_85 = arith.constant 0 : i32
    %broadcast_in_dim3A_86 = vector.broadcast %broadcast_in_dim3A_85 : i32 to vector<16xi32>
    %swap3A_87 = arith.constant 8 : i32
    %swap3A_88 = arith.index_cast %swap3A_87 : i32 to index
    %swap3A_89 = arith.constant 0 : index
    %swap3A_90 = tpu.vector_load %arg7[%swap3A_88, %swap3A_89] {strides = array<i32>} : memref<16x16xi32, #tpu.memory_space<vmem>>, vector<16xi32>,
    tpu.vector_store %arg7[%swap3A_88, %swap3A_89], %broadcast_in_dim3A_86 {strides = array<i32>} : memref<16x16xi32, #tpu.memory_space<vmem>>, vector<16xi32>,
    %swap3A_91 = arith.constant 8 : i32
    %swap3A_92 = arith.index_cast %swap3A_91 : i32 to index
    %swap3A_93 = arith.constant 0 : index
    %swap3A_94 = tpu.vector_load %arg8[%swap3A_92, %swap3A_93] {strides = array<i32>} : memref<16x16xi32, #tpu.memory_space<vmem>>, vector<16xi32>,
    tpu.vector_store %arg8[%swap3A_92, %swap3A_93], %broadcast_in_dim3A_86 {strides = array<i32>} : memref<16x16xi32, #tpu.memory_space<vmem>>, vector<16xi32>,
    %broadcast_in_dim3A_95 = arith.constant 100 : i32
    %broadcast_in_dim3A_96 = vector.broadcast %broadcast_in_dim3A_95 : i32 to vector<16xi32>
    %swap3A_97 = arith.constant 9 : i32
    %swap3A_98 = arith.index_cast %swap3A_97 : i32 to index
    %swap3A_99 = arith.constant 0 : index
    %swap3A_100 = tpu.vector_load %arg7[%swap3A_98, %swap3A_99] {strides = array<i32>} : memref<16x16xi32, #tpu.memory_space<vmem>>, vector<16xi32>,
    tpu.vector_store %arg7[%swap3A_98, %swap3A_99], %broadcast_in_dim3A_96 {strides = array<i32>} : memref<16x16xi32, #tpu.memory_space<vmem>>, vector<16xi32>,
    %swap3A_101 = arith.constant 9 : i32
    %swap3A_102 = arith.index_cast %swap3A_101 : i32 to index
    %swap3A_103 = arith.constant 0 : index
    %swap3A_104 = tpu.vector_load %arg8[%swap3A_102, %swap3A_103] {strides = array<i32>} : memref<16x16xi32, #tpu.memory_space<vmem>>, vector<16xi32>,
    tpu.vector_store %arg8[%swap3A_102, %swap3A_103], %broadcast_in_dim3A_96 {strides = array<i32>} : memref<16x16xi32, #tpu.memory_space<vmem>>, vector<16xi32>,
    %broadcast_in_dim3A_105 = arith.constant 0 : i32
    %broadcast_in_dim3A_106 = vector.broadcast %broadcast_in_dim3A_105 : i32 to vector<16xi32>
    %swap3A_107 = arith.constant 10 : i32
    %swap3A_108 = arith.index_cast %swap3A_107 : i32 to index
    %swap3A_109 = arith.constant 0 : index
    %swap3A_110 = tpu.vector_load %arg7[%swap3A_108, %swap3A_109] {strides = array<i32>} : memref<16x16xi32, #tpu.memory_space<vmem>>, vector<16xi32>,
    tpu.vector_store %arg7[%swap3A_108, %swap3A_109], %broadcast_in_dim3A_106 {strides = array<i32>} : memref<16x16xi32, #tpu.memory_space<vmem>>, vector<16xi32>,
    %swap3A_111 = arith.constant 10 : i32
    %swap3A_112 = arith.index_cast %swap3A_111 : i32 to index
    %swap3A_113 = arith.constant 0 : index
    %swap3A_114 = tpu.vector_load %arg8[%swap3A_112, %swap3A_113] {strides = array<i32>} : memref<16x16xi32, #tpu.memory_space<vmem>>, vector<16xi32>,
    tpu.vector_store %arg8[%swap3A_112, %swap3A_113], %broadcast_in_dim3A_106 {strides = array<i32>} : memref<16x16xi32, #tpu.memory_space<vmem>>, vector<16xi32>,
    %broadcast_in_dim3A_115 = arith.constant 100 : i32
    %broadcast_in_dim3A_116 = vector.broadcast %broadcast_in_dim3A_115 : i32 to vector<16xi32>
    %swap3A_117 = arith.constant 11 : i32
    %swap3A_118 = arith.index_cast %swap3A_117 : i32 to index
    %swap3A_119 = arith.constant 0 : index
    %swap3A_120 = tpu.vector_load %arg7[%swap3A_118, %swap3A_119] {strides = array<i32>} : memref<16x16xi32, #tpu.memory_space<vmem>>, vector<16xi32>,
    tpu.vector_store %arg7[%swap3A_118, %swap3A_119], %broadcast_in_dim3A_116 {strides = array<i32>} : memref<16x16xi32, #tpu.memory_space<vmem>>, vector<16xi32>,
    %swap3A_121 = arith.constant 11 : i32
    %swap3A_122 = arith.index_cast %swap3A_121 : i32 to index
    %swap3A_123 = arith.constant 0 : index
    %swap3A_124 = tpu.vector_load %arg8[%swap3A_122, %swap3A_123] {strides = array<i32>} : memref<16x16xi32, #tpu.memory_space<vmem>>, vector<16xi32>,
    tpu.vector_store %arg8[%swap3A_122, %swap3A_123], %broadcast_in_dim3A_116 {strides = array<i32>} : memref<16x16xi32, #tpu.memory_space<vmem>>, vector<16xi32>,
    %broadcast_in_dim3A_125 = arith.constant 0 : i32
    %broadcast_in_dim3A_126 = vector.broadcast %broadcast_in_dim3A_125 : i32 to vector<16xi32>
    %swap3A_127 = arith.constant 12 : i32
    %swap3A_128 = arith.index_cast %swap3A_127 : i32 to index
    %swap3A_129 = arith.constant 0 : index
    %swap3A_130 = tpu.vector_load %arg7[%swap3A_128, %swap3A_129] {strides = array<i32>} : memref<16x16xi32, #tpu.memory_space<vmem>>, vector<16xi32>,
    tpu.vector_store %arg7[%swap3A_128, %swap3A_129], %broadcast_in_dim3A_126 {strides = array<i32>} : memref<16x16xi32, #tpu.memory_space<vmem>>, vector<16xi32>,
    %swap3A_131 = arith.constant 12 : i32
    %swap3A_132 = arith.index_cast %swap3A_131 : i32 to index
    %swap3A_133 = arith.constant 0 : index
    %swap3A_134 = tpu.vector_load %arg8[%swap3A_132, %swap3A_133] {strides = array<i32>} : memref<16x16xi32, #tpu.memory_space<vmem>>, vector<16xi32>,
    tpu.vector_store %arg8[%swap3A_132, %swap3A_133], %broadcast_in_dim3A_126 {strides = array<i32>} : memref<16x16xi32, #tpu.memory_space<vmem>>, vector<16xi32>,
    %broadcast_in_dim3A_135 = arith.constant 100 : i32
    %broadcast_in_dim3A_136 = vector.broadcast %broadcast_in_dim3A_135 : i32 to vector<16xi32>
    %swap3A_137 = arith.constant 13 : i32
    %swap3A_138 = arith.index_cast %swap3A_137 : i32 to index
    %swap3A_139 = arith.constant 0 : index
    %swap3A_140 = tpu.vector_load %arg7[%swap3A_138, %swap3A_139] {strides = array<i32>} : memref<16x16xi32, #tpu.memory_space<vmem>>, vector<16xi32>,
    tpu.vector_store %arg7[%swap3A_138, %swap3A_139], %broadcast_in_dim3A_136 {strides = array<i32>} : memref<16x16xi32, #tpu.memory_space<vmem>>, vector<16xi32>,
    %swap3A_141 = arith.constant 13 : i32
    %swap3A_142 = arith.index_cast %swap3A_141 : i32 to index
    %swap3A_143 = arith.constant 0 : index
    %swap3A_144 = tpu.vector_load %arg8[%swap3A_142, %swap3A_143] {strides = array<i32>} : memref<16x16xi32, #tpu.memory_space<vmem>>, vector<16xi32>,
    tpu.vector_store %arg8[%swap3A_142, %swap3A_143], %broadcast_in_dim3A_136 {strides = array<i32>} : memref<16x16xi32, #tpu.memory_space<vmem>>, vector<16xi32>,
    %broadcast_in_dim3A_145 = arith.constant 0 : i32
    %broadcast_in_dim3A_146 = vector.broadcast %broadcast_in_dim3A_145 : i32 to vector<16xi32>
    %swap3A_147 = arith.constant 14 : i32
    %swap3A_148 = arith.index_cast %swap3A_147 : i32 to index
    %swap3A_149 = arith.constant 0 : index
    %swap3A_150 = tpu.vector_load %arg7[%swap3A_148, %swap3A_149] {strides = array<i32>} : memref<16x16xi32, #tpu.memory_space<vmem>>, vector<16xi32>,
    tpu.vector_store %arg7[%swap3A_148, %swap3A_149], %broadcast_in_dim3A_146 {strides = array<i32>} : memref<16x16xi32, #tpu.memory_space<vmem>>, vector<16xi32>,
    %swap3A_151 = arith.constant 14 : i32
    %swap3A_152 = arith.index_cast %swap3A_151 : i32 to index
    %swap3A_153 = arith.constant 0 : index
    %swap3A_154 = tpu.vector_load %arg8[%swap3A_152, %swap3A_153] {strides = array<i32>} : memref<16x16xi32, #tpu.memory_space<vmem>>, vector<16xi32>,
    tpu.vector_store %arg8[%swap3A_152, %swap3A_153], %broadcast_in_dim3A_146 {strides = array<i32>} : memref<16x16xi32, #tpu.memory_space<vmem>>, vector<16xi32>,
    %broadcast_in_dim3A_155 = arith.constant 100 : i32
    %broadcast_in_dim3A_156 = vector.broadcast %broadcast_in_dim3A_155 : i32 to vector<16xi32>
    %swap3A_157 = arith.constant 15 : i32
    %swap3A_158 = arith.index_cast %swap3A_157 : i32 to index
    %swap3A_159 = arith.constant 0 : index
    %swap3A_160 = tpu.vector_load %arg7[%swap3A_158, %swap3A_159] {strides = array<i32>} : memref<16x16xi32, #tpu.memory_space<vmem>>, vector<16xi32>,
    tpu.vector_store %arg7[%swap3A_158, %swap3A_159], %broadcast_in_dim3A_156 {strides = array<i32>} : memref<16x16xi32, #tpu.memory_space<vmem>>, vector<16xi32>,
    %swap3A_161 = arith.constant 15 : i32
    %swap3A_162 = arith.index_cast %swap3A_161 : i32 to index
    %swap3A_163 = arith.constant 0 : index
    %swap3A_164 = tpu.vector_load %arg8[%swap3A_162, %swap3A_163] {strides = array<i32>} : memref<16x16xi32, #tpu.memory_space<vmem>>, vector<16xi32>,
    tpu.vector_store %arg8[%swap3A_162, %swap3A_163], %broadcast_in_dim3A_156 {strides = array<i32>} : memref<16x16xi32, #tpu.memory_space<vmem>>, vector<16xi32>,
    "tpu.region"() ({
      %run_scoped3A = tpu.sem_alloc : memref<!tpu.dma_semaphore, #tpu.memory_space<semaphore_mem>>
      %dma_start3A_789 = arith.constant 0 : i32
      %dma_start3A_790 = tpu.memref_slice %arg2[%dma_start3A_789, %mul3A_2] : memref<26x16384xi32, #tpu.memory_space<hbm>> -> memref<26x128xi32, #tpu.memory_space<hbm>>
      %dma_start3A_791 = arith.constant 0 : i32
      %dma_start3A_792 = tpu.memref_slice %arg2[%dma_start3A_791, %mul3A_2] : memref<26x16384xi32, #tpu.memory_space<hbm>> -> memref<26x128xi32, #tpu.memory_space<hbm>>
      tpu.enqueue_dma source(%dma_start3A_792 : memref<26x128xi32, #tpu.memory_space<hbm>>) target(%arg9 : memref<26x128xi32, #tpu.memory_space<vmem>>) target_semaphore(%run_scoped3A : memref<!tpu.dma_semaphore, #tpu.memory_space<semaphore_mem>>)
      %dma_wait3A_793 = arith.constant 0 : i32
      %dma_wait3A_794 = tpu.memref_slice %arg2[%dma_wait3A_793, %mul3A_2] : memref<26x16384xi32, #tpu.memory_space<hbm>> -> memref<26x128xi32, #tpu.memory_space<hbm>>
      %dma_wait3A_795 = arith.constant 0 : i32
      %dma_wait3A_796 = tpu.memref_slice %arg2[%dma_wait3A_795, %mul3A_2] : memref<26x16384xi32, #tpu.memory_space<hbm>> -> memref<26x128xi32, #tpu.memory_space<hbm>>
      tpu.wait_dma2 semaphore(%run_scoped3A : memref<!tpu.dma_semaphore, #tpu.memory_space<semaphore_mem>>) src(%dma_wait3A_796 : memref<26x128xi32, #tpu.memory_space<hbm>>) dst(%arg9 : memref<26x128xi32, #tpu.memory_space<vmem>>)
      tpu.yield
    }) : () -> ()
    %add3A_165 = arith.constant 0 : i32
    %add3A_166 = vector.broadcast %add3A_165 : i32 to vector<16xi32>
    %add3A_167 = arith.addi %iota3A, %add3A_166 : vector<16xi32>
    %get3A = arith.constant 0 : i32
    %get3A_168 = arith.index_cast %get3A : i32 to index
    %get3A_169 = arith.constant 0 : index
    %get3A_170 = tpu.vector_load %arg7[%get3A_168, %get3A_169] {strides = array<i32>} : memref<16x16xi32, #tpu.memory_space<vmem>>, vector<16xi32>,
    %get3A_171 = arith.constant 0 : i32
    %get3A_172 = arith.index_cast %get3A_171 : i32 to index
    %get3A_173 = arith.constant 0 : index
    %get3A_174 = tpu.vector_load %arg9[%get3A_172, %get3A_173] {strides = array<i32>} : memref<26x128xi32, #tpu.memory_space<vmem>>, vector<16xi32>,
    %add3A_175 = arith.constant 0 : i32
    %add3A_176 = vector.broadcast %add3A_175 : i32 to vector<16xi32>
    %add3A_177 = arith.addi %get3A_174, %add3A_176 : vector<16xi32>
    %ne3A = arith.cmpi ne, %get3A_170, %add3A_177 : vector<16xi32>
    tpu.vector_store_idx %arg5[%get3A_170, %add3A_167], %broadcast_in_dim3A_5 masked %ne3A : memref<200x128xi32, #tpu.memory_space<vmem>>[vector<16xi32>, vector<16xi32>], vector<16xi32>, vector<16xi1>
    tpu.vector_store_idx %arg5[%add3A_177, %add3A_167], %broadcast_in_dim3A_3 : memref<200x128xi32, #tpu.memory_space<vmem>>[vector<16xi32>, vector<16xi32>], vector<16xi32>,
    %swap3A_178 = arith.constant 0 : i32
    %swap3A_179 = arith.index_cast %swap3A_178 : i32 to index
    %swap3A_180 = arith.constant 0 : index
    %swap3A_181 = tpu.vector_load %arg7[%swap3A_179, %swap3A_180] {strides = array<i32>} : memref<16x16xi32, #tpu.memory_space<vmem>>, vector<16xi32>,
    tpu.vector_store %arg7[%swap3A_179, %swap3A_180], %add3A_177 {strides = array<i32>} : memref<16x16xi32, #tpu.memory_space<vmem>>, vector<16xi32>,
    %add3A_182 = arith.constant 16 : i32
    %add3A_183 = vector.broadcast %add3A_182 : i32 to vector<16xi32>
    %add3A_184 = arith.addi %iota3A, %add3A_183 : vector<16xi32>
    %get3A_185 = arith.constant 2 : i32
    %get3A_186 = arith.index_cast %get3A_185 : i32 to index
    %get3A_187 = arith.constant 0 : index
    %get3A_188 = tpu.vector_load %arg7[%get3A_186, %get3A_187] {strides = array<i32>} : memref<16x16xi32, #tpu.memory_space<vmem>>, vector<16xi32>,
    %get3A_189 = arith.constant 0 : i32
    %get3A_190 = arith.index_cast %get3A_189 : i32 to index
    %get3A_191 = arith.constant 16 : index
    %get3A_192 = tpu.vector_load %arg9[%get3A_190, %get3A_191] {strides = array<i32>} : memref<26x128xi32, #tpu.memory_space<vmem>>, vector<16xi32>,
    %add3A_193 = arith.constant 0 : i32
    %add3A_194 = vector.broadcast %add3A_193 : i32 to vector<16xi32>
    %add3A_195 = arith.addi %get3A_192, %add3A_194 : vector<16xi32>
    %ne3A_196 = arith.cmpi ne, %get3A_188, %add3A_195 : vector<16xi32>
    tpu.vector_store_idx %arg5[%get3A_188, %add3A_184], %broadcast_in_dim3A_5 masked %ne3A_196 : memref<200x128xi32, #tpu.memory_space<vmem>>[vector<16xi32>, vector<16xi32>], vector<16xi32>, vector<16xi1>
    tpu.vector_store_idx %arg5[%add3A_195, %add3A_184], %broadcast_in_dim3A_3 : memref<200x128xi32, #tpu.memory_space<vmem>>[vector<16xi32>, vector<16xi32>], vector<16xi32>,
    %swap3A_197 = arith.constant 2 : i32
    %swap3A_198 = arith.index_cast %swap3A_197 : i32 to index
    %swap3A_199 = arith.constant 0 : index
    %swap3A_200 = tpu.vector_load %arg7[%swap3A_198, %swap3A_199] {strides = array<i32>} : memref<16x16xi32, #tpu.memory_space<vmem>>, vector<16xi32>,
    tpu.vector_store %arg7[%swap3A_198, %swap3A_199], %add3A_195 {strides = array<i32>} : memref<16x16xi32, #tpu.memory_space<vmem>>, vector<16xi32>,
    %add3A_201 = arith.constant 32 : i32
    %add3A_202 = vector.broadcast %add3A_201 : i32 to vector<16xi32>
    %add3A_203 = arith.addi %iota3A, %add3A_202 : vector<16xi32>
    %get3A_204 = arith.constant 4 : i32
    %get3A_205 = arith.index_cast %get3A_204 : i32 to index
    %get3A_206 = arith.constant 0 : index
    %get3A_207 = tpu.vector_load %arg7[%get3A_205, %get3A_206] {strides = array<i32>} : memref<16x16xi32, #tpu.memory_space<vmem>>, vector<16xi32>,
    %get3A_208 = arith.constant 0 : i32
    %get3A_209 = arith.index_cast %get3A_208 : i32 to index
    %get3A_210 = arith.constant 32 : index
    %get3A_211 = tpu.vector_load %arg9[%get3A_209, %get3A_210] {strides = array<i32>} : memref<26x128xi32, #tpu.memory_space<vmem>>, vector<16xi32>,
    %add3A_212 = arith.constant 0 : i32
    %add3A_213 = vector.broadcast %add3A_212 : i32 to vector<16xi32>
    %add3A_214 = arith.addi %get3A_211, %add3A_213 : vector<16xi32>
    %ne3A_215 = arith.cmpi ne, %get3A_207, %add3A_214 : vector<16xi32>
    tpu.vector_store_idx %arg5[%get3A_207, %add3A_203], %broadcast_in_dim3A_5 masked %ne3A_215 : memref<200x128xi32, #tpu.memory_space<vmem>>[vector<16xi32>, vector<16xi32>], vector<16xi32>, vector<16xi1>
    tpu.vector_store_idx %arg5[%add3A_214, %add3A_203], %broadcast_in_dim3A_3 : memref<200x128xi32, #tpu.memory_space<vmem>>[vector<16xi32>, vector<16xi32>], vector<16xi32>,
    %swap3A_216 = arith.constant 4 : i32
    %swap3A_217 = arith.index_cast %swap3A_216 : i32 to index
    %swap3A_218 = arith.constant 0 : index
    %swap3A_219 = tpu.vector_load %arg7[%swap3A_217, %swap3A_218] {strides = array<i32>} : memref<16x16xi32, #tpu.memory_space<vmem>>, vector<16xi32>,
    tpu.vector_store %arg7[%swap3A_217, %swap3A_218], %add3A_214 {strides = array<i32>} : memref<16x16xi32, #tpu.memory_space<vmem>>, vector<16xi32>,
    %add3A_220 = arith.constant 48 : i32
    %add3A_221 = vector.broadcast %add3A_220 : i32 to vector<16xi32>
    %add3A_222 = arith.addi %iota3A, %add3A_221 : vector<16xi32>
    %get3A_223 = arith.constant 6 : i32
    %get3A_224 = arith.index_cast %get3A_223 : i32 to index
    %get3A_225 = arith.constant 0 : index
    %get3A_226 = tpu.vector_load %arg7[%get3A_224, %get3A_225] {strides = array<i32>} : memref<16x16xi32, #tpu.memory_space<vmem>>, vector<16xi32>,
    %get3A_227 = arith.constant 0 : i32
    %get3A_228 = arith.index_cast %get3A_227 : i32 to index
    %get3A_229 = arith.constant 48 : index
    %get3A_230 = tpu.vector_load %arg9[%get3A_228, %get3A_229] {strides = array<i32>} : memref<26x128xi32, #tpu.memory_space<vmem>>, vector<16xi32>,
    %add3A_231 = arith.constant 0 : i32
    %add3A_232 = vector.broadcast %add3A_231 : i32 to vector<16xi32>
    %add3A_233 = arith.addi %get3A_230, %add3A_232 : vector<16xi32>
    %ne3A_234 = arith.cmpi ne, %get3A_226, %add3A_233 : vector<16xi32>
    tpu.vector_store_idx %arg5[%get3A_226, %add3A_222], %broadcast_in_dim3A_5 masked %ne3A_234 : memref<200x128xi32, #tpu.memory_space<vmem>>[vector<16xi32>, vector<16xi32>], vector<16xi32>, vector<16xi1>
    tpu.vector_store_idx %arg5[%add3A_233, %add3A_222], %broadcast_in_dim3A_3 : memref<200x128xi32, #tpu.memory_space<vmem>>[vector<16xi32>, vector<16xi32>], vector<16xi32>,
    %swap3A_235 = arith.constant 6 : i32
    %swap3A_236 = arith.index_cast %swap3A_235 : i32 to index
    %swap3A_237 = arith.constant 0 : index
    %swap3A_238 = tpu.vector_load %arg7[%swap3A_236, %swap3A_237] {strides = array<i32>} : memref<16x16xi32, #tpu.memory_space<vmem>>, vector<16xi32>,
    tpu.vector_store %arg7[%swap3A_236, %swap3A_237], %add3A_233 {strides = array<i32>} : memref<16x16xi32, #tpu.memory_space<vmem>>, vector<16xi32>,
    %add3A_239 = arith.constant 64 : i32
    %add3A_240 = vector.broadcast %add3A_239 : i32 to vector<16xi32>
    %add3A_241 = arith.addi %iota3A, %add3A_240 : vector<16xi32>
    %get3A_242 = arith.constant 8 : i32
    %get3A_243 = arith.index_cast %get3A_242 : i32 to index
    %get3A_244 = arith.constant 0 : index
    %get3A_245 = tpu.vector_load %arg7[%get3A_243, %get3A_244] {strides = array<i32>} : memref<16x16xi32, #tpu.memory_space<vmem>>, vector<16xi32>,
    %get3A_246 = arith.constant 0 : i32
    %get3A_247 = arith.index_cast %get3A_246 : i32 to index
    %get3A_248 = arith.constant 64 : index
    %get3A_249 = tpu.vector_load %arg9[%get3A_247, %get3A_248] {strides = array<i32>} : memref<26x128xi32, #tpu.memory_space<vmem>>, vector<16xi32>,
    %add3A_250 = arith.constant 0 : i32
    %add3A_251 = vector.broadcast %add3A_250 : i32 to vector<16xi32>
    %add3A_252 = arith.addi %get3A_249, %add3A_251 : vector<16xi32>
    %ne3A_253 = arith.cmpi ne, %get3A_245, %add3A_252 : vector<16xi32>
    tpu.vector_store_idx %arg5[%get3A_245, %add3A_241], %broadcast_in_dim3A_5 masked %ne3A_253 : memref<200x128xi32, #tpu.memory_space<vmem>>[vector<16xi32>, vector<16xi32>], vector<16xi32>, vector<16xi1>
    tpu.vector_store_idx %arg5[%add3A_252, %add3A_241], %broadcast_in_dim3A_3 : memref<200x128xi32, #tpu.memory_space<vmem>>[vector<16xi32>, vector<16xi32>], vector<16xi32>,
    %swap3A_254 = arith.constant 8 : i32
    %swap3A_255 = arith.index_cast %swap3A_254 : i32 to index
    %swap3A_256 = arith.constant 0 : index
    %swap3A_257 = tpu.vector_load %arg7[%swap3A_255, %swap3A_256] {strides = array<i32>} : memref<16x16xi32, #tpu.memory_space<vmem>>, vector<16xi32>,
    tpu.vector_store %arg7[%swap3A_255, %swap3A_256], %add3A_252 {strides = array<i32>} : memref<16x16xi32, #tpu.memory_space<vmem>>, vector<16xi32>,
    %add3A_258 = arith.constant 80 : i32
    %add3A_259 = vector.broadcast %add3A_258 : i32 to vector<16xi32>
    %add3A_260 = arith.addi %iota3A, %add3A_259 : vector<16xi32>
    %get3A_261 = arith.constant 10 : i32
    %get3A_262 = arith.index_cast %get3A_261 : i32 to index
    %get3A_263 = arith.constant 0 : index
    %get3A_264 = tpu.vector_load %arg7[%get3A_262, %get3A_263] {strides = array<i32>} : memref<16x16xi32, #tpu.memory_space<vmem>>, vector<16xi32>,
    %get3A_265 = arith.constant 0 : i32
    %get3A_266 = arith.index_cast %get3A_265 : i32 to index
    %get3A_267 = arith.constant 80 : index
    %get3A_268 = tpu.vector_load %arg9[%get3A_266, %get3A_267] {strides = array<i32>} : memref<26x128xi32, #tpu.memory_space<vmem>>, vector<16xi32>,
    %add3A_269 = arith.constant 0 : i32
    %add3A_270 = vector.broadcast %add3A_269 : i32 to vector<16xi32>
    %add3A_271 = arith.addi %get3A_268, %add3A_270 : vector<16xi32>
    %ne3A_272 = arith.cmpi ne, %get3A_264, %add3A_271 : vector<16xi32>
    tpu.vector_store_idx %arg5[%get3A_264, %add3A_260], %broadcast_in_dim3A_5 masked %ne3A_272 : memref<200x128xi32, #tpu.memory_space<vmem>>[vector<16xi32>, vector<16xi32>], vector<16xi32>, vector<16xi1>
    tpu.vector_store_idx %arg5[%add3A_271, %add3A_260], %broadcast_in_dim3A_3 : memref<200x128xi32, #tpu.memory_space<vmem>>[vector<16xi32>, vector<16xi32>], vector<16xi32>,
    %swap3A_273 = arith.constant 10 : i32
    %swap3A_274 = arith.index_cast %swap3A_273 : i32 to index
    %swap3A_275 = arith.constant 0 : index
    %swap3A_276 = tpu.vector_load %arg7[%swap3A_274, %swap3A_275] {strides = array<i32>} : memref<16x16xi32, #tpu.memory_space<vmem>>, vector<16xi32>,
    tpu.vector_store %arg7[%swap3A_274, %swap3A_275], %add3A_271 {strides = array<i32>} : memref<16x16xi32, #tpu.memory_space<vmem>>, vector<16xi32>,
    %add3A_277 = arith.constant 96 : i32
    %add3A_278 = vector.broadcast %add3A_277 : i32 to vector<16xi32>
    %add3A_279 = arith.addi %iota3A, %add3A_278 : vector<16xi32>
    %get3A_280 = arith.constant 12 : i32
    %get3A_281 = arith.index_cast %get3A_280 : i32 to index
    %get3A_282 = arith.constant 0 : index
    %get3A_283 = tpu.vector_load %arg7[%get3A_281, %get3A_282] {strides = array<i32>} : memref<16x16xi32, #tpu.memory_space<vmem>>, vector<16xi32>,
    %get3A_284 = arith.constant 0 : i32
    %get3A_285 = arith.index_cast %get3A_284 : i32 to index
    %get3A_286 = arith.constant 96 : index
    %get3A_287 = tpu.vector_load %arg9[%get3A_285, %get3A_286] {strides = array<i32>} : memref<26x128xi32, #tpu.memory_space<vmem>>, vector<16xi32>,
    %add3A_288 = arith.constant 0 : i32
    %add3A_289 = vector.broadcast %add3A_288 : i32 to vector<16xi32>
    %add3A_290 = arith.addi %get3A_287, %add3A_289 : vector<16xi32>
    %ne3A_291 = arith.cmpi ne, %get3A_283, %add3A_290 : vector<16xi32>
    tpu.vector_store_idx %arg5[%get3A_283, %add3A_279], %broadcast_in_dim3A_5 masked %ne3A_291 : memref<200x128xi32, #tpu.memory_space<vmem>>[vector<16xi32>, vector<16xi32>], vector<16xi32>, vector<16xi1>
    tpu.vector_store_idx %arg5[%add3A_290, %add3A_279], %broadcast_in_dim3A_3 : memref<200x128xi32, #tpu.memory_space<vmem>>[vector<16xi32>, vector<16xi32>], vector<16xi32>,
    %swap3A_292 = arith.constant 12 : i32
    %swap3A_293 = arith.index_cast %swap3A_292 : i32 to index
    %swap3A_294 = arith.constant 0 : index
    %swap3A_295 = tpu.vector_load %arg7[%swap3A_293, %swap3A_294] {strides = array<i32>} : memref<16x16xi32, #tpu.memory_space<vmem>>, vector<16xi32>,
    tpu.vector_store %arg7[%swap3A_293, %swap3A_294], %add3A_290 {strides = array<i32>} : memref<16x16xi32, #tpu.memory_space<vmem>>, vector<16xi32>,
    %add3A_296 = arith.constant 112 : i32
    %add3A_297 = vector.broadcast %add3A_296 : i32 to vector<16xi32>
    %add3A_298 = arith.addi %iota3A, %add3A_297 : vector<16xi32>
    %get3A_299 = arith.constant 14 : i32
    %get3A_300 = arith.index_cast %get3A_299 : i32 to index
    %get3A_301 = arith.constant 0 : index
    %get3A_302 = tpu.vector_load %arg7[%get3A_300, %get3A_301] {strides = array<i32>} : memref<16x16xi32, #tpu.memory_space<vmem>>, vector<16xi32>,
    %get3A_303 = arith.constant 0 : i32
    %get3A_304 = arith.index_cast %get3A_303 : i32 to index
    %get3A_305 = arith.constant 112 : index
    %get3A_306 = tpu.vector_load %arg9[%get3A_304, %get3A_305] {strides = array<i32>} : memref<26x128xi32, #tpu.memory_space<vmem>>, vector<16xi32>,
    %add3A_307 = arith.constant 0 : i32
    %add3A_308 = vector.broadcast %add3A_307 : i32 to vector<16xi32>
    %add3A_309 = arith.addi %get3A_306, %add3A_308 : vector<16xi32>
    %ne3A_310 = arith.cmpi ne, %get3A_302, %add3A_309 : vector<16xi32>
    tpu.vector_store_idx %arg5[%get3A_302, %add3A_298], %broadcast_in_dim3A_5 masked %ne3A_310 : memref<200x128xi32, #tpu.memory_space<vmem>>[vector<16xi32>, vector<16xi32>], vector<16xi32>, vector<16xi1>
    tpu.vector_store_idx %arg5[%add3A_309, %add3A_298], %broadcast_in_dim3A_3 : memref<200x128xi32, #tpu.memory_space<vmem>>[vector<16xi32>, vector<16xi32>], vector<16xi32>,
    %swap3A_311 = arith.constant 14 : i32
    %swap3A_312 = arith.index_cast %swap3A_311 : i32 to index
    %swap3A_313 = arith.constant 0 : index
    %swap3A_314 = tpu.vector_load %arg7[%swap3A_312, %swap3A_313] {strides = array<i32>} : memref<16x16xi32, #tpu.memory_space<vmem>>, vector<16xi32>,
    tpu.vector_store %arg7[%swap3A_312, %swap3A_313], %add3A_309 {strides = array<i32>} : memref<16x16xi32, #tpu.memory_space<vmem>>, vector<16xi32>,
    %add3A_315 = arith.constant 0 : i32
    %add3A_316 = vector.broadcast %add3A_315 : i32 to vector<16xi32>
    %add3A_317 = arith.addi %iota3A, %add3A_316 : vector<16xi32>
    %get3A_318 = arith.constant 1 : i32
    %get3A_319 = arith.index_cast %get3A_318 : i32 to index
    %get3A_320 = arith.constant 0 : index
    %get3A_321 = tpu.vector_load %arg7[%get3A_319, %get3A_320] {strides = array<i32>} : memref<16x16xi32, #tpu.memory_space<vmem>>, vector<16xi32>,
    %get3A_322 = arith.constant 1 : i32
    %get3A_323 = arith.index_cast %get3A_322 : i32 to index
    %get3A_324 = arith.constant 0 : index
    %get3A_325 = tpu.vector_load %arg9[%get3A_323, %get3A_324] {strides = array<i32>} : memref<26x128xi32, #tpu.memory_space<vmem>>, vector<16xi32>,
    %add3A_326 = arith.constant 100 : i32
    %add3A_327 = vector.broadcast %add3A_326 : i32 to vector<16xi32>
    %add3A_328 = arith.addi %get3A_325, %add3A_327 : vector<16xi32>
    %ne3A_329 = arith.cmpi ne, %get3A_321, %add3A_328 : vector<16xi32>
    tpu.vector_store_idx %arg5[%get3A_321, %add3A_317], %broadcast_in_dim3A_5 masked %ne3A_329 : memref<200x128xi32, #tpu.memory_space<vmem>>[vector<16xi32>, vector<16xi32>], vector<16xi32>, vector<16xi1>
    tpu.vector_store_idx %arg5[%add3A_328, %add3A_317], %broadcast_in_dim3A_3 : memref<200x128xi32, #tpu.memory_space<vmem>>[vector<16xi32>, vector<16xi32>], vector<16xi32>,
    %swap3A_330 = arith.constant 1 : i32
    %swap3A_331 = arith.index_cast %swap3A_330 : i32 to index
    %swap3A_332 = arith.constant 0 : index
    %swap3A_333 = tpu.vector_load %arg7[%swap3A_331, %swap3A_332] {strides = array<i32>} : memref<16x16xi32, #tpu.memory_space<vmem>>, vector<16xi32>,
    tpu.vector_store %arg7[%swap3A_331, %swap3A_332], %add3A_328 {strides = array<i32>} : memref<16x16xi32, #tpu.memory_space<vmem>>, vector<16xi32>,
    %add3A_334 = arith.constant 16 : i32
    %add3A_335 = vector.broadcast %add3A_334 : i32 to vector<16xi32>
    %add3A_336 = arith.addi %iota3A, %add3A_335 : vector<16xi32>
    %get3A_337 = arith.constant 3 : i32
    %get3A_338 = arith.index_cast %get3A_337 : i32 to index
    %get3A_339 = arith.constant 0 : index
    %get3A_340 = tpu.vector_load %arg7[%get3A_338, %get3A_339] {strides = array<i32>} : memref<16x16xi32, #tpu.memory_space<vmem>>, vector<16xi32>,
    %get3A_341 = arith.constant 1 : i32
    %get3A_342 = arith.index_cast %get3A_341 : i32 to index
    %get3A_343 = arith.constant 16 : index
    %get3A_344 = tpu.vector_load %arg9[%get3A_342, %get3A_343] {strides = array<i32>} : memref<26x128xi32, #tpu.memory_space<vmem>>, vector<16xi32>,
    %add3A_345 = arith.constant 100 : i32
    %add3A_346 = vector.broadcast %add3A_345 : i32 to vector<16xi32>
    %add3A_347 = arith.addi %get3A_344, %add3A_346 : vector<16xi32>
    %ne3A_348 = arith.cmpi ne, %get3A_340, %add3A_347 : vector<16xi32>
    tpu.vector_store_idx %arg5[%get3A_340, %add3A_336], %broadcast_in_dim3A_5 masked %ne3A_348 : memref<200x128xi32, #tpu.memory_space<vmem>>[vector<16xi32>, vector<16xi32>], vector<16xi32>, vector<16xi1>
    tpu.vector_store_idx %arg5[%add3A_347, %add3A_336], %broadcast_in_dim3A_3 : memref<200x128xi32, #tpu.memory_space<vmem>>[vector<16xi32>, vector<16xi32>], vector<16xi32>,
    %swap3A_349 = arith.constant 3 : i32
    %swap3A_350 = arith.index_cast %swap3A_349 : i32 to index
    %swap3A_351 = arith.constant 0 : index
    %swap3A_352 = tpu.vector_load %arg7[%swap3A_350, %swap3A_351] {strides = array<i32>} : memref<16x16xi32, #tpu.memory_space<vmem>>, vector<16xi32>,
    tpu.vector_store %arg7[%swap3A_350, %swap3A_351], %add3A_347 {strides = array<i32>} : memref<16x16xi32, #tpu.memory_space<vmem>>, vector<16xi32>,
    %add3A_353 = arith.constant 32 : i32
    %add3A_354 = vector.broadcast %add3A_353 : i32 to vector<16xi32>
    %add3A_355 = arith.addi %iota3A, %add3A_354 : vector<16xi32>
    %get3A_356 = arith.constant 5 : i32
    %get3A_357 = arith.index_cast %get3A_356 : i32 to index
    %get3A_358 = arith.constant 0 : index
    %get3A_359 = tpu.vector_load %arg7[%get3A_357, %get3A_358] {strides = array<i32>} : memref<16x16xi32, #tpu.memory_space<vmem>>, vector<16xi32>,
    %get3A_360 = arith.constant 1 : i32
    %get3A_361 = arith.index_cast %get3A_360 : i32 to index
    %get3A_362 = arith.constant 32 : index
    %get3A_363 = tpu.vector_load %arg9[%get3A_361, %get3A_362] {strides = array<i32>} : memref<26x128xi32, #tpu.memory_space<vmem>>, vector<16xi32>,
    %add3A_364 = arith.constant 100 : i32
    %add3A_365 = vector.broadcast %add3A_364 : i32 to vector<16xi32>
    %add3A_366 = arith.addi %get3A_363, %add3A_365 : vector<16xi32>
    %ne3A_367 = arith.cmpi ne, %get3A_359, %add3A_366 : vector<16xi32>
    tpu.vector_store_idx %arg5[%get3A_359, %add3A_355], %broadcast_in_dim3A_5 masked %ne3A_367 : memref<200x128xi32, #tpu.memory_space<vmem>>[vector<16xi32>, vector<16xi32>], vector<16xi32>, vector<16xi1>
    tpu.vector_store_idx %arg5[%add3A_366, %add3A_355], %broadcast_in_dim3A_3 : memref<200x128xi32, #tpu.memory_space<vmem>>[vector<16xi32>, vector<16xi32>], vector<16xi32>,
    %swap3A_368 = arith.constant 5 : i32
    %swap3A_369 = arith.index_cast %swap3A_368 : i32 to index
    %swap3A_370 = arith.constant 0 : index
    %swap3A_371 = tpu.vector_load %arg7[%swap3A_369, %swap3A_370] {strides = array<i32>} : memref<16x16xi32, #tpu.memory_space<vmem>>, vector<16xi32>,
    tpu.vector_store %arg7[%swap3A_369, %swap3A_370], %add3A_366 {strides = array<i32>} : memref<16x16xi32, #tpu.memory_space<vmem>>, vector<16xi32>,
    %add3A_372 = arith.constant 48 : i32
    %add3A_373 = vector.broadcast %add3A_372 : i32 to vector<16xi32>
    %add3A_374 = arith.addi %iota3A, %add3A_373 : vector<16xi32>
    %get3A_375 = arith.constant 7 : i32
    %get3A_376 = arith.index_cast %get3A_375 : i32 to index
    %get3A_377 = arith.constant 0 : index
    %get3A_378 = tpu.vector_load %arg7[%get3A_376, %get3A_377] {strides = array<i32>} : memref<16x16xi32, #tpu.memory_space<vmem>>, vector<16xi32>,
    %get3A_379 = arith.constant 1 : i32
    %get3A_380 = arith.index_cast %get3A_379 : i32 to index
    %get3A_381 = arith.constant 48 : index
    %get3A_382 = tpu.vector_load %arg9[%get3A_380, %get3A_381] {strides = array<i32>} : memref<26x128xi32, #tpu.memory_space<vmem>>, vector<16xi32>,
    %add3A_383 = arith.constant 100 : i32
    %add3A_384 = vector.broadcast %add3A_383 : i32 to vector<16xi32>
    %add3A_385 = arith.addi %get3A_382, %add3A_384 : vector<16xi32>
    %ne3A_386 = arith.cmpi ne, %get3A_378, %add3A_385 : vector<16xi32>
    tpu.vector_store_idx %arg5[%get3A_378, %add3A_374], %broadcast_in_dim3A_5 masked %ne3A_386 : memref<200x128xi32, #tpu.memory_space<vmem>>[vector<16xi32>, vector<16xi32>], vector<16xi32>, vector<16xi1>
    tpu.vector_store_idx %arg5[%add3A_385, %add3A_374], %broadcast_in_dim3A_3 : memref<200x128xi32, #tpu.memory_space<vmem>>[vector<16xi32>, vector<16xi32>], vector<16xi32>,
    %swap3A_387 = arith.constant 7 : i32
    %swap3A_388 = arith.index_cast %swap3A_387 : i32 to index
    %swap3A_389 = arith.constant 0 : index
    %swap3A_390 = tpu.vector_load %arg7[%swap3A_388, %swap3A_389] {strides = array<i32>} : memref<16x16xi32, #tpu.memory_space<vmem>>, vector<16xi32>,
    tpu.vector_store %arg7[%swap3A_388, %swap3A_389], %add3A_385 {strides = array<i32>} : memref<16x16xi32, #tpu.memory_space<vmem>>, vector<16xi32>,
    %add3A_391 = arith.constant 64 : i32
    %add3A_392 = vector.broadcast %add3A_391 : i32 to vector<16xi32>
    %add3A_393 = arith.addi %iota3A, %add3A_392 : vector<16xi32>
    %get3A_394 = arith.constant 9 : i32
    %get3A_395 = arith.index_cast %get3A_394 : i32 to index
    %get3A_396 = arith.constant 0 : index
    %get3A_397 = tpu.vector_load %arg7[%get3A_395, %get3A_396] {strides = array<i32>} : memref<16x16xi32, #tpu.memory_space<vmem>>, vector<16xi32>,
    %get3A_398 = arith.constant 1 : i32
    %get3A_399 = arith.index_cast %get3A_398 : i32 to index
    %get3A_400 = arith.constant 64 : index
    %get3A_401 = tpu.vector_load %arg9[%get3A_399, %get3A_400] {strides = array<i32>} : memref<26x128xi32, #tpu.memory_space<vmem>>, vector<16xi32>,
    %add3A_402 = arith.constant 100 : i32
    %add3A_403 = vector.broadcast %add3A_402 : i32 to vector<16xi32>
    %add3A_404 = arith.addi %get3A_401, %add3A_403 : vector<16xi32>
    %ne3A_405 = arith.cmpi ne, %get3A_397, %add3A_404 : vector<16xi32>
    tpu.vector_store_idx %arg5[%get3A_397, %add3A_393], %broadcast_in_dim3A_5 masked %ne3A_405 : memref<200x128xi32, #tpu.memory_space<vmem>>[vector<16xi32>, vector<16xi32>], vector<16xi32>, vector<16xi1>
    tpu.vector_store_idx %arg5[%add3A_404, %add3A_393], %broadcast_in_dim3A_3 : memref<200x128xi32, #tpu.memory_space<vmem>>[vector<16xi32>, vector<16xi32>], vector<16xi32>,
    %swap3A_406 = arith.constant 9 : i32
    %swap3A_407 = arith.index_cast %swap3A_406 : i32 to index
    %swap3A_408 = arith.constant 0 : index
    %swap3A_409 = tpu.vector_load %arg7[%swap3A_407, %swap3A_408] {strides = array<i32>} : memref<16x16xi32, #tpu.memory_space<vmem>>, vector<16xi32>,
    tpu.vector_store %arg7[%swap3A_407, %swap3A_408], %add3A_404 {strides = array<i32>} : memref<16x16xi32, #tpu.memory_space<vmem>>, vector<16xi32>,
    %add3A_410 = arith.constant 80 : i32
    %add3A_411 = vector.broadcast %add3A_410 : i32 to vector<16xi32>
    %add3A_412 = arith.addi %iota3A, %add3A_411 : vector<16xi32>
    %get3A_413 = arith.constant 11 : i32
    %get3A_414 = arith.index_cast %get3A_413 : i32 to index
    %get3A_415 = arith.constant 0 : index
    %get3A_416 = tpu.vector_load %arg7[%get3A_414, %get3A_415] {strides = array<i32>} : memref<16x16xi32, #tpu.memory_space<vmem>>, vector<16xi32>,
    %get3A_417 = arith.constant 1 : i32
    %get3A_418 = arith.index_cast %get3A_417 : i32 to index
    %get3A_419 = arith.constant 80 : index
    %get3A_420 = tpu.vector_load %arg9[%get3A_418, %get3A_419] {strides = array<i32>} : memref<26x128xi32, #tpu.memory_space<vmem>>, vector<16xi32>,
    %add3A_421 = arith.constant 100 : i32
    %add3A_422 = vector.broadcast %add3A_421 : i32 to vector<16xi32>
    %add3A_423 = arith.addi %get3A_420, %add3A_422 : vector<16xi32>
    %ne3A_424 = arith.cmpi ne, %get3A_416, %add3A_423 : vector<16xi32>
    tpu.vector_store_idx %arg5[%get3A_416, %add3A_412], %broadcast_in_dim3A_5 masked %ne3A_424 : memref<200x128xi32, #tpu.memory_space<vmem>>[vector<16xi32>, vector<16xi32>], vector<16xi32>, vector<16xi1>
    tpu.vector_store_idx %arg5[%add3A_423, %add3A_412], %broadcast_in_dim3A_3 : memref<200x128xi32, #tpu.memory_space<vmem>>[vector<16xi32>, vector<16xi32>], vector<16xi32>,
    %swap3A_425 = arith.constant 11 : i32
    %swap3A_426 = arith.index_cast %swap3A_425 : i32 to index
    %swap3A_427 = arith.constant 0 : index
    %swap3A_428 = tpu.vector_load %arg7[%swap3A_426, %swap3A_427] {strides = array<i32>} : memref<16x16xi32, #tpu.memory_space<vmem>>, vector<16xi32>,
    tpu.vector_store %arg7[%swap3A_426, %swap3A_427], %add3A_423 {strides = array<i32>} : memref<16x16xi32, #tpu.memory_space<vmem>>, vector<16xi32>,
    %add3A_429 = arith.constant 96 : i32
    %add3A_430 = vector.broadcast %add3A_429 : i32 to vector<16xi32>
    %add3A_431 = arith.addi %iota3A, %add3A_430 : vector<16xi32>
    %get3A_432 = arith.constant 13 : i32
    %get3A_433 = arith.index_cast %get3A_432 : i32 to index
    %get3A_434 = arith.constant 0 : index
    %get3A_435 = tpu.vector_load %arg7[%get3A_433, %get3A_434] {strides = array<i32>} : memref<16x16xi32, #tpu.memory_space<vmem>>, vector<16xi32>,
    %get3A_436 = arith.constant 1 : i32
    %get3A_437 = arith.index_cast %get3A_436 : i32 to index
    %get3A_438 = arith.constant 96 : index
    %get3A_439 = tpu.vector_load %arg9[%get3A_437, %get3A_438] {strides = array<i32>} : memref<26x128xi32, #tpu.memory_space<vmem>>, vector<16xi32>,
    %add3A_440 = arith.constant 100 : i32
    %add3A_441 = vector.broadcast %add3A_440 : i32 to vector<16xi32>
    %add3A_442 = arith.addi %get3A_439, %add3A_441 : vector<16xi32>
    %ne3A_443 = arith.cmpi ne, %get3A_435, %add3A_442 : vector<16xi32>
    tpu.vector_store_idx %arg5[%get3A_435, %add3A_431], %broadcast_in_dim3A_5 masked %ne3A_443 : memref<200x128xi32, #tpu.memory_space<vmem>>[vector<16xi32>, vector<16xi32>], vector<16xi32>, vector<16xi1>
    tpu.vector_store_idx %arg5[%add3A_442, %add3A_431], %broadcast_in_dim3A_3 : memref<200x128xi32, #tpu.memory_space<vmem>>[vector<16xi32>, vector<16xi32>], vector<16xi32>,
    %swap3A_444 = arith.constant 13 : i32
    %swap3A_445 = arith.index_cast %swap3A_444 : i32 to index
    %swap3A_446 = arith.constant 0 : index
    %swap3A_447 = tpu.vector_load %arg7[%swap3A_445, %swap3A_446] {strides = array<i32>} : memref<16x16xi32, #tpu.memory_space<vmem>>, vector<16xi32>,
    tpu.vector_store %arg7[%swap3A_445, %swap3A_446], %add3A_442 {strides = array<i32>} : memref<16x16xi32, #tpu.memory_space<vmem>>, vector<16xi32>,
    %add3A_448 = arith.constant 112 : i32
    %add3A_449 = vector.broadcast %add3A_448 : i32 to vector<16xi32>
    %add3A_450 = arith.addi %iota3A, %add3A_449 : vector<16xi32>
    %get3A_451 = arith.constant 15 : i32
    %get3A_452 = arith.index_cast %get3A_451 : i32 to index
    %get3A_453 = arith.constant 0 : index
    %get3A_454 = tpu.vector_load %arg7[%get3A_452, %get3A_453] {strides = array<i32>} : memref<16x16xi32, #tpu.memory_space<vmem>>, vector<16xi32>,
    %get3A_455 = arith.constant 1 : i32
    %get3A_456 = arith.index_cast %get3A_455 : i32 to index
    %get3A_457 = arith.constant 112 : index
    %get3A_458 = tpu.vector_load %arg9[%get3A_456, %get3A_457] {strides = array<i32>} : memref<26x128xi32, #tpu.memory_space<vmem>>, vector<16xi32>,
    %add3A_459 = arith.constant 100 : i32
    %add3A_460 = vector.broadcast %add3A_459 : i32 to vector<16xi32>
    %add3A_461 = arith.addi %get3A_458, %add3A_460 : vector<16xi32>
    %ne3A_462 = arith.cmpi ne, %get3A_454, %add3A_461 : vector<16xi32>
    tpu.vector_store_idx %arg5[%get3A_454, %add3A_450], %broadcast_in_dim3A_5 masked %ne3A_462 : memref<200x128xi32, #tpu.memory_space<vmem>>[vector<16xi32>, vector<16xi32>], vector<16xi32>, vector<16xi1>
    tpu.vector_store_idx %arg5[%add3A_461, %add3A_450], %broadcast_in_dim3A_3 : memref<200x128xi32, #tpu.memory_space<vmem>>[vector<16xi32>, vector<16xi32>], vector<16xi32>,
    %swap3A_463 = arith.constant 15 : i32
    %swap3A_464 = arith.index_cast %swap3A_463 : i32 to index
    %swap3A_465 = arith.constant 0 : index
    %swap3A_466 = tpu.vector_load %arg7[%swap3A_464, %swap3A_465] {strides = array<i32>} : memref<16x16xi32, #tpu.memory_space<vmem>>, vector<16xi32>,
    tpu.vector_store %arg7[%swap3A_464, %swap3A_465], %add3A_461 {strides = array<i32>} : memref<16x16xi32, #tpu.memory_space<vmem>>, vector<16xi32>,
    %dma_start3A = arith.constant 0 : i32
    %dma_start3A_467 = tpu.memref_slice %arg4[%dma_start3A, %mul3A_2] : memref<2600x16384xi32, #tpu.memory_space<hbm>> -> memref<200x128xi32, #tpu.memory_space<hbm>>
    %dma_start3A_468 = arith.constant 0 : i32
    %dma_start3A_469 = tpu.memref_slice %arg4[%dma_start3A_468, %mul3A_2] : memref<2600x16384xi32, #tpu.memory_space<hbm>> -> memref<200x128xi32, #tpu.memory_space<hbm>>
    tpu.enqueue_dma source(%arg5 : memref<200x128xi32, #tpu.memory_space<vmem>>) target(%dma_start3A_469 : memref<200x128xi32, #tpu.memory_space<hbm>>) target_semaphore(%arg10 : memref<!tpu.dma_semaphore, #tpu.memory_space<semaphore_mem>>)
    %add3A_470 = arith.constant 0 : i32
    %add3A_471 = vector.broadcast %add3A_470 : i32 to vector<16xi32>
    %add3A_472 = arith.addi %iota3A, %add3A_471 : vector<16xi32>
    %get3A_473 = arith.constant 0 : i32
    %get3A_474 = arith.index_cast %get3A_473 : i32 to index
    %get3A_475 = arith.constant 0 : index
    %get3A_476 = tpu.vector_load %arg8[%get3A_474, %get3A_475] {strides = array<i32>} : memref<16x16xi32, #tpu.memory_space<vmem>>, vector<16xi32>,
    %get3A_477 = arith.constant 2 : i32
    %get3A_478 = arith.index_cast %get3A_477 : i32 to index
    %get3A_479 = arith.constant 0 : index
    %get3A_480 = tpu.vector_load %arg9[%get3A_478, %get3A_479] {strides = array<i32>} : memref<26x128xi32, #tpu.memory_space<vmem>>, vector<16xi32>,
    %add3A_481 = arith.constant 0 : i32
    %add3A_482 = vector.broadcast %add3A_481 : i32 to vector<16xi32>
    %add3A_483 = arith.addi %get3A_480, %add3A_482 : vector<16xi32>
    %ne3A_484 = arith.cmpi ne, %get3A_476, %add3A_483 : vector<16xi32>
    tpu.vector_store_idx %arg6[%get3A_476, %add3A_472], %broadcast_in_dim3A_5 masked %ne3A_484 : memref<200x128xi32, #tpu.memory_space<vmem>>[vector<16xi32>, vector<16xi32>], vector<16xi32>, vector<16xi1>
    tpu.vector_store_idx %arg6[%add3A_483, %add3A_472], %broadcast_in_dim3A_3 : memref<200x128xi32, #tpu.memory_space<vmem>>[vector<16xi32>, vector<16xi32>], vector<16xi32>,
    %swap3A_485 = arith.constant 0 : i32
    %swap3A_486 = arith.index_cast %swap3A_485 : i32 to index
    %swap3A_487 = arith.constant 0 : index
    %swap3A_488 = tpu.vector_load %arg8[%swap3A_486, %swap3A_487] {strides = array<i32>} : memref<16x16xi32, #tpu.memory_space<vmem>>, vector<16xi32>,
    tpu.vector_store %arg8[%swap3A_486, %swap3A_487], %add3A_483 {strides = array<i32>} : memref<16x16xi32, #tpu.memory_space<vmem>>, vector<16xi32>,
    %add3A_489 = arith.constant 16 : i32
    %add3A_490 = vector.broadcast %add3A_489 : i32 to vector<16xi32>
    %add3A_491 = arith.addi %iota3A, %add3A_490 : vector<16xi32>
    %get3A_492 = arith.constant 2 : i32
    %get3A_493 = arith.index_cast %get3A_492 : i32 to index
    %get3A_494 = arith.constant 0 : index
    %get3A_495 = tpu.vector_load %arg8[%get3A_493, %get3A_494] {strides = array<i32>} : memref<16x16xi32, #tpu.memory_space<vmem>>, vector<16xi32>,
    %get3A_496 = arith.constant 2 : i32
    %get3A_497 = arith.index_cast %get3A_496 : i32 to index
    %get3A_498 = arith.constant 16 : index
    %get3A_499 = tpu.vector_load %arg9[%get3A_497, %get3A_498] {strides = array<i32>} : memref<26x128xi32, #tpu.memory_space<vmem>>, vector<16xi32>,
    %add3A_500 = arith.constant 0 : i32
    %add3A_501 = vector.broadcast %add3A_500 : i32 to vector<16xi32>
    %add3A_502 = arith.addi %get3A_499, %add3A_501 : vector<16xi32>
    %ne3A_503 = arith.cmpi ne, %get3A_495, %add3A_502 : vector<16xi32>
    tpu.vector_store_idx %arg6[%get3A_495, %add3A_491], %broadcast_in_dim3A_5 masked %ne3A_503 : memref<200x128xi32, #tpu.memory_space<vmem>>[vector<16xi32>, vector<16xi32>], vector<16xi32>, vector<16xi1>
    tpu.vector_store_idx %arg6[%add3A_502, %add3A_491], %broadcast_in_dim3A_3 : memref<200x128xi32, #tpu.memory_space<vmem>>[vector<16xi32>, vector<16xi32>], vector<16xi32>,
    %swap3A_504 = arith.constant 2 : i32
    %swap3A_505 = arith.index_cast %swap3A_504 : i32 to index
    %swap3A_506 = arith.constant 0 : index
    %swap3A_507 = tpu.vector_load %arg8[%swap3A_505, %swap3A_506] {strides = array<i32>} : memref<16x16xi32, #tpu.memory_space<vmem>>, vector<16xi32>,
    tpu.vector_store %arg8[%swap3A_505, %swap3A_506], %add3A_502 {strides = array<i32>} : memref<16x16xi32, #tpu.memory_space<vmem>>, vector<16xi32>,
    %add3A_508 = arith.constant 32 : i32
    %add3A_509 = vector.broadcast %add3A_508 : i32 to vector<16xi32>
    %add3A_510 = arith.addi %iota3A, %add3A_509 : vector<16xi32>
    %get3A_511 = arith.constant 4 : i32
    %get3A_512 = arith.index_cast %get3A_511 : i32 to index
    %get3A_513 = arith.constant 0 : index
    %get3A_514 = tpu.vector_load %arg8[%get3A_512, %get3A_513] {strides = array<i32>} : memref<16x16xi32, #tpu.memory_space<vmem>>, vector<16xi32>,
    %get3A_515 = arith.constant 2 : i32
    %get3A_516 = arith.index_cast %get3A_515 : i32 to index
    %get3A_517 = arith.constant 32 : index
    %get3A_518 = tpu.vector_load %arg9[%get3A_516, %get3A_517] {strides = array<i32>} : memref<26x128xi32, #tpu.memory_space<vmem>>, vector<16xi32>,
    %add3A_519 = arith.constant 0 : i32
    %add3A_520 = vector.broadcast %add3A_519 : i32 to vector<16xi32>
    %add3A_521 = arith.addi %get3A_518, %add3A_520 : vector<16xi32>
    %ne3A_522 = arith.cmpi ne, %get3A_514, %add3A_521 : vector<16xi32>
    tpu.vector_store_idx %arg6[%get3A_514, %add3A_510], %broadcast_in_dim3A_5 masked %ne3A_522 : memref<200x128xi32, #tpu.memory_space<vmem>>[vector<16xi32>, vector<16xi32>], vector<16xi32>, vector<16xi1>
    tpu.vector_store_idx %arg6[%add3A_521, %add3A_510], %broadcast_in_dim3A_3 : memref<200x128xi32, #tpu.memory_space<vmem>>[vector<16xi32>, vector<16xi32>], vector<16xi32>,
    %swap3A_523 = arith.constant 4 : i32
    %swap3A_524 = arith.index_cast %swap3A_523 : i32 to index
    %swap3A_525 = arith.constant 0 : index
    %swap3A_526 = tpu.vector_load %arg8[%swap3A_524, %swap3A_525] {strides = array<i32>} : memref<16x16xi32, #tpu.memory_space<vmem>>, vector<16xi32>,
    tpu.vector_store %arg8[%swap3A_524, %swap3A_525], %add3A_521 {strides = array<i32>} : memref<16x16xi32, #tpu.memory_space<vmem>>, vector<16xi32>,
    %add3A_527 = arith.constant 48 : i32
    %add3A_528 = vector.broadcast %add3A_527 : i32 to vector<16xi32>
    %add3A_529 = arith.addi %iota3A, %add3A_528 : vector<16xi32>
    %get3A_530 = arith.constant 6 : i32
    %get3A_531 = arith.index_cast %get3A_530 : i32 to index
    %get3A_532 = arith.constant 0 : index
    %get3A_533 = tpu.vector_load %arg8[%get3A_531, %get3A_532] {strides = array<i32>} : memref<16x16xi32, #tpu.memory_space<vmem>>, vector<16xi32>,
    %get3A_534 = arith.constant 2 : i32
    %get3A_535 = arith.index_cast %get3A_534 : i32 to index
    %get3A_536 = arith.constant 48 : index
    %get3A_537 = tpu.vector_load %arg9[%get3A_535, %get3A_536] {strides = array<i32>} : memref<26x128xi32, #tpu.memory_space<vmem>>, vector<16xi32>,
    %add3A_538 = arith.constant 0 : i32
    %add3A_539 = vector.broadcast %add3A_538 : i32 to vector<16xi32>
    %add3A_540 = arith.addi %get3A_537, %add3A_539 : vector<16xi32>
    %ne3A_541 = arith.cmpi ne, %get3A_533, %add3A_540 : vector<16xi32>
    tpu.vector_store_idx %arg6[%get3A_533, %add3A_529], %broadcast_in_dim3A_5 masked %ne3A_541 : memref<200x128xi32, #tpu.memory_space<vmem>>[vector<16xi32>, vector<16xi32>], vector<16xi32>, vector<16xi1>
    tpu.vector_store_idx %arg6[%add3A_540, %add3A_529], %broadcast_in_dim3A_3 : memref<200x128xi32, #tpu.memory_space<vmem>>[vector<16xi32>, vector<16xi32>], vector<16xi32>,
    %swap3A_542 = arith.constant 6 : i32
    %swap3A_543 = arith.index_cast %swap3A_542 : i32 to index
    %swap3A_544 = arith.constant 0 : index
    %swap3A_545 = tpu.vector_load %arg8[%swap3A_543, %swap3A_544] {strides = array<i32>} : memref<16x16xi32, #tpu.memory_space<vmem>>, vector<16xi32>,
    tpu.vector_store %arg8[%swap3A_543, %swap3A_544], %add3A_540 {strides = array<i32>} : memref<16x16xi32, #tpu.memory_space<vmem>>, vector<16xi32>,
    %add3A_546 = arith.constant 64 : i32
    %add3A_547 = vector.broadcast %add3A_546 : i32 to vector<16xi32>
    %add3A_548 = arith.addi %iota3A, %add3A_547 : vector<16xi32>
    %get3A_549 = arith.constant 8 : i32
    %get3A_550 = arith.index_cast %get3A_549 : i32 to index
    %get3A_551 = arith.constant 0 : index
    %get3A_552 = tpu.vector_load %arg8[%get3A_550, %get3A_551] {strides = array<i32>} : memref<16x16xi32, #tpu.memory_space<vmem>>, vector<16xi32>,
    %get3A_553 = arith.constant 2 : i32
    %get3A_554 = arith.index_cast %get3A_553 : i32 to index
    %get3A_555 = arith.constant 64 : index
    %get3A_556 = tpu.vector_load %arg9[%get3A_554, %get3A_555] {strides = array<i32>} : memref<26x128xi32, #tpu.memory_space<vmem>>, vector<16xi32>,
    %add3A_557 = arith.constant 0 : i32
    %add3A_558 = vector.broadcast %add3A_557 : i32 to vector<16xi32>
    %add3A_559 = arith.addi %get3A_556, %add3A_558 : vector<16xi32>
    %ne3A_560 = arith.cmpi ne, %get3A_552, %add3A_559 : vector<16xi32>
    tpu.vector_store_idx %arg6[%get3A_552, %add3A_548], %broadcast_in_dim3A_5 masked %ne3A_560 : memref<200x128xi32, #tpu.memory_space<vmem>>[vector<16xi32>, vector<16xi32>], vector<16xi32>, vector<16xi1>
    tpu.vector_store_idx %arg6[%add3A_559, %add3A_548], %broadcast_in_dim3A_3 : memref<200x128xi32, #tpu.memory_space<vmem>>[vector<16xi32>, vector<16xi32>], vector<16xi32>,
    %swap3A_561 = arith.constant 8 : i32
    %swap3A_562 = arith.index_cast %swap3A_561 : i32 to index
    %swap3A_563 = arith.constant 0 : index
    %swap3A_564 = tpu.vector_load %arg8[%swap3A_562, %swap3A_563] {strides = array<i32>} : memref<16x16xi32, #tpu.memory_space<vmem>>, vector<16xi32>,
    tpu.vector_store %arg8[%swap3A_562, %swap3A_563], %add3A_559 {strides = array<i32>} : memref<16x16xi32, #tpu.memory_space<vmem>>, vector<16xi32>,
    %add3A_565 = arith.constant 80 : i32
    %add3A_566 = vector.broadcast %add3A_565 : i32 to vector<16xi32>
    %add3A_567 = arith.addi %iota3A, %add3A_566 : vector<16xi32>
    %get3A_568 = arith.constant 10 : i32
    %get3A_569 = arith.index_cast %get3A_568 : i32 to index
    %get3A_570 = arith.constant 0 : index
    %get3A_571 = tpu.vector_load %arg8[%get3A_569, %get3A_570] {strides = array<i32>} : memref<16x16xi32, #tpu.memory_space<vmem>>, vector<16xi32>,
    %get3A_572 = arith.constant 2 : i32
    %get3A_573 = arith.index_cast %get3A_572 : i32 to index
    %get3A_574 = arith.constant 80 : index
    %get3A_575 = tpu.vector_load %arg9[%get3A_573, %get3A_574] {strides = array<i32>} : memref<26x128xi32, #tpu.memory_space<vmem>>, vector<16xi32>,
    %add3A_576 = arith.constant 0 : i32
    %add3A_577 = vector.broadcast %add3A_576 : i32 to vector<16xi32>
    %add3A_578 = arith.addi %get3A_575, %add3A_577 : vector<16xi32>
    %ne3A_579 = arith.cmpi ne, %get3A_571, %add3A_578 : vector<16xi32>
    tpu.vector_store_idx %arg6[%get3A_571, %add3A_567], %broadcast_in_dim3A_5 masked %ne3A_579 : memref<200x128xi32, #tpu.memory_space<vmem>>[vector<16xi32>, vector<16xi32>], vector<16xi32>, vector<16xi1>
    tpu.vector_store_idx %arg6[%add3A_578, %add3A_567], %broadcast_in_dim3A_3 : memref<200x128xi32, #tpu.memory_space<vmem>>[vector<16xi32>, vector<16xi32>], vector<16xi32>,
    %swap3A_580 = arith.constant 10 : i32
    %swap3A_581 = arith.index_cast %swap3A_580 : i32 to index
    %swap3A_582 = arith.constant 0 : index
    %swap3A_583 = tpu.vector_load %arg8[%swap3A_581, %swap3A_582] {strides = array<i32>} : memref<16x16xi32, #tpu.memory_space<vmem>>, vector<16xi32>,
    tpu.vector_store %arg8[%swap3A_581, %swap3A_582], %add3A_578 {strides = array<i32>} : memref<16x16xi32, #tpu.memory_space<vmem>>, vector<16xi32>,
    %add3A_584 = arith.constant 96 : i32
    %add3A_585 = vector.broadcast %add3A_584 : i32 to vector<16xi32>
    %add3A_586 = arith.addi %iota3A, %add3A_585 : vector<16xi32>
    %get3A_587 = arith.constant 12 : i32
    %get3A_588 = arith.index_cast %get3A_587 : i32 to index
    %get3A_589 = arith.constant 0 : index
    %get3A_590 = tpu.vector_load %arg8[%get3A_588, %get3A_589] {strides = array<i32>} : memref<16x16xi32, #tpu.memory_space<vmem>>, vector<16xi32>,
    %get3A_591 = arith.constant 2 : i32
    %get3A_592 = arith.index_cast %get3A_591 : i32 to index
    %get3A_593 = arith.constant 96 : index
    %get3A_594 = tpu.vector_load %arg9[%get3A_592, %get3A_593] {strides = array<i32>} : memref<26x128xi32, #tpu.memory_space<vmem>>, vector<16xi32>,
    %add3A_595 = arith.constant 0 : i32
    %add3A_596 = vector.broadcast %add3A_595 : i32 to vector<16xi32>
    %add3A_597 = arith.addi %get3A_594, %add3A_596 : vector<16xi32>
    %ne3A_598 = arith.cmpi ne, %get3A_590, %add3A_597 : vector<16xi32>
    tpu.vector_store_idx %arg6[%get3A_590, %add3A_586], %broadcast_in_dim3A_5 masked %ne3A_598 : memref<200x128xi32, #tpu.memory_space<vmem>>[vector<16xi32>, vector<16xi32>], vector<16xi32>, vector<16xi1>
    tpu.vector_store_idx %arg6[%add3A_597, %add3A_586], %broadcast_in_dim3A_3 : memref<200x128xi32, #tpu.memory_space<vmem>>[vector<16xi32>, vector<16xi32>], vector<16xi32>,
    %swap3A_599 = arith.constant 12 : i32
    %swap3A_600 = arith.index_cast %swap3A_599 : i32 to index
    %swap3A_601 = arith.constant 0 : index
    %swap3A_602 = tpu.vector_load %arg8[%swap3A_600, %swap3A_601] {strides = array<i32>} : memref<16x16xi32, #tpu.memory_space<vmem>>, vector<16xi32>,
    tpu.vector_store %arg8[%swap3A_600, %swap3A_601], %add3A_597 {strides = array<i32>} : memref<16x16xi32, #tpu.memory_space<vmem>>, vector<16xi32>,
    %add3A_603 = arith.constant 112 : i32
    %add3A_604 = vector.broadcast %add3A_603 : i32 to vector<16xi32>
    %add3A_605 = arith.addi %iota3A, %add3A_604 : vector<16xi32>
    %get3A_606 = arith.constant 14 : i32
    %get3A_607 = arith.index_cast %get3A_606 : i32 to index
    %get3A_608 = arith.constant 0 : index
    %get3A_609 = tpu.vector_load %arg8[%get3A_607, %get3A_608] {strides = array<i32>} : memref<16x16xi32, #tpu.memory_space<vmem>>, vector<16xi32>,
    %get3A_610 = arith.constant 2 : i32
    %get3A_611 = arith.index_cast %get3A_610 : i32 to index
    %get3A_612 = arith.constant 112 : index
    %get3A_613 = tpu.vector_load %arg9[%get3A_611, %get3A_612] {strides = array<i32>} : memref<26x128xi32, #tpu.memory_space<vmem>>, vector<16xi32>,
    %add3A_614 = arith.constant 0 : i32
    %add3A_615 = vector.broadcast %add3A_614 : i32 to vector<16xi32>
    %add3A_616 = arith.addi %get3A_613, %add3A_615 : vector<16xi32>
    %ne3A_617 = arith.cmpi ne, %get3A_609, %add3A_616 : vector<16xi32>
    tpu.vector_store_idx %arg6[%get3A_609, %add3A_605], %broadcast_in_dim3A_5 masked %ne3A_617 : memref<200x128xi32, #tpu.memory_space<vmem>>[vector<16xi32>, vector<16xi32>], vector<16xi32>, vector<16xi1>
    tpu.vector_store_idx %arg6[%add3A_616, %add3A_605], %broadcast_in_dim3A_3 : memref<200x128xi32, #tpu.memory_space<vmem>>[vector<16xi32>, vector<16xi32>], vector<16xi32>,
    %swap3A_618 = arith.constant 14 : i32
    %swap3A_619 = arith.index_cast %swap3A_618 : i32 to index
    %swap3A_620 = arith.constant 0 : index
    %swap3A_621 = tpu.vector_load %arg8[%swap3A_619, %swap3A_620] {strides = array<i32>} : memref<16x16xi32, #tpu.memory_space<vmem>>, vector<16xi32>,
    tpu.vector_store %arg8[%swap3A_619, %swap3A_620], %add3A_616 {strides = array<i32>} : memref<16x16xi32, #tpu.memory_space<vmem>>, vector<16xi32>,
    %add3A_622 = arith.constant 0 : i32
    %add3A_623 = vector.broadcast %add3A_622 : i32 to vector<16xi32>
    %add3A_624 = arith.addi %iota3A, %add3A_623 : vector<16xi32>
    %get3A_625 = arith.constant 1 : i32
    %get3A_626 = arith.index_cast %get3A_625 : i32 to index
    %get3A_627 = arith.constant 0 : index
    %get3A_628 = tpu.vector_load %arg8[%get3A_626, %get3A_627] {strides = array<i32>} : memref<16x16xi32, #tpu.memory_space<vmem>>, vector<16xi32>,
    %get3A_629 = arith.constant 3 : i32
    %get3A_630 = arith.index_cast %get3A_629 : i32 to index
    %get3A_631 = arith.constant 0 : index
    %get3A_632 = tpu.vector_load %arg9[%get3A_630, %get3A_631] {strides = array<i32>} : memref<26x128xi32, #tpu.memory_space<vmem>>, vector<16xi32>,
    %add3A_633 = arith.constant 100 : i32
    %add3A_634 = vector.broadcast %add3A_633 : i32 to vector<16xi32>
    %add3A_635 = arith.addi %get3A_632, %add3A_634 : vector<16xi32>
    %ne3A_636 = arith.cmpi ne, %get3A_628, %add3A_635 : vector<16xi32>
    tpu.vector_store_idx %arg6[%get3A_628, %add3A_624], %broadcast_in_dim3A_5 masked %ne3A_636 : memref<200x128xi32, #tpu.memory_space<vmem>>[vector<16xi32>, vector<16xi32>], vector<16xi32>, vector<16xi1>
    tpu.vector_store_idx %arg6[%add3A_635, %add3A_624], %broadcast_in_dim3A_3 : memref<200x128xi32, #tpu.memory_space<vmem>>[vector<16xi32>, vector<16xi32>], vector<16xi32>,
    %swap3A_637 = arith.constant 1 : i32
    %swap3A_638 = arith.index_cast %swap3A_637 : i32 to index
    %swap3A_639 = arith.constant 0 : index
    %swap3A_640 = tpu.vector_load %arg8[%swap3A_638, %swap3A_639] {strides = array<i32>} : memref<16x16xi32, #tpu.memory_space<vmem>>, vector<16xi32>,
    tpu.vector_store %arg8[%swap3A_638, %swap3A_639], %add3A_635 {strides = array<i32>} : memref<16x16xi32, #tpu.memory_space<vmem>>, vector<16xi32>,
    %add3A_641 = arith.constant 16 : i32
    %add3A_642 = vector.broadcast %add3A_641 : i32 to vector<16xi32>
    %add3A_643 = arith.addi %iota3A, %add3A_642 : vector<16xi32>
    %get3A_644 = arith.constant 3 : i32
    %get3A_645 = arith.index_cast %get3A_644 : i32 to index
    %get3A_646 = arith.constant 0 : index
    %get3A_647 = tpu.vector_load %arg8[%get3A_645, %get3A_646] {strides = array<i32>} : memref<16x16xi32, #tpu.memory_space<vmem>>, vector<16xi32>,
    %get3A_648 = arith.constant 3 : i32
    %get3A_649 = arith.index_cast %get3A_648 : i32 to index
    %get3A_650 = arith.constant 16 : index
    %get3A_651 = tpu.vector_load %arg9[%get3A_649, %get3A_650] {strides = array<i32>} : memref<26x128xi32, #tpu.memory_space<vmem>>, vector<16xi32>,
    %add3A_652 = arith.constant 100 : i32
    %add3A_653 = vector.broadcast %add3A_652 : i32 to vector<16xi32>
    %add3A_654 = arith.addi %get3A_651, %add3A_653 : vector<16xi32>
    %ne3A_655 = arith.cmpi ne, %get3A_647, %add3A_654 : vector<16xi32>
    tpu.vector_store_idx %arg6[%get3A_647, %add3A_643], %broadcast_in_dim3A_5 masked %ne3A_655 : memref<200x128xi32, #tpu.memory_space<vmem>>[vector<16xi32>, vector<16xi32>], vector<16xi32>, vector<16xi1>
    tpu.vector_store_idx %arg6[%add3A_654, %add3A_643], %broadcast_in_dim3A_3 : memref<200x128xi32, #tpu.memory_space<vmem>>[vector<16xi32>, vector<16xi32>], vector<16xi32>,
    %swap3A_656 = arith.constant 3 : i32
    %swap3A_657 = arith.index_cast %swap3A_656 : i32 to index
    %swap3A_658 = arith.constant 0 : index
    %swap3A_659 = tpu.vector_load %arg8[%swap3A_657, %swap3A_658] {strides = array<i32>} : memref<16x16xi32, #tpu.memory_space<vmem>>, vector<16xi32>,
    tpu.vector_store %arg8[%swap3A_657, %swap3A_658], %add3A_654 {strides = array<i32>} : memref<16x16xi32, #tpu.memory_space<vmem>>, vector<16xi32>,
    %add3A_660 = arith.constant 32 : i32
    %add3A_661 = vector.broadcast %add3A_660 : i32 to vector<16xi32>
    %add3A_662 = arith.addi %iota3A, %add3A_661 : vector<16xi32>
    %get3A_663 = arith.constant 5 : i32
    %get3A_664 = arith.index_cast %get3A_663 : i32 to index
    %get3A_665 = arith.constant 0 : index
    %get3A_666 = tpu.vector_load %arg8[%get3A_664, %get3A_665] {strides = array<i32>} : memref<16x16xi32, #tpu.memory_space<vmem>>, vector<16xi32>,
    %get3A_667 = arith.constant 3 : i32
    %get3A_668 = arith.index_cast %get3A_667 : i32 to index
    %get3A_669 = arith.constant 32 : index
    %get3A_670 = tpu.vector_load %arg9[%get3A_668, %get3A_669] {strides = array<i32>} : memref<26x128xi32, #tpu.memory_space<vmem>>, vector<16xi32>,
    %add3A_671 = arith.constant 100 : i32
    %add3A_672 = vector.broadcast %add3A_671 : i32 to vector<16xi32>
    %add3A_673 = arith.addi %get3A_670, %add3A_672 : vector<16xi32>
    %ne3A_674 = arith.cmpi ne, %get3A_666, %add3A_673 : vector<16xi32>
    tpu.vector_store_idx %arg6[%get3A_666, %add3A_662], %broadcast_in_dim3A_5 masked %ne3A_674 : memref<200x128xi32, #tpu.memory_space<vmem>>[vector<16xi32>, vector<16xi32>], vector<16xi32>, vector<16xi1>
    tpu.vector_store_idx %arg6[%add3A_673, %add3A_662], %broadcast_in_dim3A_3 : memref<200x128xi32, #tpu.memory_space<vmem>>[vector<16xi32>, vector<16xi32>], vector<16xi32>,
    %swap3A_675 = arith.constant 5 : i32
    %swap3A_676 = arith.index_cast %swap3A_675 : i32 to index
    %swap3A_677 = arith.constant 0 : index
    %swap3A_678 = tpu.vector_load %arg8[%swap3A_676, %swap3A_677] {strides = array<i32>} : memref<16x16xi32, #tpu.memory_space<vmem>>, vector<16xi32>,
    tpu.vector_store %arg8[%swap3A_676, %swap3A_677], %add3A_673 {strides = array<i32>} : memref<16x16xi32, #tpu.memory_space<vmem>>, vector<16xi32>,
    %add3A_679 = arith.constant 48 : i32
    %add3A_680 = vector.broadcast %add3A_679 : i32 to vector<16xi32>
    %add3A_681 = arith.addi %iota3A, %add3A_680 : vector<16xi32>
    %get3A_682 = arith.constant 7 : i32
    %get3A_683 = arith.index_cast %get3A_682 : i32 to index
    %get3A_684 = arith.constant 0 : index
    %get3A_685 = tpu.vector_load %arg8[%get3A_683, %get3A_684] {strides = array<i32>} : memref<16x16xi32, #tpu.memory_space<vmem>>, vector<16xi32>,
    %get3A_686 = arith.constant 3 : i32
    %get3A_687 = arith.index_cast %get3A_686 : i32 to index
    %get3A_688 = arith.constant 48 : index
    %get3A_689 = tpu.vector_load %arg9[%get3A_687, %get3A_688] {strides = array<i32>} : memref<26x128xi32, #tpu.memory_space<vmem>>, vector<16xi32>,
    %add3A_690 = arith.constant 100 : i32
    %add3A_691 = vector.broadcast %add3A_690 : i32 to vector<16xi32>
    %add3A_692 = arith.addi %get3A_689, %add3A_691 : vector<16xi32>
    %ne3A_693 = arith.cmpi ne, %get3A_685, %add3A_692 : vector<16xi32>
    tpu.vector_store_idx %arg6[%get3A_685, %add3A_681], %broadcast_in_dim3A_5 masked %ne3A_693 : memref<200x128xi32, #tpu.memory_space<vmem>>[vector<16xi32>, vector<16xi32>], vector<16xi32>, vector<16xi1>
    tpu.vector_store_idx %arg6[%add3A_692, %add3A_681], %broadcast_in_dim3A_3 : memref<200x128xi32, #tpu.memory_space<vmem>>[vector<16xi32>, vector<16xi32>], vector<16xi32>,
    %swap3A_694 = arith.constant 7 : i32
    %swap3A_695 = arith.index_cast %swap3A_694 : i32 to index
    %swap3A_696 = arith.constant 0 : index
    %swap3A_697 = tpu.vector_load %arg8[%swap3A_695, %swap3A_696] {strides = array<i32>} : memref<16x16xi32, #tpu.memory_space<vmem>>, vector<16xi32>,
    tpu.vector_store %arg8[%swap3A_695, %swap3A_696], %add3A_692 {strides = array<i32>} : memref<16x16xi32, #tpu.memory_space<vmem>>, vector<16xi32>,
    %add3A_698 = arith.constant 64 : i32
    %add3A_699 = vector.broadcast %add3A_698 : i32 to vector<16xi32>
    %add3A_700 = arith.addi %iota3A, %add3A_699 : vector<16xi32>
    %get3A_701 = arith.constant 9 : i32
    %get3A_702 = arith.index_cast %get3A_701 : i32 to index
    %get3A_703 = arith.constant 0 : index
    %get3A_704 = tpu.vector_load %arg8[%get3A_702, %get3A_703] {strides = array<i32>} : memref<16x16xi32, #tpu.memory_space<vmem>>, vector<16xi32>,
    %get3A_705 = arith.constant 3 : i32
    %get3A_706 = arith.index_cast %get3A_705 : i32 to index
    %get3A_707 = arith.constant 64 : index
    %get3A_708 = tpu.vector_load %arg9[%get3A_706, %get3A_707] {strides = array<i32>} : memref<26x128xi32, #tpu.memory_space<vmem>>, vector<16xi32>,
    %add3A_709 = arith.constant 100 : i32
    %add3A_710 = vector.broadcast %add3A_709 : i32 to vector<16xi32>
    %add3A_711 = arith.addi %get3A_708, %add3A_710 : vector<16xi32>
    %ne3A_712 = arith.cmpi ne, %get3A_704, %add3A_711 : vector<16xi32>
    tpu.vector_store_idx %arg6[%get3A_704, %add3A_700], %broadcast_in_dim3A_5 masked %ne3A_712 : memref<200x128xi32, #tpu.memory_space<vmem>>[vector<16xi32>, vector<16xi32>], vector<16xi32>, vector<16xi1>
    tpu.vector_store_idx %arg6[%add3A_711, %add3A_700], %broadcast_in_dim3A_3 : memref<200x128xi32, #tpu.memory_space<vmem>>[vector<16xi32>, vector<16xi32>], vector<16xi32>,
    %swap3A_713 = arith.constant 9 : i32
    %swap3A_714 = arith.index_cast %swap3A_713 : i32 to index
    %swap3A_715 = arith.constant 0 : index
    %swap3A_716 = tpu.vector_load %arg8[%swap3A_714, %swap3A_715] {strides = array<i32>} : memref<16x16xi32, #tpu.memory_space<vmem>>, vector<16xi32>,
    tpu.vector_store %arg8[%swap3A_714, %swap3A_715], %add3A_711 {strides = array<i32>} : memref<16x16xi32, #tpu.memory_space<vmem>>, vector<16xi32>,
    %add3A_717 = arith.constant 80 : i32
    %add3A_718 = vector.broadcast %add3A_717 : i32 to vector<16xi32>
    %add3A_719 = arith.addi %iota3A, %add3A_718 : vector<16xi32>
    %get3A_720 = arith.constant 11 : i32
    %get3A_721 = arith.index_cast %get3A_720 : i32 to index
    %get3A_722 = arith.constant 0 : index
    %get3A_723 = tpu.vector_load %arg8[%get3A_721, %get3A_722] {strides = array<i32>} : memref<16x16xi32, #tpu.memory_space<vmem>>, vector<16xi32>,
    %get3A_724 = arith.constant 3 : i32
    %get3A_725 = arith.index_cast %get3A_724 : i32 to index
    %get3A_726 = arith.constant 80 : index
    %get3A_727 = tpu.vector_load %arg9[%get3A_725, %get3A_726] {strides = array<i32>} : memref<26x128xi32, #tpu.memory_space<vmem>>, vector<16xi32>,
    %add3A_728 = arith.constant 100 : i32
    %add3A_729 = vector.broadcast %add3A_728 : i32 to vector<16xi32>
    %add3A_730 = arith.addi %get3A_727, %add3A_729 : vector<16xi32>
    %ne3A_731 = arith.cmpi ne, %get3A_723, %add3A_730 : vector<16xi32>
    tpu.vector_store_idx %arg6[%get3A_723, %add3A_719], %broadcast_in_dim3A_5 masked %ne3A_731 : memref<200x128xi32, #tpu.memory_space<vmem>>[vector<16xi32>, vector<16xi32>], vector<16xi32>, vector<16xi1>
    tpu.vector_store_idx %arg6[%add3A_730, %add3A_719], %broadcast_in_dim3A_3 : memref<200x128xi32, #tpu.memory_space<vmem>>[vector<16xi32>, vector<16xi32>], vector<16xi32>,
    %swap3A_732 = arith.constant 11 : i32
    %swap3A_733 = arith.index_cast %swap3A_732 : i32 to index
    %swap3A_734 = arith.constant 0 : index
    %swap3A_735 = tpu.vector_load %arg8[%swap3A_733, %swap3A_734] {strides = array<i32>} : memref<16x16xi32, #tpu.memory_space<vmem>>, vector<16xi32>,
    tpu.vector_store %arg8[%swap3A_733, %swap3A_734], %add3A_730 {strides = array<i32>} : memref<16x16xi32, #tpu.memory_space<vmem>>, vector<16xi32>,
    %add3A_736 = arith.constant 96 : i32
    %add3A_737 = vector.broadcast %add3A_736 : i32 to vector<16xi32>
    %add3A_738 = arith.addi %iota3A, %add3A_737 : vector<16xi32>
    %get3A_739 = arith.constant 13 : i32
    %get3A_740 = arith.index_cast %get3A_739 : i32 to index
    %get3A_741 = arith.constant 0 : index
    %get3A_742 = tpu.vector_load %arg8[%get3A_740, %get3A_741] {strides = array<i32>} : memref<16x16xi32, #tpu.memory_space<vmem>>, vector<16xi32>,
    %get3A_743 = arith.constant 3 : i32
    %get3A_744 = arith.index_cast %get3A_743 : i32 to index
    %get3A_745 = arith.constant 96 : index
    %get3A_746 = tpu.vector_load %arg9[%get3A_744, %get3A_745] {strides = array<i32>} : memref<26x128xi32, #tpu.memory_space<vmem>>, vector<16xi32>,
    %add3A_747 = arith.constant 100 : i32
    %add3A_748 = vector.broadcast %add3A_747 : i32 to vector<16xi32>
    %add3A_749 = arith.addi %get3A_746, %add3A_748 : vector<16xi32>
    %ne3A_750 = arith.cmpi ne, %get3A_742, %add3A_749 : vector<16xi32>
    tpu.vector_store_idx %arg6[%get3A_742, %add3A_738], %broadcast_in_dim3A_5 masked %ne3A_750 : memref<200x128xi32, #tpu.memory_space<vmem>>[vector<16xi32>, vector<16xi32>], vector<16xi32>, vector<16xi1>
    tpu.vector_store_idx %arg6[%add3A_749, %add3A_738], %broadcast_in_dim3A_3 : memref<200x128xi32, #tpu.memory_space<vmem>>[vector<16xi32>, vector<16xi32>], vector<16xi32>,
    %swap3A_751 = arith.constant 13 : i32
    %swap3A_752 = arith.index_cast %swap3A_751 : i32 to index
    %swap3A_753 = arith.constant 0 : index
    %swap3A_754 = tpu.vector_load %arg8[%swap3A_752, %swap3A_753] {strides = array<i32>} : memref<16x16xi32, #tpu.memory_space<vmem>>, vector<16xi32>,
    tpu.vector_store %arg8[%swap3A_752, %swap3A_753], %add3A_749 {strides = array<i32>} : memref<16x16xi32, #tpu.memory_space<vmem>>, vector<16xi32>,
    %add3A_755 = arith.constant 112 : i32
    %add3A_756 = vector.broadcast %add3A_755 : i32 to vector<16xi32>
    %add3A_757 = arith.addi %iota3A, %add3A_756 : vector<16xi32>
    %get3A_758 = arith.constant 15 : i32
    %get3A_759 = arith.index_cast %get3A_758 : i32 to index
    %get3A_760 = arith.constant 0 : index
    %get3A_761 = tpu.vector_load %arg8[%get3A_759, %get3A_760] {strides = array<i32>} : memref<16x16xi32, #tpu.memory_space<vmem>>, vector<16xi32>,
    %get3A_762 = arith.constant 3 : i32
    %get3A_763 = arith.index_cast %get3A_762 : i32 to index
    %get3A_764 = arith.constant 112 : index
    %get3A_765 = tpu.vector_load %arg9[%get3A_763, %get3A_764] {strides = array<i32>} : memref<26x128xi32, #tpu.memory_space<vmem>>, vector<16xi32>,
    %add3A_766 = arith.constant 100 : i32
    %add3A_767 = vector.broadcast %add3A_766 : i32 to vector<16xi32>
    %add3A_768 = arith.addi %get3A_765, %add3A_767 : vector<16xi32>
    %ne3A_769 = arith.cmpi ne, %get3A_761, %add3A_768 : vector<16xi32>
    tpu.vector_store_idx %arg6[%get3A_761, %add3A_757], %broadcast_in_dim3A_5 masked %ne3A_769 : memref<200x128xi32, #tpu.memory_space<vmem>>[vector<16xi32>, vector<16xi32>], vector<16xi32>, vector<16xi1>
    tpu.vector_store_idx %arg6[%add3A_768, %add3A_757], %broadcast_in_dim3A_3 : memref<200x128xi32, #tpu.memory_space<vmem>>[vector<16xi32>, vector<16xi32>], vector<16xi32>,
    %swap3A_770 = arith.constant 15 : i32
    %swap3A_771 = arith.index_cast %swap3A_770 : i32 to index
    %swap3A_772 = arith.constant 0 : index
    %swap3A_773 = tpu.vector_load %arg8[%swap3A_771, %swap3A_772] {strides = array<i32>} : memref<16x16xi32, #tpu.memory_space<vmem>>, vector<16xi32>,
    tpu.vector_store %arg8[%swap3A_771, %swap3A_772], %add3A_768 {strides = array<i32>} : memref<16x16xi32, #tpu.memory_space<vmem>>, vector<16xi32>,
    %dma_start3A_774 = arith.constant 200 : i32
    %dma_start3A_775 = tpu.memref_slice %arg4[%dma_start3A_774, %mul3A_2] : memref<2600x16384xi32, #tpu.memory_space<hbm>> -> memref<200x128xi32, #tpu.memory_space<hbm>>
    %dma_start3A_776 = arith.constant 200 : i32
    %dma_start3A_777 = tpu.memref_slice %arg4[%dma_start3A_776, %mul3A_2] : memref<2600x16384xi32, #tpu.memory_space<hbm>> -> memref<200x128xi32, #tpu.memory_space<hbm>>
    tpu.enqueue_dma source(%arg6 : memref<200x128xi32, #tpu.memory_space<vmem>>) target(%dma_start3A_777 : memref<200x128xi32, #tpu.memory_space<hbm>>) target_semaphore(%arg11 : memref<!tpu.dma_semaphore, #tpu.memory_space<semaphore_mem>>)
    %scan3A = arith.constant 2 : i32
    %scan3A_778 = arith.constant 50 : i32
    %scan3A_779 = arith.addi %scan3A, %scan3A_778 : i32
    %scan3A_780 = arith.constant 1 : i32
    scf.for %scan3A_789 = %scan3A to %scan3A_779 step %scan3A_780  : i32 {
      %jit3A = arith.constant 13 : i32
      %div3A = arith.divsi %scan3A_789, %jit3A : i32
      %sign3A = arith.constant 0 : i32
      %sign3A_790 = arith.cmpi sgt, %scan3A_789, %sign3A : i32
      %sign3A_791 = arith.extui %sign3A_790 : i1 to i32
      %sign3A_792 = arith.constant 0 : i32
      %sign3A_793 = arith.cmpi slt, %scan3A_789, %sign3A_792 : i32
      %sign3A_794 = arith.extui %sign3A_793 : i1 to i32
      %sign3A_795 = arith.subi %sign3A_791, %sign3A_794 : i32
      %sign3A_796 = arith.constant 0 : i32
      %sign3A_797 = arith.cmpi sgt, %jit3A, %sign3A_796 : i32
      %sign3A_798 = arith.extui %sign3A_797 : i1 to i32
      %sign3A_799 = arith.constant 0 : i32
      %sign3A_800 = arith.cmpi slt, %jit3A, %sign3A_799 : i32
      %sign3A_801 = arith.extui %sign3A_800 : i1 to i32
      %sign3A_802 = arith.subi %sign3A_798, %sign3A_801 : i32
      %ne3A_803 = arith.cmpi ne, %sign3A_795, %sign3A_802 : i32
      %rem3A = arith.remsi %scan3A_789, %jit3A : i32
      %ne3A_804 = arith.constant 0 : i32
      %ne3A_805 = arith.cmpi ne, %rem3A, %ne3A_804 : i32
      %and3A = arith.andi %ne3A_803, %ne3A_805 : i1
      %sub3A = arith.constant 1 : i32
      %sub3A_806 = arith.subi %div3A, %sub3A : i32
      %select_n3A = arith.select %and3A, %sub3A_806, %div3A : i32
      %mul3A_807 = arith.constant 13 : i32
      %mul3A_808 = arith.muli %select_n3A, %mul3A_807 : i32
      %sub3A_809 = arith.subi %scan3A_789, %mul3A_808 : i32
      %eq3A = arith.constant 0 : i32
      %eq3A_810 = arith.cmpi eq, %sub3A_809, %eq3A : i32
      %convert_element_type3A = arith.extui %eq3A_810 : i1 to i32
      %cond3A = arith.constant 0 : i32
      %cond3A_811 = arith.cmpi ne, %convert_element_type3A, %cond3A : i32
      scf.if %cond3A_811 {
        %mul3A_856 = arith.constant 128 : i32
        %mul3A_857 = arith.muli %select_n3A, %mul3A_856 : i32
        %add3A_858 = arith.addi %mul3A_2, %mul3A_857 : i32
        "tpu.region"() ({
          %run_scoped3A = tpu.sem_alloc : memref<!tpu.dma_semaphore, #tpu.memory_space<semaphore_mem>>
          %dma_start3A_859 = arith.constant 0 : i32
          %dma_start3A_860 = tpu.memref_slice %arg2[%dma_start3A_859, %add3A_858] : memref<26x16384xi32, #tpu.memory_space<hbm>> -> memref<26x128xi32, #tpu.memory_space<hbm>>
          %dma_start3A_861 = arith.constant 0 : i32
          %dma_start3A_862 = tpu.memref_slice %arg2[%dma_start3A_861, %add3A_858] : memref<26x16384xi32, #tpu.memory_space<hbm>> -> memref<26x128xi32, #tpu.memory_space<hbm>>
          tpu.enqueue_dma source(%dma_start3A_862 : memref<26x128xi32, #tpu.memory_space<hbm>>) target(%arg9 : memref<26x128xi32, #tpu.memory_space<vmem>>) target_semaphore(%run_scoped3A : memref<!tpu.dma_semaphore, #tpu.memory_space<semaphore_mem>>)
          %dma_wait3A_863 = arith.constant 0 : i32
          %dma_wait3A_864 = tpu.memref_slice %arg2[%dma_wait3A_863, %add3A_858] : memref<26x16384xi32, #tpu.memory_space<hbm>> -> memref<26x128xi32, #tpu.memory_space<hbm>>
          %dma_wait3A_865 = arith.constant 0 : i32
          %dma_wait3A_866 = tpu.memref_slice %arg2[%dma_wait3A_865, %add3A_858] : memref<26x16384xi32, #tpu.memory_space<hbm>> -> memref<26x128xi32, #tpu.memory_space<hbm>>
          tpu.wait_dma2 semaphore(%run_scoped3A : memref<!tpu.dma_semaphore, #tpu.memory_space<semaphore_mem>>) src(%dma_wait3A_866 : memref<26x128xi32, #tpu.memory_space<hbm>>) dst(%arg9 : memref<26x128xi32, #tpu.memory_space<vmem>>)
          tpu.yield
        }) : () -> ()
      } else {
      }
      %mul3A_812 = arith.constant 128 : i32
      %mul3A_813 = arith.muli %select_n3A, %mul3A_812 : i32
      %add3A_814 = arith.addi %mul3A_2, %mul3A_813 : i32
      %jit3A_815 = arith.constant 2 : i32
      %eq3A_816 = arith.constant 0 : i32
      %eq3A_817 = arith.cmpi eq, %jit3A_815, %eq3A_816 : i32
      %jit3A_818 = arith.constant 1 : i32
      %select_n3A_819 = arith.select %eq3A_817, %jit3A_818, %jit3A_815 : i32
      %rem3A_820 = arith.remsi %scan3A_789, %select_n3A_819 : i32
      %ne3A_821 = arith.constant 0 : i32
      %ne3A_822 = arith.cmpi ne, %rem3A_820, %ne3A_821 : i32
      %lt3A = arith.constant 0 : i32
      %lt3A_823 = arith.cmpi slt, %rem3A_820, %lt3A : i32
      %lt3A_824 = arith.constant 0 : i32
      %lt3A_825 = arith.cmpi slt, %select_n3A_819, %lt3A_824 : i32
      %ne3A_826 = arith.xori %lt3A_823, %lt3A_825 : i1
      %and3A_827 = arith.andi %ne3A_826, %ne3A_822 : i1
      %add3A_828 = arith.addi %rem3A_820, %select_n3A_819 : i32
      %select_n3A_829 = arith.select %and3A_827, %add3A_828, %rem3A_820 : i32
      %eq3A_830 = arith.constant 0 : i32
      %eq3A_831 = arith.cmpi eq, %select_n3A_829, %eq3A_830 : i32
      %convert_element_type3A_832 = arith.extui %eq3A_831 : i1 to i32
      %cond3A_833 = arith.constant 0 : i32
      %cond3A_834 = arith.cmpi ne, %convert_element_type3A_832, %cond3A_833 : i32
      scf.if %cond3A_834 {
        %dma_wait3A_856 = arith.constant 0 : i32
        %dma_wait3A_857 = tpu.memref_slice %arg4[%dma_wait3A_856, %mul3A_2] : memref<2600x16384xi32, #tpu.memory_space<hbm>> -> memref<200x128xi32, #tpu.memory_space<hbm>>
        %dma_wait3A_858 = arith.constant 0 : i32
        %dma_wait3A_859 = tpu.memref_slice %arg4[%dma_wait3A_858, %mul3A_2] : memref<2600x16384xi32, #tpu.memory_space<hbm>> -> memref<200x128xi32, #tpu.memory_space<hbm>>
        tpu.wait_dma2 semaphore(%arg10 : memref<!tpu.dma_semaphore, #tpu.memory_space<semaphore_mem>>) src(%arg5 : memref<200x128xi32, #tpu.memory_space<vmem>>) dst(%dma_wait3A_859 : memref<200x128xi32, #tpu.memory_space<hbm>>)
        %add3A_860 = arith.constant 0 : i32
        %add3A_861 = vector.broadcast %add3A_860 : i32 to vector<16xi32>
        %add3A_862 = arith.addi %iota3A, %add3A_861 : vector<16xi32>
        %get3A_863 = arith.constant 0 : i32
        %get3A_864 = arith.index_cast %get3A_863 : i32 to index
        %get3A_865 = arith.constant 0 : index
        %get3A_866 = tpu.vector_load %arg7[%get3A_864, %get3A_865] {strides = array<i32>} : memref<16x16xi32, #tpu.memory_space<vmem>>, vector<16xi32>,
        %mul3A_867 = arith.constant 2 : i32
        %mul3A_868 = arith.muli %mul3A_867, %sub3A_809 : i32
        %add3A_869 = arith.constant 0 : i32
        %add3A_870 = arith.addi %mul3A_868, %add3A_869 : i32
        %get3A_871 = arith.index_cast %add3A_870 : i32 to index
        %get3A_872 = arith.constant 0 : index
        %get3A_873 = tpu.vector_load %arg9[%get3A_871, %get3A_872] {strides = array<i32>} : memref<26x128xi32, #tpu.memory_space<vmem>>, vector<16xi32>,
        %add3A_874 = arith.constant 0 : i32
        %add3A_875 = vector.broadcast %add3A_874 : i32 to vector<16xi32>
        %add3A_876 = arith.addi %get3A_873, %add3A_875 : vector<16xi32>
        %ne3A_877 = arith.cmpi ne, %get3A_866, %add3A_876 : vector<16xi32>
        tpu.vector_store_idx %arg5[%get3A_866, %add3A_862], %broadcast_in_dim3A_5 masked %ne3A_877 : memref<200x128xi32, #tpu.memory_space<vmem>>[vector<16xi32>, vector<16xi32>], vector<16xi32>, vector<16xi1>
        tpu.vector_store_idx %arg5[%add3A_876, %add3A_862], %broadcast_in_dim3A_3 : memref<200x128xi32, #tpu.memory_space<vmem>>[vector<16xi32>, vector<16xi32>], vector<16xi32>,
        %swap3A_878 = arith.constant 0 : i32
        %swap3A_879 = arith.index_cast %swap3A_878 : i32 to index
        %swap3A_880 = arith.constant 0 : index
        %swap3A_881 = tpu.vector_load %arg7[%swap3A_879, %swap3A_880] {strides = array<i32>} : memref<16x16xi32, #tpu.memory_space<vmem>>, vector<16xi32>,
        tpu.vector_store %arg7[%swap3A_879, %swap3A_880], %add3A_876 {strides = array<i32>} : memref<16x16xi32, #tpu.memory_space<vmem>>, vector<16xi32>,
        %add3A_882 = arith.constant 16 : i32
        %add3A_883 = vector.broadcast %add3A_882 : i32 to vector<16xi32>
        %add3A_884 = arith.addi %iota3A, %add3A_883 : vector<16xi32>
        %get3A_885 = arith.constant 2 : i32
        %get3A_886 = arith.index_cast %get3A_885 : i32 to index
        %get3A_887 = arith.constant 0 : index
        %get3A_888 = tpu.vector_load %arg7[%get3A_886, %get3A_887] {strides = array<i32>} : memref<16x16xi32, #tpu.memory_space<vmem>>, vector<16xi32>,
        %mul3A_889 = arith.constant 2 : i32
        %mul3A_890 = arith.muli %mul3A_889, %sub3A_809 : i32
        %add3A_891 = arith.constant 0 : i32
        %add3A_892 = arith.addi %mul3A_890, %add3A_891 : i32
        %get3A_893 = arith.index_cast %add3A_892 : i32 to index
        %get3A_894 = arith.constant 16 : index
        %get3A_895 = tpu.vector_load %arg9[%get3A_893, %get3A_894] {strides = array<i32>} : memref<26x128xi32, #tpu.memory_space<vmem>>, vector<16xi32>,
        %add3A_896 = arith.constant 0 : i32
        %add3A_897 = vector.broadcast %add3A_896 : i32 to vector<16xi32>
        %add3A_898 = arith.addi %get3A_895, %add3A_897 : vector<16xi32>
        %ne3A_899 = arith.cmpi ne, %get3A_888, %add3A_898 : vector<16xi32>
        tpu.vector_store_idx %arg5[%get3A_888, %add3A_884], %broadcast_in_dim3A_5 masked %ne3A_899 : memref<200x128xi32, #tpu.memory_space<vmem>>[vector<16xi32>, vector<16xi32>], vector<16xi32>, vector<16xi1>
        tpu.vector_store_idx %arg5[%add3A_898, %add3A_884], %broadcast_in_dim3A_3 : memref<200x128xi32, #tpu.memory_space<vmem>>[vector<16xi32>, vector<16xi32>], vector<16xi32>,
        %swap3A_900 = arith.constant 2 : i32
        %swap3A_901 = arith.index_cast %swap3A_900 : i32 to index
        %swap3A_902 = arith.constant 0 : index
        %swap3A_903 = tpu.vector_load %arg7[%swap3A_901, %swap3A_902] {strides = array<i32>} : memref<16x16xi32, #tpu.memory_space<vmem>>, vector<16xi32>,
        tpu.vector_store %arg7[%swap3A_901, %swap3A_902], %add3A_898 {strides = array<i32>} : memref<16x16xi32, #tpu.memory_space<vmem>>, vector<16xi32>,
        %add3A_904 = arith.constant 32 : i32
        %add3A_905 = vector.broadcast %add3A_904 : i32 to vector<16xi32>
        %add3A_906 = arith.addi %iota3A, %add3A_905 : vector<16xi32>
        %get3A_907 = arith.constant 4 : i32
        %get3A_908 = arith.index_cast %get3A_907 : i32 to index
        %get3A_909 = arith.constant 0 : index
        %get3A_910 = tpu.vector_load %arg7[%get3A_908, %get3A_909] {strides = array<i32>} : memref<16x16xi32, #tpu.memory_space<vmem>>, vector<16xi32>,
        %mul3A_911 = arith.constant 2 : i32
        %mul3A_912 = arith.muli %mul3A_911, %sub3A_809 : i32
        %add3A_913 = arith.constant 0 : i32
        %add3A_914 = arith.addi %mul3A_912, %add3A_913 : i32
        %get3A_915 = arith.index_cast %add3A_914 : i32 to index
        %get3A_916 = arith.constant 32 : index
        %get3A_917 = tpu.vector_load %arg9[%get3A_915, %get3A_916] {strides = array<i32>} : memref<26x128xi32, #tpu.memory_space<vmem>>, vector<16xi32>,
        %add3A_918 = arith.constant 0 : i32
        %add3A_919 = vector.broadcast %add3A_918 : i32 to vector<16xi32>
        %add3A_920 = arith.addi %get3A_917, %add3A_919 : vector<16xi32>
        %ne3A_921 = arith.cmpi ne, %get3A_910, %add3A_920 : vector<16xi32>
        tpu.vector_store_idx %arg5[%get3A_910, %add3A_906], %broadcast_in_dim3A_5 masked %ne3A_921 : memref<200x128xi32, #tpu.memory_space<vmem>>[vector<16xi32>, vector<16xi32>], vector<16xi32>, vector<16xi1>
        tpu.vector_store_idx %arg5[%add3A_920, %add3A_906], %broadcast_in_dim3A_3 : memref<200x128xi32, #tpu.memory_space<vmem>>[vector<16xi32>, vector<16xi32>], vector<16xi32>,
        %swap3A_922 = arith.constant 4 : i32
        %swap3A_923 = arith.index_cast %swap3A_922 : i32 to index
        %swap3A_924 = arith.constant 0 : index
        %swap3A_925 = tpu.vector_load %arg7[%swap3A_923, %swap3A_924] {strides = array<i32>} : memref<16x16xi32, #tpu.memory_space<vmem>>, vector<16xi32>,
        tpu.vector_store %arg7[%swap3A_923, %swap3A_924], %add3A_920 {strides = array<i32>} : memref<16x16xi32, #tpu.memory_space<vmem>>, vector<16xi32>,
        %add3A_926 = arith.constant 48 : i32
        %add3A_927 = vector.broadcast %add3A_926 : i32 to vector<16xi32>
        %add3A_928 = arith.addi %iota3A, %add3A_927 : vector<16xi32>
        %get3A_929 = arith.constant 6 : i32
        %get3A_930 = arith.index_cast %get3A_929 : i32 to index
        %get3A_931 = arith.constant 0 : index
        %get3A_932 = tpu.vector_load %arg7[%get3A_930, %get3A_931] {strides = array<i32>} : memref<16x16xi32, #tpu.memory_space<vmem>>, vector<16xi32>,
        %mul3A_933 = arith.constant 2 : i32
        %mul3A_934 = arith.muli %mul3A_933, %sub3A_809 : i32
        %add3A_935 = arith.constant 0 : i32
        %add3A_936 = arith.addi %mul3A_934, %add3A_935 : i32
        %get3A_937 = arith.index_cast %add3A_936 : i32 to index
        %get3A_938 = arith.constant 48 : index
        %get3A_939 = tpu.vector_load %arg9[%get3A_937, %get3A_938] {strides = array<i32>} : memref<26x128xi32, #tpu.memory_space<vmem>>, vector<16xi32>,
        %add3A_940 = arith.constant 0 : i32
        %add3A_941 = vector.broadcast %add3A_940 : i32 to vector<16xi32>
        %add3A_942 = arith.addi %get3A_939, %add3A_941 : vector<16xi32>
        %ne3A_943 = arith.cmpi ne, %get3A_932, %add3A_942 : vector<16xi32>
        tpu.vector_store_idx %arg5[%get3A_932, %add3A_928], %broadcast_in_dim3A_5 masked %ne3A_943 : memref<200x128xi32, #tpu.memory_space<vmem>>[vector<16xi32>, vector<16xi32>], vector<16xi32>, vector<16xi1>
        tpu.vector_store_idx %arg5[%add3A_942, %add3A_928], %broadcast_in_dim3A_3 : memref<200x128xi32, #tpu.memory_space<vmem>>[vector<16xi32>, vector<16xi32>], vector<16xi32>,
        %swap3A_944 = arith.constant 6 : i32
        %swap3A_945 = arith.index_cast %swap3A_944 : i32 to index
        %swap3A_946 = arith.constant 0 : index
        %swap3A_947 = tpu.vector_load %arg7[%swap3A_945, %swap3A_946] {strides = array<i32>} : memref<16x16xi32, #tpu.memory_space<vmem>>, vector<16xi32>,
        tpu.vector_store %arg7[%swap3A_945, %swap3A_946], %add3A_942 {strides = array<i32>} : memref<16x16xi32, #tpu.memory_space<vmem>>, vector<16xi32>,
        %add3A_948 = arith.constant 64 : i32
        %add3A_949 = vector.broadcast %add3A_948 : i32 to vector<16xi32>
        %add3A_950 = arith.addi %iota3A, %add3A_949 : vector<16xi32>
        %get3A_951 = arith.constant 8 : i32
        %get3A_952 = arith.index_cast %get3A_951 : i32 to index
        %get3A_953 = arith.constant 0 : index
        %get3A_954 = tpu.vector_load %arg7[%get3A_952, %get3A_953] {strides = array<i32>} : memref<16x16xi32, #tpu.memory_space<vmem>>, vector<16xi32>,
        %mul3A_955 = arith.constant 2 : i32
        %mul3A_956 = arith.muli %mul3A_955, %sub3A_809 : i32
        %add3A_957 = arith.constant 0 : i32
        %add3A_958 = arith.addi %mul3A_956, %add3A_957 : i32
        %get3A_959 = arith.index_cast %add3A_958 : i32 to index
        %get3A_960 = arith.constant 64 : index
        %get3A_961 = tpu.vector_load %arg9[%get3A_959, %get3A_960] {strides = array<i32>} : memref<26x128xi32, #tpu.memory_space<vmem>>, vector<16xi32>,
        %add3A_962 = arith.constant 0 : i32
        %add3A_963 = vector.broadcast %add3A_962 : i32 to vector<16xi32>
        %add3A_964 = arith.addi %get3A_961, %add3A_963 : vector<16xi32>
        %ne3A_965 = arith.cmpi ne, %get3A_954, %add3A_964 : vector<16xi32>
        tpu.vector_store_idx %arg5[%get3A_954, %add3A_950], %broadcast_in_dim3A_5 masked %ne3A_965 : memref<200x128xi32, #tpu.memory_space<vmem>>[vector<16xi32>, vector<16xi32>], vector<16xi32>, vector<16xi1>
        tpu.vector_store_idx %arg5[%add3A_964, %add3A_950], %broadcast_in_dim3A_3 : memref<200x128xi32, #tpu.memory_space<vmem>>[vector<16xi32>, vector<16xi32>], vector<16xi32>,
        %swap3A_966 = arith.constant 8 : i32
        %swap3A_967 = arith.index_cast %swap3A_966 : i32 to index
        %swap3A_968 = arith.constant 0 : index
        %swap3A_969 = tpu.vector_load %arg7[%swap3A_967, %swap3A_968] {strides = array<i32>} : memref<16x16xi32, #tpu.memory_space<vmem>>, vector<16xi32>,
        tpu.vector_store %arg7[%swap3A_967, %swap3A_968], %add3A_964 {strides = array<i32>} : memref<16x16xi32, #tpu.memory_space<vmem>>, vector<16xi32>,
        %add3A_970 = arith.constant 80 : i32
        %add3A_971 = vector.broadcast %add3A_970 : i32 to vector<16xi32>
        %add3A_972 = arith.addi %iota3A, %add3A_971 : vector<16xi32>
        %get3A_973 = arith.constant 10 : i32
        %get3A_974 = arith.index_cast %get3A_973 : i32 to index
        %get3A_975 = arith.constant 0 : index
        %get3A_976 = tpu.vector_load %arg7[%get3A_974, %get3A_975] {strides = array<i32>} : memref<16x16xi32, #tpu.memory_space<vmem>>, vector<16xi32>,
        %mul3A_977 = arith.constant 2 : i32
        %mul3A_978 = arith.muli %mul3A_977, %sub3A_809 : i32
        %add3A_979 = arith.constant 0 : i32
        %add3A_980 = arith.addi %mul3A_978, %add3A_979 : i32
        %get3A_981 = arith.index_cast %add3A_980 : i32 to index
        %get3A_982 = arith.constant 80 : index
        %get3A_983 = tpu.vector_load %arg9[%get3A_981, %get3A_982] {strides = array<i32>} : memref<26x128xi32, #tpu.memory_space<vmem>>, vector<16xi32>,
        %add3A_984 = arith.constant 0 : i32
        %add3A_985 = vector.broadcast %add3A_984 : i32 to vector<16xi32>
        %add3A_986 = arith.addi %get3A_983, %add3A_985 : vector<16xi32>
        %ne3A_987 = arith.cmpi ne, %get3A_976, %add3A_986 : vector<16xi32>
        tpu.vector_store_idx %arg5[%get3A_976, %add3A_972], %broadcast_in_dim3A_5 masked %ne3A_987 : memref<200x128xi32, #tpu.memory_space<vmem>>[vector<16xi32>, vector<16xi32>], vector<16xi32>, vector<16xi1>
        tpu.vector_store_idx %arg5[%add3A_986, %add3A_972], %broadcast_in_dim3A_3 : memref<200x128xi32, #tpu.memory_space<vmem>>[vector<16xi32>, vector<16xi32>], vector<16xi32>,
        %swap3A_988 = arith.constant 10 : i32
        %swap3A_989 = arith.index_cast %swap3A_988 : i32 to index
        %swap3A_990 = arith.constant 0 : index
        %swap3A_991 = tpu.vector_load %arg7[%swap3A_989, %swap3A_990] {strides = array<i32>} : memref<16x16xi32, #tpu.memory_space<vmem>>, vector<16xi32>,
        tpu.vector_store %arg7[%swap3A_989, %swap3A_990], %add3A_986 {strides = array<i32>} : memref<16x16xi32, #tpu.memory_space<vmem>>, vector<16xi32>,
        %add3A_992 = arith.constant 96 : i32
        %add3A_993 = vector.broadcast %add3A_992 : i32 to vector<16xi32>
        %add3A_994 = arith.addi %iota3A, %add3A_993 : vector<16xi32>
        %get3A_995 = arith.constant 12 : i32
        %get3A_996 = arith.index_cast %get3A_995 : i32 to index
        %get3A_997 = arith.constant 0 : index
        %get3A_998 = tpu.vector_load %arg7[%get3A_996, %get3A_997] {strides = array<i32>} : memref<16x16xi32, #tpu.memory_space<vmem>>, vector<16xi32>,
        %mul3A_999 = arith.constant 2 : i32
        %mul3A_1000 = arith.muli %mul3A_999, %sub3A_809 : i32
        %add3A_1001 = arith.constant 0 : i32
        %add3A_1002 = arith.addi %mul3A_1000, %add3A_1001 : i32
        %get3A_1003 = arith.index_cast %add3A_1002 : i32 to index
        %get3A_1004 = arith.constant 96 : index
        %get3A_1005 = tpu.vector_load %arg9[%get3A_1003, %get3A_1004] {strides = array<i32>} : memref<26x128xi32, #tpu.memory_space<vmem>>, vector<16xi32>,
        %add3A_1006 = arith.constant 0 : i32
        %add3A_1007 = vector.broadcast %add3A_1006 : i32 to vector<16xi32>
        %add3A_1008 = arith.addi %get3A_1005, %add3A_1007 : vector<16xi32>
        %ne3A_1009 = arith.cmpi ne, %get3A_998, %add3A_1008 : vector<16xi32>
        tpu.vector_store_idx %arg5[%get3A_998, %add3A_994], %broadcast_in_dim3A_5 masked %ne3A_1009 : memref<200x128xi32, #tpu.memory_space<vmem>>[vector<16xi32>, vector<16xi32>], vector<16xi32>, vector<16xi1>
        tpu.vector_store_idx %arg5[%add3A_1008, %add3A_994], %broadcast_in_dim3A_3 : memref<200x128xi32, #tpu.memory_space<vmem>>[vector<16xi32>, vector<16xi32>], vector<16xi32>,
        %swap3A_1010 = arith.constant 12 : i32
        %swap3A_1011 = arith.index_cast %swap3A_1010 : i32 to index
        %swap3A_1012 = arith.constant 0 : index
        %swap3A_1013 = tpu.vector_load %arg7[%swap3A_1011, %swap3A_1012] {strides = array<i32>} : memref<16x16xi32, #tpu.memory_space<vmem>>, vector<16xi32>,
        tpu.vector_store %arg7[%swap3A_1011, %swap3A_1012], %add3A_1008 {strides = array<i32>} : memref<16x16xi32, #tpu.memory_space<vmem>>, vector<16xi32>,
        %add3A_1014 = arith.constant 112 : i32
        %add3A_1015 = vector.broadcast %add3A_1014 : i32 to vector<16xi32>
        %add3A_1016 = arith.addi %iota3A, %add3A_1015 : vector<16xi32>
        %get3A_1017 = arith.constant 14 : i32
        %get3A_1018 = arith.index_cast %get3A_1017 : i32 to index
        %get3A_1019 = arith.constant 0 : index
        %get3A_1020 = tpu.vector_load %arg7[%get3A_1018, %get3A_1019] {strides = array<i32>} : memref<16x16xi32, #tpu.memory_space<vmem>>, vector<16xi32>,
        %mul3A_1021 = arith.constant 2 : i32
        %mul3A_1022 = arith.muli %mul3A_1021, %sub3A_809 : i32
        %add3A_1023 = arith.constant 0 : i32
        %add3A_1024 = arith.addi %mul3A_1022, %add3A_1023 : i32
        %get3A_1025 = arith.index_cast %add3A_1024 : i32 to index
        %get3A_1026 = arith.constant 112 : index
        %get3A_1027 = tpu.vector_load %arg9[%get3A_1025, %get3A_1026] {strides = array<i32>} : memref<26x128xi32, #tpu.memory_space<vmem>>, vector<16xi32>,
        %add3A_1028 = arith.constant 0 : i32
        %add3A_1029 = vector.broadcast %add3A_1028 : i32 to vector<16xi32>
        %add3A_1030 = arith.addi %get3A_1027, %add3A_1029 : vector<16xi32>
        %ne3A_1031 = arith.cmpi ne, %get3A_1020, %add3A_1030 : vector<16xi32>
        tpu.vector_store_idx %arg5[%get3A_1020, %add3A_1016], %broadcast_in_dim3A_5 masked %ne3A_1031 : memref<200x128xi32, #tpu.memory_space<vmem>>[vector<16xi32>, vector<16xi32>], vector<16xi32>, vector<16xi1>
        tpu.vector_store_idx %arg5[%add3A_1030, %add3A_1016], %broadcast_in_dim3A_3 : memref<200x128xi32, #tpu.memory_space<vmem>>[vector<16xi32>, vector<16xi32>], vector<16xi32>,
        %swap3A_1032 = arith.constant 14 : i32
        %swap3A_1033 = arith.index_cast %swap3A_1032 : i32 to index
        %swap3A_1034 = arith.constant 0 : index
        %swap3A_1035 = tpu.vector_load %arg7[%swap3A_1033, %swap3A_1034] {strides = array<i32>} : memref<16x16xi32, #tpu.memory_space<vmem>>, vector<16xi32>,
        tpu.vector_store %arg7[%swap3A_1033, %swap3A_1034], %add3A_1030 {strides = array<i32>} : memref<16x16xi32, #tpu.memory_space<vmem>>, vector<16xi32>,
        %add3A_1036 = arith.constant 0 : i32
        %add3A_1037 = vector.broadcast %add3A_1036 : i32 to vector<16xi32>
        %add3A_1038 = arith.addi %iota3A, %add3A_1037 : vector<16xi32>
        %get3A_1039 = arith.constant 1 : i32
        %get3A_1040 = arith.index_cast %get3A_1039 : i32 to index
        %get3A_1041 = arith.constant 0 : index
        %get3A_1042 = tpu.vector_load %arg7[%get3A_1040, %get3A_1041] {strides = array<i32>} : memref<16x16xi32, #tpu.memory_space<vmem>>, vector<16xi32>,
        %mul3A_1043 = arith.constant 2 : i32
        %mul3A_1044 = arith.muli %mul3A_1043, %sub3A_809 : i32
        %add3A_1045 = arith.constant 1 : i32
        %add3A_1046 = arith.addi %mul3A_1044, %add3A_1045 : i32
        %get3A_1047 = arith.index_cast %add3A_1046 : i32 to index
        %get3A_1048 = arith.constant 0 : index
        %get3A_1049 = tpu.vector_load %arg9[%get3A_1047, %get3A_1048] {strides = array<i32>} : memref<26x128xi32, #tpu.memory_space<vmem>>, vector<16xi32>,
        %add3A_1050 = arith.constant 100 : i32
        %add3A_1051 = vector.broadcast %add3A_1050 : i32 to vector<16xi32>
        %add3A_1052 = arith.addi %get3A_1049, %add3A_1051 : vector<16xi32>
        %ne3A_1053 = arith.cmpi ne, %get3A_1042, %add3A_1052 : vector<16xi32>
        tpu.vector_store_idx %arg5[%get3A_1042, %add3A_1038], %broadcast_in_dim3A_5 masked %ne3A_1053 : memref<200x128xi32, #tpu.memory_space<vmem>>[vector<16xi32>, vector<16xi32>], vector<16xi32>, vector<16xi1>
        tpu.vector_store_idx %arg5[%add3A_1052, %add3A_1038], %broadcast_in_dim3A_3 : memref<200x128xi32, #tpu.memory_space<vmem>>[vector<16xi32>, vector<16xi32>], vector<16xi32>,
        %swap3A_1054 = arith.constant 1 : i32
        %swap3A_1055 = arith.index_cast %swap3A_1054 : i32 to index
        %swap3A_1056 = arith.constant 0 : index
        %swap3A_1057 = tpu.vector_load %arg7[%swap3A_1055, %swap3A_1056] {strides = array<i32>} : memref<16x16xi32, #tpu.memory_space<vmem>>, vector<16xi32>,
        tpu.vector_store %arg7[%swap3A_1055, %swap3A_1056], %add3A_1052 {strides = array<i32>} : memref<16x16xi32, #tpu.memory_space<vmem>>, vector<16xi32>,
        %add3A_1058 = arith.constant 16 : i32
        %add3A_1059 = vector.broadcast %add3A_1058 : i32 to vector<16xi32>
        %add3A_1060 = arith.addi %iota3A, %add3A_1059 : vector<16xi32>
        %get3A_1061 = arith.constant 3 : i32
        %get3A_1062 = arith.index_cast %get3A_1061 : i32 to index
        %get3A_1063 = arith.constant 0 : index
        %get3A_1064 = tpu.vector_load %arg7[%get3A_1062, %get3A_1063] {strides = array<i32>} : memref<16x16xi32, #tpu.memory_space<vmem>>, vector<16xi32>,
        %mul3A_1065 = arith.constant 2 : i32
        %mul3A_1066 = arith.muli %mul3A_1065, %sub3A_809 : i32
        %add3A_1067 = arith.constant 1 : i32
        %add3A_1068 = arith.addi %mul3A_1066, %add3A_1067 : i32
        %get3A_1069 = arith.index_cast %add3A_1068 : i32 to index
        %get3A_1070 = arith.constant 16 : index
        %get3A_1071 = tpu.vector_load %arg9[%get3A_1069, %get3A_1070] {strides = array<i32>} : memref<26x128xi32, #tpu.memory_space<vmem>>, vector<16xi32>,
        %add3A_1072 = arith.constant 100 : i32
        %add3A_1073 = vector.broadcast %add3A_1072 : i32 to vector<16xi32>
        %add3A_1074 = arith.addi %get3A_1071, %add3A_1073 : vector<16xi32>
        %ne3A_1075 = arith.cmpi ne, %get3A_1064, %add3A_1074 : vector<16xi32>
        tpu.vector_store_idx %arg5[%get3A_1064, %add3A_1060], %broadcast_in_dim3A_5 masked %ne3A_1075 : memref<200x128xi32, #tpu.memory_space<vmem>>[vector<16xi32>, vector<16xi32>], vector<16xi32>, vector<16xi1>
        tpu.vector_store_idx %arg5[%add3A_1074, %add3A_1060], %broadcast_in_dim3A_3 : memref<200x128xi32, #tpu.memory_space<vmem>>[vector<16xi32>, vector<16xi32>], vector<16xi32>,
        %swap3A_1076 = arith.constant 3 : i32
        %swap3A_1077 = arith.index_cast %swap3A_1076 : i32 to index
        %swap3A_1078 = arith.constant 0 : index
        %swap3A_1079 = tpu.vector_load %arg7[%swap3A_1077, %swap3A_1078] {strides = array<i32>} : memref<16x16xi32, #tpu.memory_space<vmem>>, vector<16xi32>,
        tpu.vector_store %arg7[%swap3A_1077, %swap3A_1078], %add3A_1074 {strides = array<i32>} : memref<16x16xi32, #tpu.memory_space<vmem>>, vector<16xi32>,
        %add3A_1080 = arith.constant 32 : i32
        %add3A_1081 = vector.broadcast %add3A_1080 : i32 to vector<16xi32>
        %add3A_1082 = arith.addi %iota3A, %add3A_1081 : vector<16xi32>
        %get3A_1083 = arith.constant 5 : i32
        %get3A_1084 = arith.index_cast %get3A_1083 : i32 to index
        %get3A_1085 = arith.constant 0 : index
        %get3A_1086 = tpu.vector_load %arg7[%get3A_1084, %get3A_1085] {strides = array<i32>} : memref<16x16xi32, #tpu.memory_space<vmem>>, vector<16xi32>,
        %mul3A_1087 = arith.constant 2 : i32
        %mul3A_1088 = arith.muli %mul3A_1087, %sub3A_809 : i32
        %add3A_1089 = arith.constant 1 : i32
        %add3A_1090 = arith.addi %mul3A_1088, %add3A_1089 : i32
        %get3A_1091 = arith.index_cast %add3A_1090 : i32 to index
        %get3A_1092 = arith.constant 32 : index
        %get3A_1093 = tpu.vector_load %arg9[%get3A_1091, %get3A_1092] {strides = array<i32>} : memref<26x128xi32, #tpu.memory_space<vmem>>, vector<16xi32>,
        %add3A_1094 = arith.constant 100 : i32
        %add3A_1095 = vector.broadcast %add3A_1094 : i32 to vector<16xi32>
        %add3A_1096 = arith.addi %get3A_1093, %add3A_1095 : vector<16xi32>
        %ne3A_1097 = arith.cmpi ne, %get3A_1086, %add3A_1096 : vector<16xi32>
        tpu.vector_store_idx %arg5[%get3A_1086, %add3A_1082], %broadcast_in_dim3A_5 masked %ne3A_1097 : memref<200x128xi32, #tpu.memory_space<vmem>>[vector<16xi32>, vector<16xi32>], vector<16xi32>, vector<16xi1>
        tpu.vector_store_idx %arg5[%add3A_1096, %add3A_1082], %broadcast_in_dim3A_3 : memref<200x128xi32, #tpu.memory_space<vmem>>[vector<16xi32>, vector<16xi32>], vector<16xi32>,
        %swap3A_1098 = arith.constant 5 : i32
        %swap3A_1099 = arith.index_cast %swap3A_1098 : i32 to index
        %swap3A_1100 = arith.constant 0 : index
        %swap3A_1101 = tpu.vector_load %arg7[%swap3A_1099, %swap3A_1100] {strides = array<i32>} : memref<16x16xi32, #tpu.memory_space<vmem>>, vector<16xi32>,
        tpu.vector_store %arg7[%swap3A_1099, %swap3A_1100], %add3A_1096 {strides = array<i32>} : memref<16x16xi32, #tpu.memory_space<vmem>>, vector<16xi32>,
        %add3A_1102 = arith.constant 48 : i32
        %add3A_1103 = vector.broadcast %add3A_1102 : i32 to vector<16xi32>
        %add3A_1104 = arith.addi %iota3A, %add3A_1103 : vector<16xi32>
        %get3A_1105 = arith.constant 7 : i32
        %get3A_1106 = arith.index_cast %get3A_1105 : i32 to index
        %get3A_1107 = arith.constant 0 : index
        %get3A_1108 = tpu.vector_load %arg7[%get3A_1106, %get3A_1107] {strides = array<i32>} : memref<16x16xi32, #tpu.memory_space<vmem>>, vector<16xi32>,
        %mul3A_1109 = arith.constant 2 : i32
        %mul3A_1110 = arith.muli %mul3A_1109, %sub3A_809 : i32
        %add3A_1111 = arith.constant 1 : i32
        %add3A_1112 = arith.addi %mul3A_1110, %add3A_1111 : i32
        %get3A_1113 = arith.index_cast %add3A_1112 : i32 to index
        %get3A_1114 = arith.constant 48 : index
        %get3A_1115 = tpu.vector_load %arg9[%get3A_1113, %get3A_1114] {strides = array<i32>} : memref<26x128xi32, #tpu.memory_space<vmem>>, vector<16xi32>,
        %add3A_1116 = arith.constant 100 : i32
        %add3A_1117 = vector.broadcast %add3A_1116 : i32 to vector<16xi32>
        %add3A_1118 = arith.addi %get3A_1115, %add3A_1117 : vector<16xi32>
        %ne3A_1119 = arith.cmpi ne, %get3A_1108, %add3A_1118 : vector<16xi32>
        tpu.vector_store_idx %arg5[%get3A_1108, %add3A_1104], %broadcast_in_dim3A_5 masked %ne3A_1119 : memref<200x128xi32, #tpu.memory_space<vmem>>[vector<16xi32>, vector<16xi32>], vector<16xi32>, vector<16xi1>
        tpu.vector_store_idx %arg5[%add3A_1118, %add3A_1104], %broadcast_in_dim3A_3 : memref<200x128xi32, #tpu.memory_space<vmem>>[vector<16xi32>, vector<16xi32>], vector<16xi32>,
        %swap3A_1120 = arith.constant 7 : i32
        %swap3A_1121 = arith.index_cast %swap3A_1120 : i32 to index
        %swap3A_1122 = arith.constant 0 : index
        %swap3A_1123 = tpu.vector_load %arg7[%swap3A_1121, %swap3A_1122] {strides = array<i32>} : memref<16x16xi32, #tpu.memory_space<vmem>>, vector<16xi32>,
        tpu.vector_store %arg7[%swap3A_1121, %swap3A_1122], %add3A_1118 {strides = array<i32>} : memref<16x16xi32, #tpu.memory_space<vmem>>, vector<16xi32>,
        %add3A_1124 = arith.constant 64 : i32
        %add3A_1125 = vector.broadcast %add3A_1124 : i32 to vector<16xi32>
        %add3A_1126 = arith.addi %iota3A, %add3A_1125 : vector<16xi32>
        %get3A_1127 = arith.constant 9 : i32
        %get3A_1128 = arith.index_cast %get3A_1127 : i32 to index
        %get3A_1129 = arith.constant 0 : index
        %get3A_1130 = tpu.vector_load %arg7[%get3A_1128, %get3A_1129] {strides = array<i32>} : memref<16x16xi32, #tpu.memory_space<vmem>>, vector<16xi32>,
        %mul3A_1131 = arith.constant 2 : i32
        %mul3A_1132 = arith.muli %mul3A_1131, %sub3A_809 : i32
        %add3A_1133 = arith.constant 1 : i32
        %add3A_1134 = arith.addi %mul3A_1132, %add3A_1133 : i32
        %get3A_1135 = arith.index_cast %add3A_1134 : i32 to index
        %get3A_1136 = arith.constant 64 : index
        %get3A_1137 = tpu.vector_load %arg9[%get3A_1135, %get3A_1136] {strides = array<i32>} : memref<26x128xi32, #tpu.memory_space<vmem>>, vector<16xi32>,
        %add3A_1138 = arith.constant 100 : i32
        %add3A_1139 = vector.broadcast %add3A_1138 : i32 to vector<16xi32>
        %add3A_1140 = arith.addi %get3A_1137, %add3A_1139 : vector<16xi32>
        %ne3A_1141 = arith.cmpi ne, %get3A_1130, %add3A_1140 : vector<16xi32>
        tpu.vector_store_idx %arg5[%get3A_1130, %add3A_1126], %broadcast_in_dim3A_5 masked %ne3A_1141 : memref<200x128xi32, #tpu.memory_space<vmem>>[vector<16xi32>, vector<16xi32>], vector<16xi32>, vector<16xi1>
        tpu.vector_store_idx %arg5[%add3A_1140, %add3A_1126], %broadcast_in_dim3A_3 : memref<200x128xi32, #tpu.memory_space<vmem>>[vector<16xi32>, vector<16xi32>], vector<16xi32>,
        %swap3A_1142 = arith.constant 9 : i32
        %swap3A_1143 = arith.index_cast %swap3A_1142 : i32 to index
        %swap3A_1144 = arith.constant 0 : index
        %swap3A_1145 = tpu.vector_load %arg7[%swap3A_1143, %swap3A_1144] {strides = array<i32>} : memref<16x16xi32, #tpu.memory_space<vmem>>, vector<16xi32>,
        tpu.vector_store %arg7[%swap3A_1143, %swap3A_1144], %add3A_1140 {strides = array<i32>} : memref<16x16xi32, #tpu.memory_space<vmem>>, vector<16xi32>,
        %add3A_1146 = arith.constant 80 : i32
        %add3A_1147 = vector.broadcast %add3A_1146 : i32 to vector<16xi32>
        %add3A_1148 = arith.addi %iota3A, %add3A_1147 : vector<16xi32>
        %get3A_1149 = arith.constant 11 : i32
        %get3A_1150 = arith.index_cast %get3A_1149 : i32 to index
        %get3A_1151 = arith.constant 0 : index
        %get3A_1152 = tpu.vector_load %arg7[%get3A_1150, %get3A_1151] {strides = array<i32>} : memref<16x16xi32, #tpu.memory_space<vmem>>, vector<16xi32>,
        %mul3A_1153 = arith.constant 2 : i32
        %mul3A_1154 = arith.muli %mul3A_1153, %sub3A_809 : i32
        %add3A_1155 = arith.constant 1 : i32
        %add3A_1156 = arith.addi %mul3A_1154, %add3A_1155 : i32
        %get3A_1157 = arith.index_cast %add3A_1156 : i32 to index
        %get3A_1158 = arith.constant 80 : index
        %get3A_1159 = tpu.vector_load %arg9[%get3A_1157, %get3A_1158] {strides = array<i32>} : memref<26x128xi32, #tpu.memory_space<vmem>>, vector<16xi32>,
        %add3A_1160 = arith.constant 100 : i32
        %add3A_1161 = vector.broadcast %add3A_1160 : i32 to vector<16xi32>
        %add3A_1162 = arith.addi %get3A_1159, %add3A_1161 : vector<16xi32>
        %ne3A_1163 = arith.cmpi ne, %get3A_1152, %add3A_1162 : vector<16xi32>
        tpu.vector_store_idx %arg5[%get3A_1152, %add3A_1148], %broadcast_in_dim3A_5 masked %ne3A_1163 : memref<200x128xi32, #tpu.memory_space<vmem>>[vector<16xi32>, vector<16xi32>], vector<16xi32>, vector<16xi1>
        tpu.vector_store_idx %arg5[%add3A_1162, %add3A_1148], %broadcast_in_dim3A_3 : memref<200x128xi32, #tpu.memory_space<vmem>>[vector<16xi32>, vector<16xi32>], vector<16xi32>,
        %swap3A_1164 = arith.constant 11 : i32
        %swap3A_1165 = arith.index_cast %swap3A_1164 : i32 to index
        %swap3A_1166 = arith.constant 0 : index
        %swap3A_1167 = tpu.vector_load %arg7[%swap3A_1165, %swap3A_1166] {strides = array<i32>} : memref<16x16xi32, #tpu.memory_space<vmem>>, vector<16xi32>,
        tpu.vector_store %arg7[%swap3A_1165, %swap3A_1166], %add3A_1162 {strides = array<i32>} : memref<16x16xi32, #tpu.memory_space<vmem>>, vector<16xi32>,
        %add3A_1168 = arith.constant 96 : i32
        %add3A_1169 = vector.broadcast %add3A_1168 : i32 to vector<16xi32>
        %add3A_1170 = arith.addi %iota3A, %add3A_1169 : vector<16xi32>
        %get3A_1171 = arith.constant 13 : i32
        %get3A_1172 = arith.index_cast %get3A_1171 : i32 to index
        %get3A_1173 = arith.constant 0 : index
        %get3A_1174 = tpu.vector_load %arg7[%get3A_1172, %get3A_1173] {strides = array<i32>} : memref<16x16xi32, #tpu.memory_space<vmem>>, vector<16xi32>,
        %mul3A_1175 = arith.constant 2 : i32
        %mul3A_1176 = arith.muli %mul3A_1175, %sub3A_809 : i32
        %add3A_1177 = arith.constant 1 : i32
        %add3A_1178 = arith.addi %mul3A_1176, %add3A_1177 : i32
        %get3A_1179 = arith.index_cast %add3A_1178 : i32 to index
        %get3A_1180 = arith.constant 96 : index
        %get3A_1181 = tpu.vector_load %arg9[%get3A_1179, %get3A_1180] {strides = array<i32>} : memref<26x128xi32, #tpu.memory_space<vmem>>, vector<16xi32>,
        %add3A_1182 = arith.constant 100 : i32
        %add3A_1183 = vector.broadcast %add3A_1182 : i32 to vector<16xi32>
        %add3A_1184 = arith.addi %get3A_1181, %add3A_1183 : vector<16xi32>
        %ne3A_1185 = arith.cmpi ne, %get3A_1174, %add3A_1184 : vector<16xi32>
        tpu.vector_store_idx %arg5[%get3A_1174, %add3A_1170], %broadcast_in_dim3A_5 masked %ne3A_1185 : memref<200x128xi32, #tpu.memory_space<vmem>>[vector<16xi32>, vector<16xi32>], vector<16xi32>, vector<16xi1>
        tpu.vector_store_idx %arg5[%add3A_1184, %add3A_1170], %broadcast_in_dim3A_3 : memref<200x128xi32, #tpu.memory_space<vmem>>[vector<16xi32>, vector<16xi32>], vector<16xi32>,
        %swap3A_1186 = arith.constant 13 : i32
        %swap3A_1187 = arith.index_cast %swap3A_1186 : i32 to index
        %swap3A_1188 = arith.constant 0 : index
        %swap3A_1189 = tpu.vector_load %arg7[%swap3A_1187, %swap3A_1188] {strides = array<i32>} : memref<16x16xi32, #tpu.memory_space<vmem>>, vector<16xi32>,
        tpu.vector_store %arg7[%swap3A_1187, %swap3A_1188], %add3A_1184 {strides = array<i32>} : memref<16x16xi32, #tpu.memory_space<vmem>>, vector<16xi32>,
        %add3A_1190 = arith.constant 112 : i32
        %add3A_1191 = vector.broadcast %add3A_1190 : i32 to vector<16xi32>
        %add3A_1192 = arith.addi %iota3A, %add3A_1191 : vector<16xi32>
        %get3A_1193 = arith.constant 15 : i32
        %get3A_1194 = arith.index_cast %get3A_1193 : i32 to index
        %get3A_1195 = arith.constant 0 : index
        %get3A_1196 = tpu.vector_load %arg7[%get3A_1194, %get3A_1195] {strides = array<i32>} : memref<16x16xi32, #tpu.memory_space<vmem>>, vector<16xi32>,
        %mul3A_1197 = arith.constant 2 : i32
        %mul3A_1198 = arith.muli %mul3A_1197, %sub3A_809 : i32
        %add3A_1199 = arith.constant 1 : i32
        %add3A_1200 = arith.addi %mul3A_1198, %add3A_1199 : i32
        %get3A_1201 = arith.index_cast %add3A_1200 : i32 to index
        %get3A_1202 = arith.constant 112 : index
        %get3A_1203 = tpu.vector_load %arg9[%get3A_1201, %get3A_1202] {strides = array<i32>} : memref<26x128xi32, #tpu.memory_space<vmem>>, vector<16xi32>,
        %add3A_1204 = arith.constant 100 : i32
        %add3A_1205 = vector.broadcast %add3A_1204 : i32 to vector<16xi32>
        %add3A_1206 = arith.addi %get3A_1203, %add3A_1205 : vector<16xi32>
        %ne3A_1207 = arith.cmpi ne, %get3A_1196, %add3A_1206 : vector<16xi32>
        tpu.vector_store_idx %arg5[%get3A_1196, %add3A_1192], %broadcast_in_dim3A_5 masked %ne3A_1207 : memref<200x128xi32, #tpu.memory_space<vmem>>[vector<16xi32>, vector<16xi32>], vector<16xi32>, vector<16xi1>
        tpu.vector_store_idx %arg5[%add3A_1206, %add3A_1192], %broadcast_in_dim3A_3 : memref<200x128xi32, #tpu.memory_space<vmem>>[vector<16xi32>, vector<16xi32>], vector<16xi32>,
        %swap3A_1208 = arith.constant 15 : i32
        %swap3A_1209 = arith.index_cast %swap3A_1208 : i32 to index
        %swap3A_1210 = arith.constant 0 : index
        %swap3A_1211 = tpu.vector_load %arg7[%swap3A_1209, %swap3A_1210] {strides = array<i32>} : memref<16x16xi32, #tpu.memory_space<vmem>>, vector<16xi32>,
        tpu.vector_store %arg7[%swap3A_1209, %swap3A_1210], %add3A_1206 {strides = array<i32>} : memref<16x16xi32, #tpu.memory_space<vmem>>, vector<16xi32>,
        %mul3A_1212 = arith.constant 200 : i32
        %mul3A_1213 = arith.muli %sub3A_809, %mul3A_1212 : i32
        %dma_start3A_1214 = tpu.memref_slice %arg4[%mul3A_1213, %add3A_814] : memref<2600x16384xi32, #tpu.memory_space<hbm>> -> memref<200x128xi32, #tpu.memory_space<hbm>>
        %dma_start3A_1215 = tpu.memref_slice %arg4[%mul3A_1213, %add3A_814] : memref<2600x16384xi32, #tpu.memory_space<hbm>> -> memref<200x128xi32, #tpu.memory_space<hbm>>
        tpu.enqueue_dma source(%arg5 : memref<200x128xi32, #tpu.memory_space<vmem>>) target(%dma_start3A_1215 : memref<200x128xi32, #tpu.memory_space<hbm>>) target_semaphore(%arg10 : memref<!tpu.dma_semaphore, #tpu.memory_space<semaphore_mem>>)
      } else {
      }
      %jit3A_835 = arith.constant 2 : i32
      %eq3A_836 = arith.constant 0 : i32
      %eq3A_837 = arith.cmpi eq, %jit3A_835, %eq3A_836 : i32
      %jit3A_838 = arith.constant 1 : i32
      %select_n3A_839 = arith.select %eq3A_837, %jit3A_838, %jit3A_835 : i32
      %rem3A_840 = arith.remsi %scan3A_789, %select_n3A_839 : i32
      %ne3A_841 = arith.constant 0 : i32
      %ne3A_842 = arith.cmpi ne, %rem3A_840, %ne3A_841 : i32
      %lt3A_843 = arith.constant 0 : i32
      %lt3A_844 = arith.cmpi slt, %rem3A_840, %lt3A_843 : i32
      %lt3A_845 = arith.constant 0 : i32
      %lt3A_846 = arith.cmpi slt, %select_n3A_839, %lt3A_845 : i32
      %ne3A_847 = arith.xori %lt3A_844, %lt3A_846 : i1
      %and3A_848 = arith.andi %ne3A_847, %ne3A_842 : i1
      %add3A_849 = arith.addi %rem3A_840, %select_n3A_839 : i32
      %select_n3A_850 = arith.select %and3A_848, %add3A_849, %rem3A_840 : i32
      %eq3A_851 = arith.constant 1 : i32
      %eq3A_852 = arith.cmpi eq, %select_n3A_850, %eq3A_851 : i32
      %convert_element_type3A_853 = arith.extui %eq3A_852 : i1 to i32
      %cond3A_854 = arith.constant 0 : i32
      %cond3A_855 = arith.cmpi ne, %convert_element_type3A_853, %cond3A_854 : i32
      scf.if %cond3A_855 {
        %dma_wait3A_856 = arith.constant 0 : i32
        %dma_wait3A_857 = tpu.memref_slice %arg4[%dma_wait3A_856, %mul3A_2] : memref<2600x16384xi32, #tpu.memory_space<hbm>> -> memref<200x128xi32, #tpu.memory_space<hbm>>
        %dma_wait3A_858 = arith.constant 0 : i32
        %dma_wait3A_859 = tpu.memref_slice %arg4[%dma_wait3A_858, %mul3A_2] : memref<2600x16384xi32, #tpu.memory_space<hbm>> -> memref<200x128xi32, #tpu.memory_space<hbm>>
        tpu.wait_dma2 semaphore(%arg11 : memref<!tpu.dma_semaphore, #tpu.memory_space<semaphore_mem>>) src(%arg6 : memref<200x128xi32, #tpu.memory_space<vmem>>) dst(%dma_wait3A_859 : memref<200x128xi32, #tpu.memory_space<hbm>>)
        %add3A_860 = arith.constant 0 : i32
        %add3A_861 = vector.broadcast %add3A_860 : i32 to vector<16xi32>
        %add3A_862 = arith.addi %iota3A, %add3A_861 : vector<16xi32>
        %get3A_863 = arith.constant 0 : i32
        %get3A_864 = arith.index_cast %get3A_863 : i32 to index
        %get3A_865 = arith.constant 0 : index
        %get3A_866 = tpu.vector_load %arg8[%get3A_864, %get3A_865] {strides = array<i32>} : memref<16x16xi32, #tpu.memory_space<vmem>>, vector<16xi32>,
        %mul3A_867 = arith.constant 2 : i32
        %mul3A_868 = arith.muli %mul3A_867, %sub3A_809 : i32
        %add3A_869 = arith.constant 0 : i32
        %add3A_870 = arith.addi %mul3A_868, %add3A_869 : i32
        %get3A_871 = arith.index_cast %add3A_870 : i32 to index
        %get3A_872 = arith.constant 0 : index
        %get3A_873 = tpu.vector_load %arg9[%get3A_871, %get3A_872] {strides = array<i32>} : memref<26x128xi32, #tpu.memory_space<vmem>>, vector<16xi32>,
        %add3A_874 = arith.constant 0 : i32
        %add3A_875 = vector.broadcast %add3A_874 : i32 to vector<16xi32>
        %add3A_876 = arith.addi %get3A_873, %add3A_875 : vector<16xi32>
        %ne3A_877 = arith.cmpi ne, %get3A_866, %add3A_876 : vector<16xi32>
        tpu.vector_store_idx %arg6[%get3A_866, %add3A_862], %broadcast_in_dim3A_5 masked %ne3A_877 : memref<200x128xi32, #tpu.memory_space<vmem>>[vector<16xi32>, vector<16xi32>], vector<16xi32>, vector<16xi1>
        tpu.vector_store_idx %arg6[%add3A_876, %add3A_862], %broadcast_in_dim3A_3 : memref<200x128xi32, #tpu.memory_space<vmem>>[vector<16xi32>, vector<16xi32>], vector<16xi32>,
        %swap3A_878 = arith.constant 0 : i32
        %swap3A_879 = arith.index_cast %swap3A_878 : i32 to index
        %swap3A_880 = arith.constant 0 : index
        %swap3A_881 = tpu.vector_load %arg8[%swap3A_879, %swap3A_880] {strides = array<i32>} : memref<16x16xi32, #tpu.memory_space<vmem>>, vector<16xi32>,
        tpu.vector_store %arg8[%swap3A_879, %swap3A_880], %add3A_876 {strides = array<i32>} : memref<16x16xi32, #tpu.memory_space<vmem>>, vector<16xi32>,
        %add3A_882 = arith.constant 16 : i32
        %add3A_883 = vector.broadcast %add3A_882 : i32 to vector<16xi32>
        %add3A_884 = arith.addi %iota3A, %add3A_883 : vector<16xi32>
        %get3A_885 = arith.constant 2 : i32
        %get3A_886 = arith.index_cast %get3A_885 : i32 to index
        %get3A_887 = arith.constant 0 : index
        %get3A_888 = tpu.vector_load %arg8[%get3A_886, %get3A_887] {strides = array<i32>} : memref<16x16xi32, #tpu.memory_space<vmem>>, vector<16xi32>,
        %mul3A_889 = arith.constant 2 : i32
        %mul3A_890 = arith.muli %mul3A_889, %sub3A_809 : i32
        %add3A_891 = arith.constant 0 : i32
        %add3A_892 = arith.addi %mul3A_890, %add3A_891 : i32
        %get3A_893 = arith.index_cast %add3A_892 : i32 to index
        %get3A_894 = arith.constant 16 : index
        %get3A_895 = tpu.vector_load %arg9[%get3A_893, %get3A_894] {strides = array<i32>} : memref<26x128xi32, #tpu.memory_space<vmem>>, vector<16xi32>,
        %add3A_896 = arith.constant 0 : i32
        %add3A_897 = vector.broadcast %add3A_896 : i32 to vector<16xi32>
        %add3A_898 = arith.addi %get3A_895, %add3A_897 : vector<16xi32>
        %ne3A_899 = arith.cmpi ne, %get3A_888, %add3A_898 : vector<16xi32>
        tpu.vector_store_idx %arg6[%get3A_888, %add3A_884], %broadcast_in_dim3A_5 masked %ne3A_899 : memref<200x128xi32, #tpu.memory_space<vmem>>[vector<16xi32>, vector<16xi32>], vector<16xi32>, vector<16xi1>
        tpu.vector_store_idx %arg6[%add3A_898, %add3A_884], %broadcast_in_dim3A_3 : memref<200x128xi32, #tpu.memory_space<vmem>>[vector<16xi32>, vector<16xi32>], vector<16xi32>,
        %swap3A_900 = arith.constant 2 : i32
        %swap3A_901 = arith.index_cast %swap3A_900 : i32 to index
        %swap3A_902 = arith.constant 0 : index
        %swap3A_903 = tpu.vector_load %arg8[%swap3A_901, %swap3A_902] {strides = array<i32>} : memref<16x16xi32, #tpu.memory_space<vmem>>, vector<16xi32>,
        tpu.vector_store %arg8[%swap3A_901, %swap3A_902], %add3A_898 {strides = array<i32>} : memref<16x16xi32, #tpu.memory_space<vmem>>, vector<16xi32>,
        %add3A_904 = arith.constant 32 : i32
        %add3A_905 = vector.broadcast %add3A_904 : i32 to vector<16xi32>
        %add3A_906 = arith.addi %iota3A, %add3A_905 : vector<16xi32>
        %get3A_907 = arith.constant 4 : i32
        %get3A_908 = arith.index_cast %get3A_907 : i32 to index
        %get3A_909 = arith.constant 0 : index
        %get3A_910 = tpu.vector_load %arg8[%get3A_908, %get3A_909] {strides = array<i32>} : memref<16x16xi32, #tpu.memory_space<vmem>>, vector<16xi32>,
        %mul3A_911 = arith.constant 2 : i32
        %mul3A_912 = arith.muli %mul3A_911, %sub3A_809 : i32
        %add3A_913 = arith.constant 0 : i32
        %add3A_914 = arith.addi %mul3A_912, %add3A_913 : i32
        %get3A_915 = arith.index_cast %add3A_914 : i32 to index
        %get3A_916 = arith.constant 32 : index
        %get3A_917 = tpu.vector_load %arg9[%get3A_915, %get3A_916] {strides = array<i32>} : memref<26x128xi32, #tpu.memory_space<vmem>>, vector<16xi32>,
        %add3A_918 = arith.constant 0 : i32
        %add3A_919 = vector.broadcast %add3A_918 : i32 to vector<16xi32>
        %add3A_920 = arith.addi %get3A_917, %add3A_919 : vector<16xi32>
        %ne3A_921 = arith.cmpi ne, %get3A_910, %add3A_920 : vector<16xi32>
        tpu.vector_store_idx %arg6[%get3A_910, %add3A_906], %broadcast_in_dim3A_5 masked %ne3A_921 : memref<200x128xi32, #tpu.memory_space<vmem>>[vector<16xi32>, vector<16xi32>], vector<16xi32>, vector<16xi1>
        tpu.vector_store_idx %arg6[%add3A_920, %add3A_906], %broadcast_in_dim3A_3 : memref<200x128xi32, #tpu.memory_space<vmem>>[vector<16xi32>, vector<16xi32>], vector<16xi32>,
        %swap3A_922 = arith.constant 4 : i32
        %swap3A_923 = arith.index_cast %swap3A_922 : i32 to index
        %swap3A_924 = arith.constant 0 : index
        %swap3A_925 = tpu.vector_load %arg8[%swap3A_923, %swap3A_924] {strides = array<i32>} : memref<16x16xi32, #tpu.memory_space<vmem>>, vector<16xi32>,
        tpu.vector_store %arg8[%swap3A_923, %swap3A_924], %add3A_920 {strides = array<i32>} : memref<16x16xi32, #tpu.memory_space<vmem>>, vector<16xi32>,
        %add3A_926 = arith.constant 48 : i32
        %add3A_927 = vector.broadcast %add3A_926 : i32 to vector<16xi32>
        %add3A_928 = arith.addi %iota3A, %add3A_927 : vector<16xi32>
        %get3A_929 = arith.constant 6 : i32
        %get3A_930 = arith.index_cast %get3A_929 : i32 to index
        %get3A_931 = arith.constant 0 : index
        %get3A_932 = tpu.vector_load %arg8[%get3A_930, %get3A_931] {strides = array<i32>} : memref<16x16xi32, #tpu.memory_space<vmem>>, vector<16xi32>,
        %mul3A_933 = arith.constant 2 : i32
        %mul3A_934 = arith.muli %mul3A_933, %sub3A_809 : i32
        %add3A_935 = arith.constant 0 : i32
        %add3A_936 = arith.addi %mul3A_934, %add3A_935 : i32
        %get3A_937 = arith.index_cast %add3A_936 : i32 to index
        %get3A_938 = arith.constant 48 : index
        %get3A_939 = tpu.vector_load %arg9[%get3A_937, %get3A_938] {strides = array<i32>} : memref<26x128xi32, #tpu.memory_space<vmem>>, vector<16xi32>,
        %add3A_940 = arith.constant 0 : i32
        %add3A_941 = vector.broadcast %add3A_940 : i32 to vector<16xi32>
        %add3A_942 = arith.addi %get3A_939, %add3A_941 : vector<16xi32>
        %ne3A_943 = arith.cmpi ne, %get3A_932, %add3A_942 : vector<16xi32>
        tpu.vector_store_idx %arg6[%get3A_932, %add3A_928], %broadcast_in_dim3A_5 masked %ne3A_943 : memref<200x128xi32, #tpu.memory_space<vmem>>[vector<16xi32>, vector<16xi32>], vector<16xi32>, vector<16xi1>
        tpu.vector_store_idx %arg6[%add3A_942, %add3A_928], %broadcast_in_dim3A_3 : memref<200x128xi32, #tpu.memory_space<vmem>>[vector<16xi32>, vector<16xi32>], vector<16xi32>,
        %swap3A_944 = arith.constant 6 : i32
        %swap3A_945 = arith.index_cast %swap3A_944 : i32 to index
        %swap3A_946 = arith.constant 0 : index
        %swap3A_947 = tpu.vector_load %arg8[%swap3A_945, %swap3A_946] {strides = array<i32>} : memref<16x16xi32, #tpu.memory_space<vmem>>, vector<16xi32>,
        tpu.vector_store %arg8[%swap3A_945, %swap3A_946], %add3A_942 {strides = array<i32>} : memref<16x16xi32, #tpu.memory_space<vmem>>, vector<16xi32>,
        %add3A_948 = arith.constant 64 : i32
        %add3A_949 = vector.broadcast %add3A_948 : i32 to vector<16xi32>
        %add3A_950 = arith.addi %iota3A, %add3A_949 : vector<16xi32>
        %get3A_951 = arith.constant 8 : i32
        %get3A_952 = arith.index_cast %get3A_951 : i32 to index
        %get3A_953 = arith.constant 0 : index
        %get3A_954 = tpu.vector_load %arg8[%get3A_952, %get3A_953] {strides = array<i32>} : memref<16x16xi32, #tpu.memory_space<vmem>>, vector<16xi32>,
        %mul3A_955 = arith.constant 2 : i32
        %mul3A_956 = arith.muli %mul3A_955, %sub3A_809 : i32
        %add3A_957 = arith.constant 0 : i32
        %add3A_958 = arith.addi %mul3A_956, %add3A_957 : i32
        %get3A_959 = arith.index_cast %add3A_958 : i32 to index
        %get3A_960 = arith.constant 64 : index
        %get3A_961 = tpu.vector_load %arg9[%get3A_959, %get3A_960] {strides = array<i32>} : memref<26x128xi32, #tpu.memory_space<vmem>>, vector<16xi32>,
        %add3A_962 = arith.constant 0 : i32
        %add3A_963 = vector.broadcast %add3A_962 : i32 to vector<16xi32>
        %add3A_964 = arith.addi %get3A_961, %add3A_963 : vector<16xi32>
        %ne3A_965 = arith.cmpi ne, %get3A_954, %add3A_964 : vector<16xi32>
        tpu.vector_store_idx %arg6[%get3A_954, %add3A_950], %broadcast_in_dim3A_5 masked %ne3A_965 : memref<200x128xi32, #tpu.memory_space<vmem>>[vector<16xi32>, vector<16xi32>], vector<16xi32>, vector<16xi1>
        tpu.vector_store_idx %arg6[%add3A_964, %add3A_950], %broadcast_in_dim3A_3 : memref<200x128xi32, #tpu.memory_space<vmem>>[vector<16xi32>, vector<16xi32>], vector<16xi32>,
        %swap3A_966 = arith.constant 8 : i32
        %swap3A_967 = arith.index_cast %swap3A_966 : i32 to index
        %swap3A_968 = arith.constant 0 : index
        %swap3A_969 = tpu.vector_load %arg8[%swap3A_967, %swap3A_968] {strides = array<i32>} : memref<16x16xi32, #tpu.memory_space<vmem>>, vector<16xi32>,
        tpu.vector_store %arg8[%swap3A_967, %swap3A_968], %add3A_964 {strides = array<i32>} : memref<16x16xi32, #tpu.memory_space<vmem>>, vector<16xi32>,
        %add3A_970 = arith.constant 80 : i32
        %add3A_971 = vector.broadcast %add3A_970 : i32 to vector<16xi32>
        %add3A_972 = arith.addi %iota3A, %add3A_971 : vector<16xi32>
        %get3A_973 = arith.constant 10 : i32
        %get3A_974 = arith.index_cast %get3A_973 : i32 to index
        %get3A_975 = arith.constant 0 : index
        %get3A_976 = tpu.vector_load %arg8[%get3A_974, %get3A_975] {strides = array<i32>} : memref<16x16xi32, #tpu.memory_space<vmem>>, vector<16xi32>,
        %mul3A_977 = arith.constant 2 : i32
        %mul3A_978 = arith.muli %mul3A_977, %sub3A_809 : i32
        %add3A_979 = arith.constant 0 : i32
        %add3A_980 = arith.addi %mul3A_978, %add3A_979 : i32
        %get3A_981 = arith.index_cast %add3A_980 : i32 to index
        %get3A_982 = arith.constant 80 : index
        %get3A_983 = tpu.vector_load %arg9[%get3A_981, %get3A_982] {strides = array<i32>} : memref<26x128xi32, #tpu.memory_space<vmem>>, vector<16xi32>,
        %add3A_984 = arith.constant 0 : i32
        %add3A_985 = vector.broadcast %add3A_984 : i32 to vector<16xi32>
        %add3A_986 = arith.addi %get3A_983, %add3A_985 : vector<16xi32>
        %ne3A_987 = arith.cmpi ne, %get3A_976, %add3A_986 : vector<16xi32>
        tpu.vector_store_idx %arg6[%get3A_976, %add3A_972], %broadcast_in_dim3A_5 masked %ne3A_987 : memref<200x128xi32, #tpu.memory_space<vmem>>[vector<16xi32>, vector<16xi32>], vector<16xi32>, vector<16xi1>
        tpu.vector_store_idx %arg6[%add3A_986, %add3A_972], %broadcast_in_dim3A_3 : memref<200x128xi32, #tpu.memory_space<vmem>>[vector<16xi32>, vector<16xi32>], vector<16xi32>,
        %swap3A_988 = arith.constant 10 : i32
        %swap3A_989 = arith.index_cast %swap3A_988 : i32 to index
        %swap3A_990 = arith.constant 0 : index
        %swap3A_991 = tpu.vector_load %arg8[%swap3A_989, %swap3A_990] {strides = array<i32>} : memref<16x16xi32, #tpu.memory_space<vmem>>, vector<16xi32>,
        tpu.vector_store %arg8[%swap3A_989, %swap3A_990], %add3A_986 {strides = array<i32>} : memref<16x16xi32, #tpu.memory_space<vmem>>, vector<16xi32>,
        %add3A_992 = arith.constant 96 : i32
        %add3A_993 = vector.broadcast %add3A_992 : i32 to vector<16xi32>
        %add3A_994 = arith.addi %iota3A, %add3A_993 : vector<16xi32>
        %get3A_995 = arith.constant 12 : i32
        %get3A_996 = arith.index_cast %get3A_995 : i32 to index
        %get3A_997 = arith.constant 0 : index
        %get3A_998 = tpu.vector_load %arg8[%get3A_996, %get3A_997] {strides = array<i32>} : memref<16x16xi32, #tpu.memory_space<vmem>>, vector<16xi32>,
        %mul3A_999 = arith.constant 2 : i32
        %mul3A_1000 = arith.muli %mul3A_999, %sub3A_809 : i32
        %add3A_1001 = arith.constant 0 : i32
        %add3A_1002 = arith.addi %mul3A_1000, %add3A_1001 : i32
        %get3A_1003 = arith.index_cast %add3A_1002 : i32 to index
        %get3A_1004 = arith.constant 96 : index
        %get3A_1005 = tpu.vector_load %arg9[%get3A_1003, %get3A_1004] {strides = array<i32>} : memref<26x128xi32, #tpu.memory_space<vmem>>, vector<16xi32>,
        %add3A_1006 = arith.constant 0 : i32
        %add3A_1007 = vector.broadcast %add3A_1006 : i32 to vector<16xi32>
        %add3A_1008 = arith.addi %get3A_1005, %add3A_1007 : vector<16xi32>
        %ne3A_1009 = arith.cmpi ne, %get3A_998, %add3A_1008 : vector<16xi32>
        tpu.vector_store_idx %arg6[%get3A_998, %add3A_994], %broadcast_in_dim3A_5 masked %ne3A_1009 : memref<200x128xi32, #tpu.memory_space<vmem>>[vector<16xi32>, vector<16xi32>], vector<16xi32>, vector<16xi1>
        tpu.vector_store_idx %arg6[%add3A_1008, %add3A_994], %broadcast_in_dim3A_3 : memref<200x128xi32, #tpu.memory_space<vmem>>[vector<16xi32>, vector<16xi32>], vector<16xi32>,
        %swap3A_1010 = arith.constant 12 : i32
        %swap3A_1011 = arith.index_cast %swap3A_1010 : i32 to index
        %swap3A_1012 = arith.constant 0 : index
        %swap3A_1013 = tpu.vector_load %arg8[%swap3A_1011, %swap3A_1012] {strides = array<i32>} : memref<16x16xi32, #tpu.memory_space<vmem>>, vector<16xi32>,
        tpu.vector_store %arg8[%swap3A_1011, %swap3A_1012], %add3A_1008 {strides = array<i32>} : memref<16x16xi32, #tpu.memory_space<vmem>>, vector<16xi32>,
        %add3A_1014 = arith.constant 112 : i32
        %add3A_1015 = vector.broadcast %add3A_1014 : i32 to vector<16xi32>
        %add3A_1016 = arith.addi %iota3A, %add3A_1015 : vector<16xi32>
        %get3A_1017 = arith.constant 14 : i32
        %get3A_1018 = arith.index_cast %get3A_1017 : i32 to index
        %get3A_1019 = arith.constant 0 : index
        %get3A_1020 = tpu.vector_load %arg8[%get3A_1018, %get3A_1019] {strides = array<i32>} : memref<16x16xi32, #tpu.memory_space<vmem>>, vector<16xi32>,
        %mul3A_1021 = arith.constant 2 : i32
        %mul3A_1022 = arith.muli %mul3A_1021, %sub3A_809 : i32
        %add3A_1023 = arith.constant 0 : i32
        %add3A_1024 = arith.addi %mul3A_1022, %add3A_1023 : i32
        %get3A_1025 = arith.index_cast %add3A_1024 : i32 to index
        %get3A_1026 = arith.constant 112 : index
        %get3A_1027 = tpu.vector_load %arg9[%get3A_1025, %get3A_1026] {strides = array<i32>} : memref<26x128xi32, #tpu.memory_space<vmem>>, vector<16xi32>,
        %add3A_1028 = arith.constant 0 : i32
        %add3A_1029 = vector.broadcast %add3A_1028 : i32 to vector<16xi32>
        %add3A_1030 = arith.addi %get3A_1027, %add3A_1029 : vector<16xi32>
        %ne3A_1031 = arith.cmpi ne, %get3A_1020, %add3A_1030 : vector<16xi32>
        tpu.vector_store_idx %arg6[%get3A_1020, %add3A_1016], %broadcast_in_dim3A_5 masked %ne3A_1031 : memref<200x128xi32, #tpu.memory_space<vmem>>[vector<16xi32>, vector<16xi32>], vector<16xi32>, vector<16xi1>
        tpu.vector_store_idx %arg6[%add3A_1030, %add3A_1016], %broadcast_in_dim3A_3 : memref<200x128xi32, #tpu.memory_space<vmem>>[vector<16xi32>, vector<16xi32>], vector<16xi32>,
        %swap3A_1032 = arith.constant 14 : i32
        %swap3A_1033 = arith.index_cast %swap3A_1032 : i32 to index
        %swap3A_1034 = arith.constant 0 : index
        %swap3A_1035 = tpu.vector_load %arg8[%swap3A_1033, %swap3A_1034] {strides = array<i32>} : memref<16x16xi32, #tpu.memory_space<vmem>>, vector<16xi32>,
        tpu.vector_store %arg8[%swap3A_1033, %swap3A_1034], %add3A_1030 {strides = array<i32>} : memref<16x16xi32, #tpu.memory_space<vmem>>, vector<16xi32>,
        %add3A_1036 = arith.constant 0 : i32
        %add3A_1037 = vector.broadcast %add3A_1036 : i32 to vector<16xi32>
        %add3A_1038 = arith.addi %iota3A, %add3A_1037 : vector<16xi32>
        %get3A_1039 = arith.constant 1 : i32
        %get3A_1040 = arith.index_cast %get3A_1039 : i32 to index
        %get3A_1041 = arith.constant 0 : index
        %get3A_1042 = tpu.vector_load %arg8[%get3A_1040, %get3A_1041] {strides = array<i32>} : memref<16x16xi32, #tpu.memory_space<vmem>>, vector<16xi32>,
        %mul3A_1043 = arith.constant 2 : i32
        %mul3A_1044 = arith.muli %mul3A_1043, %sub3A_809 : i32
        %add3A_1045 = arith.constant 1 : i32
        %add3A_1046 = arith.addi %mul3A_1044, %add3A_1045 : i32
        %get3A_1047 = arith.index_cast %add3A_1046 : i32 to index
        %get3A_1048 = arith.constant 0 : index
        %get3A_1049 = tpu.vector_load %arg9[%get3A_1047, %get3A_1048] {strides = array<i32>} : memref<26x128xi32, #tpu.memory_space<vmem>>, vector<16xi32>,
        %add3A_1050 = arith.constant 100 : i32
        %add3A_1051 = vector.broadcast %add3A_1050 : i32 to vector<16xi32>
        %add3A_1052 = arith.addi %get3A_1049, %add3A_1051 : vector<16xi32>
        %ne3A_1053 = arith.cmpi ne, %get3A_1042, %add3A_1052 : vector<16xi32>
        tpu.vector_store_idx %arg6[%get3A_1042, %add3A_1038], %broadcast_in_dim3A_5 masked %ne3A_1053 : memref<200x128xi32, #tpu.memory_space<vmem>>[vector<16xi32>, vector<16xi32>], vector<16xi32>, vector<16xi1>
        tpu.vector_store_idx %arg6[%add3A_1052, %add3A_1038], %broadcast_in_dim3A_3 : memref<200x128xi32, #tpu.memory_space<vmem>>[vector<16xi32>, vector<16xi32>], vector<16xi32>,
        %swap3A_1054 = arith.constant 1 : i32
        %swap3A_1055 = arith.index_cast %swap3A_1054 : i32 to index
        %swap3A_1056 = arith.constant 0 : index
        %swap3A_1057 = tpu.vector_load %arg8[%swap3A_1055, %swap3A_1056] {strides = array<i32>} : memref<16x16xi32, #tpu.memory_space<vmem>>, vector<16xi32>,
        tpu.vector_store %arg8[%swap3A_1055, %swap3A_1056], %add3A_1052 {strides = array<i32>} : memref<16x16xi32, #tpu.memory_space<vmem>>, vector<16xi32>,
        %add3A_1058 = arith.constant 16 : i32
        %add3A_1059 = vector.broadcast %add3A_1058 : i32 to vector<16xi32>
        %add3A_1060 = arith.addi %iota3A, %add3A_1059 : vector<16xi32>
        %get3A_1061 = arith.constant 3 : i32
        %get3A_1062 = arith.index_cast %get3A_1061 : i32 to index
        %get3A_1063 = arith.constant 0 : index
        %get3A_1064 = tpu.vector_load %arg8[%get3A_1062, %get3A_1063] {strides = array<i32>} : memref<16x16xi32, #tpu.memory_space<vmem>>, vector<16xi32>,
        %mul3A_1065 = arith.constant 2 : i32
        %mul3A_1066 = arith.muli %mul3A_1065, %sub3A_809 : i32
        %add3A_1067 = arith.constant 1 : i32
        %add3A_1068 = arith.addi %mul3A_1066, %add3A_1067 : i32
        %get3A_1069 = arith.index_cast %add3A_1068 : i32 to index
        %get3A_1070 = arith.constant 16 : index
        %get3A_1071 = tpu.vector_load %arg9[%get3A_1069, %get3A_1070] {strides = array<i32>} : memref<26x128xi32, #tpu.memory_space<vmem>>, vector<16xi32>,
        %add3A_1072 = arith.constant 100 : i32
        %add3A_1073 = vector.broadcast %add3A_1072 : i32 to vector<16xi32>
        %add3A_1074 = arith.addi %get3A_1071, %add3A_1073 : vector<16xi32>
        %ne3A_1075 = arith.cmpi ne, %get3A_1064, %add3A_1074 : vector<16xi32>
        tpu.vector_store_idx %arg6[%get3A_1064, %add3A_1060], %broadcast_in_dim3A_5 masked %ne3A_1075 : memref<200x128xi32, #tpu.memory_space<vmem>>[vector<16xi32>, vector<16xi32>], vector<16xi32>, vector<16xi1>
        tpu.vector_store_idx %arg6[%add3A_1074, %add3A_1060], %broadcast_in_dim3A_3 : memref<200x128xi32, #tpu.memory_space<vmem>>[vector<16xi32>, vector<16xi32>], vector<16xi32>,
        %swap3A_1076 = arith.constant 3 : i32
        %swap3A_1077 = arith.index_cast %swap3A_1076 : i32 to index
        %swap3A_1078 = arith.constant 0 : index
        %swap3A_1079 = tpu.vector_load %arg8[%swap3A_1077, %swap3A_1078] {strides = array<i32>} : memref<16x16xi32, #tpu.memory_space<vmem>>, vector<16xi32>,
        tpu.vector_store %arg8[%swap3A_1077, %swap3A_1078], %add3A_1074 {strides = array<i32>} : memref<16x16xi32, #tpu.memory_space<vmem>>, vector<16xi32>,
        %add3A_1080 = arith.constant 32 : i32
        %add3A_1081 = vector.broadcast %add3A_1080 : i32 to vector<16xi32>
        %add3A_1082 = arith.addi %iota3A, %add3A_1081 : vector<16xi32>
        %get3A_1083 = arith.constant 5 : i32
        %get3A_1084 = arith.index_cast %get3A_1083 : i32 to index
        %get3A_1085 = arith.constant 0 : index
        %get3A_1086 = tpu.vector_load %arg8[%get3A_1084, %get3A_1085] {strides = array<i32>} : memref<16x16xi32, #tpu.memory_space<vmem>>, vector<16xi32>,
        %mul3A_1087 = arith.constant 2 : i32
        %mul3A_1088 = arith.muli %mul3A_1087, %sub3A_809 : i32
        %add3A_1089 = arith.constant 1 : i32
        %add3A_1090 = arith.addi %mul3A_1088, %add3A_1089 : i32
        %get3A_1091 = arith.index_cast %add3A_1090 : i32 to index
        %get3A_1092 = arith.constant 32 : index
        %get3A_1093 = tpu.vector_load %arg9[%get3A_1091, %get3A_1092] {strides = array<i32>} : memref<26x128xi32, #tpu.memory_space<vmem>>, vector<16xi32>,
        %add3A_1094 = arith.constant 100 : i32
        %add3A_1095 = vector.broadcast %add3A_1094 : i32 to vector<16xi32>
        %add3A_1096 = arith.addi %get3A_1093, %add3A_1095 : vector<16xi32>
        %ne3A_1097 = arith.cmpi ne, %get3A_1086, %add3A_1096 : vector<16xi32>
        tpu.vector_store_idx %arg6[%get3A_1086, %add3A_1082], %broadcast_in_dim3A_5 masked %ne3A_1097 : memref<200x128xi32, #tpu.memory_space<vmem>>[vector<16xi32>, vector<16xi32>], vector<16xi32>, vector<16xi1>
        tpu.vector_store_idx %arg6[%add3A_1096, %add3A_1082], %broadcast_in_dim3A_3 : memref<200x128xi32, #tpu.memory_space<vmem>>[vector<16xi32>, vector<16xi32>], vector<16xi32>,
        %swap3A_1098 = arith.constant 5 : i32
        %swap3A_1099 = arith.index_cast %swap3A_1098 : i32 to index
        %swap3A_1100 = arith.constant 0 : index
        %swap3A_1101 = tpu.vector_load %arg8[%swap3A_1099, %swap3A_1100] {strides = array<i32>} : memref<16x16xi32, #tpu.memory_space<vmem>>, vector<16xi32>,
        tpu.vector_store %arg8[%swap3A_1099, %swap3A_1100], %add3A_1096 {strides = array<i32>} : memref<16x16xi32, #tpu.memory_space<vmem>>, vector<16xi32>,
        %add3A_1102 = arith.constant 48 : i32
        %add3A_1103 = vector.broadcast %add3A_1102 : i32 to vector<16xi32>
        %add3A_1104 = arith.addi %iota3A, %add3A_1103 : vector<16xi32>
        %get3A_1105 = arith.constant 7 : i32
        %get3A_1106 = arith.index_cast %get3A_1105 : i32 to index
        %get3A_1107 = arith.constant 0 : index
        %get3A_1108 = tpu.vector_load %arg8[%get3A_1106, %get3A_1107] {strides = array<i32>} : memref<16x16xi32, #tpu.memory_space<vmem>>, vector<16xi32>,
        %mul3A_1109 = arith.constant 2 : i32
        %mul3A_1110 = arith.muli %mul3A_1109, %sub3A_809 : i32
        %add3A_1111 = arith.constant 1 : i32
        %add3A_1112 = arith.addi %mul3A_1110, %add3A_1111 : i32
        %get3A_1113 = arith.index_cast %add3A_1112 : i32 to index
        %get3A_1114 = arith.constant 48 : index
        %get3A_1115 = tpu.vector_load %arg9[%get3A_1113, %get3A_1114] {strides = array<i32>} : memref<26x128xi32, #tpu.memory_space<vmem>>, vector<16xi32>,
        %add3A_1116 = arith.constant 100 : i32
        %add3A_1117 = vector.broadcast %add3A_1116 : i32 to vector<16xi32>
        %add3A_1118 = arith.addi %get3A_1115, %add3A_1117 : vector<16xi32>
        %ne3A_1119 = arith.cmpi ne, %get3A_1108, %add3A_1118 : vector<16xi32>
        tpu.vector_store_idx %arg6[%get3A_1108, %add3A_1104], %broadcast_in_dim3A_5 masked %ne3A_1119 : memref<200x128xi32, #tpu.memory_space<vmem>>[vector<16xi32>, vector<16xi32>], vector<16xi32>, vector<16xi1>
        tpu.vector_store_idx %arg6[%add3A_1118, %add3A_1104], %broadcast_in_dim3A_3 : memref<200x128xi32, #tpu.memory_space<vmem>>[vector<16xi32>, vector<16xi32>], vector<16xi32>,
        %swap3A_1120 = arith.constant 7 : i32
        %swap3A_1121 = arith.index_cast %swap3A_1120 : i32 to index
        %swap3A_1122 = arith.constant 0 : index
        %swap3A_1123 = tpu.vector_load %arg8[%swap3A_1121, %swap3A_1122] {strides = array<i32>} : memref<16x16xi32, #tpu.memory_space<vmem>>, vector<16xi32>,
        tpu.vector_store %arg8[%swap3A_1121, %swap3A_1122], %add3A_1118 {strides = array<i32>} : memref<16x16xi32, #tpu.memory_space<vmem>>, vector<16xi32>,
        %add3A_1124 = arith.constant 64 : i32
        %add3A_1125 = vector.broadcast %add3A_1124 : i32 to vector<16xi32>
        %add3A_1126 = arith.addi %iota3A, %add3A_1125 : vector<16xi32>
        %get3A_1127 = arith.constant 9 : i32
        %get3A_1128 = arith.index_cast %get3A_1127 : i32 to index
        %get3A_1129 = arith.constant 0 : index
        %get3A_1130 = tpu.vector_load %arg8[%get3A_1128, %get3A_1129] {strides = array<i32>} : memref<16x16xi32, #tpu.memory_space<vmem>>, vector<16xi32>,
        %mul3A_1131 = arith.constant 2 : i32
        %mul3A_1132 = arith.muli %mul3A_1131, %sub3A_809 : i32
        %add3A_1133 = arith.constant 1 : i32
        %add3A_1134 = arith.addi %mul3A_1132, %add3A_1133 : i32
        %get3A_1135 = arith.index_cast %add3A_1134 : i32 to index
        %get3A_1136 = arith.constant 64 : index
        %get3A_1137 = tpu.vector_load %arg9[%get3A_1135, %get3A_1136] {strides = array<i32>} : memref<26x128xi32, #tpu.memory_space<vmem>>, vector<16xi32>,
        %add3A_1138 = arith.constant 100 : i32
        %add3A_1139 = vector.broadcast %add3A_1138 : i32 to vector<16xi32>
        %add3A_1140 = arith.addi %get3A_1137, %add3A_1139 : vector<16xi32>
        %ne3A_1141 = arith.cmpi ne, %get3A_1130, %add3A_1140 : vector<16xi32>
        tpu.vector_store_idx %arg6[%get3A_1130, %add3A_1126], %broadcast_in_dim3A_5 masked %ne3A_1141 : memref<200x128xi32, #tpu.memory_space<vmem>>[vector<16xi32>, vector<16xi32>], vector<16xi32>, vector<16xi1>
        tpu.vector_store_idx %arg6[%add3A_1140, %add3A_1126], %broadcast_in_dim3A_3 : memref<200x128xi32, #tpu.memory_space<vmem>>[vector<16xi32>, vector<16xi32>], vector<16xi32>,
        %swap3A_1142 = arith.constant 9 : i32
        %swap3A_1143 = arith.index_cast %swap3A_1142 : i32 to index
        %swap3A_1144 = arith.constant 0 : index
        %swap3A_1145 = tpu.vector_load %arg8[%swap3A_1143, %swap3A_1144] {strides = array<i32>} : memref<16x16xi32, #tpu.memory_space<vmem>>, vector<16xi32>,
        tpu.vector_store %arg8[%swap3A_1143, %swap3A_1144], %add3A_1140 {strides = array<i32>} : memref<16x16xi32, #tpu.memory_space<vmem>>, vector<16xi32>,
        %add3A_1146 = arith.constant 80 : i32
        %add3A_1147 = vector.broadcast %add3A_1146 : i32 to vector<16xi32>
        %add3A_1148 = arith.addi %iota3A, %add3A_1147 : vector<16xi32>
        %get3A_1149 = arith.constant 11 : i32
        %get3A_1150 = arith.index_cast %get3A_1149 : i32 to index
        %get3A_1151 = arith.constant 0 : index
        %get3A_1152 = tpu.vector_load %arg8[%get3A_1150, %get3A_1151] {strides = array<i32>} : memref<16x16xi32, #tpu.memory_space<vmem>>, vector<16xi32>,
        %mul3A_1153 = arith.constant 2 : i32
        %mul3A_1154 = arith.muli %mul3A_1153, %sub3A_809 : i32
        %add3A_1155 = arith.constant 1 : i32
        %add3A_1156 = arith.addi %mul3A_1154, %add3A_1155 : i32
        %get3A_1157 = arith.index_cast %add3A_1156 : i32 to index
        %get3A_1158 = arith.constant 80 : index
        %get3A_1159 = tpu.vector_load %arg9[%get3A_1157, %get3A_1158] {strides = array<i32>} : memref<26x128xi32, #tpu.memory_space<vmem>>, vector<16xi32>,
        %add3A_1160 = arith.constant 100 : i32
        %add3A_1161 = vector.broadcast %add3A_1160 : i32 to vector<16xi32>
        %add3A_1162 = arith.addi %get3A_1159, %add3A_1161 : vector<16xi32>
        %ne3A_1163 = arith.cmpi ne, %get3A_1152, %add3A_1162 : vector<16xi32>
        tpu.vector_store_idx %arg6[%get3A_1152, %add3A_1148], %broadcast_in_dim3A_5 masked %ne3A_1163 : memref<200x128xi32, #tpu.memory_space<vmem>>[vector<16xi32>, vector<16xi32>], vector<16xi32>, vector<16xi1>
        tpu.vector_store_idx %arg6[%add3A_1162, %add3A_1148], %broadcast_in_dim3A_3 : memref<200x128xi32, #tpu.memory_space<vmem>>[vector<16xi32>, vector<16xi32>], vector<16xi32>,
        %swap3A_1164 = arith.constant 11 : i32
        %swap3A_1165 = arith.index_cast %swap3A_1164 : i32 to index
        %swap3A_1166 = arith.constant 0 : index
        %swap3A_1167 = tpu.vector_load %arg8[%swap3A_1165, %swap3A_1166] {strides = array<i32>} : memref<16x16xi32, #tpu.memory_space<vmem>>, vector<16xi32>,
        tpu.vector_store %arg8[%swap3A_1165, %swap3A_1166], %add3A_1162 {strides = array<i32>} : memref<16x16xi32, #tpu.memory_space<vmem>>, vector<16xi32>,
        %add3A_1168 = arith.constant 96 : i32
        %add3A_1169 = vector.broadcast %add3A_1168 : i32 to vector<16xi32>
        %add3A_1170 = arith.addi %iota3A, %add3A_1169 : vector<16xi32>
        %get3A_1171 = arith.constant 13 : i32
        %get3A_1172 = arith.index_cast %get3A_1171 : i32 to index
        %get3A_1173 = arith.constant 0 : index
        %get3A_1174 = tpu.vector_load %arg8[%get3A_1172, %get3A_1173] {strides = array<i32>} : memref<16x16xi32, #tpu.memory_space<vmem>>, vector<16xi32>,
        %mul3A_1175 = arith.constant 2 : i32
        %mul3A_1176 = arith.muli %mul3A_1175, %sub3A_809 : i32
        %add3A_1177 = arith.constant 1 : i32
        %add3A_1178 = arith.addi %mul3A_1176, %add3A_1177 : i32
        %get3A_1179 = arith.index_cast %add3A_1178 : i32 to index
        %get3A_1180 = arith.constant 96 : index
        %get3A_1181 = tpu.vector_load %arg9[%get3A_1179, %get3A_1180] {strides = array<i32>} : memref<26x128xi32, #tpu.memory_space<vmem>>, vector<16xi32>,
        %add3A_1182 = arith.constant 100 : i32
        %add3A_1183 = vector.broadcast %add3A_1182 : i32 to vector<16xi32>
        %add3A_1184 = arith.addi %get3A_1181, %add3A_1183 : vector<16xi32>
        %ne3A_1185 = arith.cmpi ne, %get3A_1174, %add3A_1184 : vector<16xi32>
        tpu.vector_store_idx %arg6[%get3A_1174, %add3A_1170], %broadcast_in_dim3A_5 masked %ne3A_1185 : memref<200x128xi32, #tpu.memory_space<vmem>>[vector<16xi32>, vector<16xi32>], vector<16xi32>, vector<16xi1>
        tpu.vector_store_idx %arg6[%add3A_1184, %add3A_1170], %broadcast_in_dim3A_3 : memref<200x128xi32, #tpu.memory_space<vmem>>[vector<16xi32>, vector<16xi32>], vector<16xi32>,
        %swap3A_1186 = arith.constant 13 : i32
        %swap3A_1187 = arith.index_cast %swap3A_1186 : i32 to index
        %swap3A_1188 = arith.constant 0 : index
        %swap3A_1189 = tpu.vector_load %arg8[%swap3A_1187, %swap3A_1188] {strides = array<i32>} : memref<16x16xi32, #tpu.memory_space<vmem>>, vector<16xi32>,
        tpu.vector_store %arg8[%swap3A_1187, %swap3A_1188], %add3A_1184 {strides = array<i32>} : memref<16x16xi32, #tpu.memory_space<vmem>>, vector<16xi32>,
        %add3A_1190 = arith.constant 112 : i32
        %add3A_1191 = vector.broadcast %add3A_1190 : i32 to vector<16xi32>
        %add3A_1192 = arith.addi %iota3A, %add3A_1191 : vector<16xi32>
        %get3A_1193 = arith.constant 15 : i32
        %get3A_1194 = arith.index_cast %get3A_1193 : i32 to index
        %get3A_1195 = arith.constant 0 : index
        %get3A_1196 = tpu.vector_load %arg8[%get3A_1194, %get3A_1195] {strides = array<i32>} : memref<16x16xi32, #tpu.memory_space<vmem>>, vector<16xi32>,
        %mul3A_1197 = arith.constant 2 : i32
        %mul3A_1198 = arith.muli %mul3A_1197, %sub3A_809 : i32
        %add3A_1199 = arith.constant 1 : i32
        %add3A_1200 = arith.addi %mul3A_1198, %add3A_1199 : i32
        %get3A_1201 = arith.index_cast %add3A_1200 : i32 to index
        %get3A_1202 = arith.constant 112 : index
        %get3A_1203 = tpu.vector_load %arg9[%get3A_1201, %get3A_1202] {strides = array<i32>} : memref<26x128xi32, #tpu.memory_space<vmem>>, vector<16xi32>,
        %add3A_1204 = arith.constant 100 : i32
        %add3A_1205 = vector.broadcast %add3A_1204 : i32 to vector<16xi32>
        %add3A_1206 = arith.addi %get3A_1203, %add3A_1205 : vector<16xi32>
        %ne3A_1207 = arith.cmpi ne, %get3A_1196, %add3A_1206 : vector<16xi32>
        tpu.vector_store_idx %arg6[%get3A_1196, %add3A_1192], %broadcast_in_dim3A_5 masked %ne3A_1207 : memref<200x128xi32, #tpu.memory_space<vmem>>[vector<16xi32>, vector<16xi32>], vector<16xi32>, vector<16xi1>
        tpu.vector_store_idx %arg6[%add3A_1206, %add3A_1192], %broadcast_in_dim3A_3 : memref<200x128xi32, #tpu.memory_space<vmem>>[vector<16xi32>, vector<16xi32>], vector<16xi32>,
        %swap3A_1208 = arith.constant 15 : i32
        %swap3A_1209 = arith.index_cast %swap3A_1208 : i32 to index
        %swap3A_1210 = arith.constant 0 : index
        %swap3A_1211 = tpu.vector_load %arg8[%swap3A_1209, %swap3A_1210] {strides = array<i32>} : memref<16x16xi32, #tpu.memory_space<vmem>>, vector<16xi32>,
        tpu.vector_store %arg8[%swap3A_1209, %swap3A_1210], %add3A_1206 {strides = array<i32>} : memref<16x16xi32, #tpu.memory_space<vmem>>, vector<16xi32>,
        %mul3A_1212 = arith.constant 200 : i32
        %mul3A_1213 = arith.muli %sub3A_809, %mul3A_1212 : i32
        %dma_start3A_1214 = tpu.memref_slice %arg4[%mul3A_1213, %add3A_814] : memref<2600x16384xi32, #tpu.memory_space<hbm>> -> memref<200x128xi32, #tpu.memory_space<hbm>>
        %dma_start3A_1215 = tpu.memref_slice %arg4[%mul3A_1213, %add3A_814] : memref<2600x16384xi32, #tpu.memory_space<hbm>> -> memref<200x128xi32, #tpu.memory_space<hbm>>
        tpu.enqueue_dma source(%arg6 : memref<200x128xi32, #tpu.memory_space<vmem>>) target(%dma_start3A_1215 : memref<200x128xi32, #tpu.memory_space<hbm>>) target_semaphore(%arg11 : memref<!tpu.dma_semaphore, #tpu.memory_space<semaphore_mem>>)
      } else {
      }
    }
    %scan3A_781 = arith.constant 50 : i32
    %dma_wait3A = arith.constant 0 : i32
    %dma_wait3A_782 = tpu.memref_slice %arg4[%dma_wait3A, %mul3A_2] : memref<2600x16384xi32, #tpu.memory_space<hbm>> -> memref<200x128xi32, #tpu.memory_space<hbm>>
    %dma_wait3A_783 = arith.constant 0 : i32
    %dma_wait3A_784 = tpu.memref_slice %arg4[%dma_wait3A_783, %mul3A_2] : memref<2600x16384xi32, #tpu.memory_space<hbm>> -> memref<200x128xi32, #tpu.memory_space<hbm>>
    tpu.wait_dma2 semaphore(%arg10 : memref<!tpu.dma_semaphore, #tpu.memory_space<semaphore_mem>>) src(%arg5 : memref<200x128xi32, #tpu.memory_space<vmem>>) dst(%dma_wait3A_784 : memref<200x128xi32, #tpu.memory_space<hbm>>)
    %dma_wait3A_785 = arith.constant 0 : i32
    %dma_wait3A_786 = tpu.memref_slice %arg4[%dma_wait3A_785, %mul3A_2] : memref<2600x16384xi32, #tpu.memory_space<hbm>> -> memref<200x128xi32, #tpu.memory_space<hbm>>
    %dma_wait3A_787 = arith.constant 0 : i32
    %dma_wait3A_788 = tpu.memref_slice %arg4[%dma_wait3A_787, %mul3A_2] : memref<2600x16384xi32, #tpu.memory_space<hbm>> -> memref<200x128xi32, #tpu.memory_space<hbm>>
    tpu.wait_dma2 semaphore(%arg11 : memref<!tpu.dma_semaphore, #tpu.memory_space<semaphore_mem>>) src(%arg6 : memref<200x128xi32, #tpu.memory_space<vmem>>) dst(%dma_wait3A_788 : memref<200x128xi32, #tpu.memory_space<hbm>>)
    return
  }
}

</mosaic_0001>

<sc_bundles>
// kernel: kernel.3.cloned.1.call-start
scs
__scs_entry_jumppad:
0x0: {  	(pc) =	sbr.rel $0x88, $3  }
0x1: {  	(tag) =	ssettag $0x0;
	lr =	simm.s32 $0x1  }
0x2: {  	[smem:$0x3FA0] =	sst lr;
	_ =	strace $0xD0000000  }
0x3: {  	_ = 	snop  }
0x4: {  	_ = 	snop  }
0x5: {  	_ = 	snop  }
0x6: {  	_ = 	snop  }
0x7: {  	_ = 	snop  }
__scs_overlays_trampoline_lowered:
0x8: {  	[smem:$0x3FAF] =	sst s0  }
0x9: {  	[smem:$0x3FB0] =	sst s1  }
0xa: {  	[smem:$0x3FB1] =	sst s2  }
0xb: {  	[smem:$0x3FB2] =	sst s3  }
0xc: {  	[smem:$0x3FB3] =	sst s4  }
0xd: {  	[smem:$0x3FB4] =	sst s5  }
0xe: {  	[smem:$0x3FB5] =	sst s6  }
0xf: {  	[smem:$0x3FB6] =	sst s7  }
0x10: {  	[smem:$0x3FB7] =	sst s8  }
0x11: {  	[smem:$0x3FB8] =	sst s9;
	s0 =	simm.s32 @!p0 $0x0  }
0x12: {  	s1 =	sld [smem:$0x3F9E];
	s0 =	simm.s32 @p0 $0x1  }
0x13: {  	[smem:$0x3FB9] =	sst s0;
	s0 =	simm.s32 @!p1 $0x0  }
0x14: {  	s2 =	sld [smem:$0x3F9D];
	s0 =	simm.s32 @p1 $0x1  }
0x15: {  	[smem:$0x3FBA] =	sst s0;
	s0 =	simm.s32 @!p2 $0x0  }
0x16: {  	s3 =	sld [smem:$0x3FDB];
	s0 =	simm.s32 @p2 $0x1  }
0x17: {  	s4 =	simm.s32 $0x1BF5;
	[smem:$0x3FBC] =	sst s0  }
0x18: {  	s0 =	sld [smem:$0x3F9F];
	_ =	swait.ge [sflag:s4], $0x0  }
0x19: {  	s7 =	sld [smem:$0x3FA0]  }
0x1a: {  	s8 =	sadd.s32 $0xFFFFE003, lr  }
0x1b: {  	s9 =	sadd.s32 $0xFFFFFEF7, lr;
	s5 =	simm.s32 $0xFFFFFFFF;
	p2 =	slt.u32 s8, $0xFFFFF086  }
0x1c: {  	p1 =	slt.u32 s9, $0xF7A;
	s5 =	simm.s32 @!p2 $0x0  }
0x1d: {  	s5 =	simm.s32 @p1 $0x1;
	p0 =	seq.s32 s7, s2  }
0x1e: {  	s7 =	smul.u32 @!p0 $0xF7A, s2;
	p2 =	seq.s32 @!p0 s5, $0x0  }
0x1f: {  	s9 =	smul.u32 $0xF7A, s1;
	s8 =	simm.s32 @!p0 $0x1BF5;
	p2 =	por !p2, p0  }
0x20: {  	[sflag:s8] =	ssyncset.s32 @!p0 $0xFFFFF086;
	s6 =	sadd.s32 @!p0 s3, s7;
	s7 =	simm.s32 @!p0 $0x108  }
0x21: {  	s3 =	sadd.s32 s3, s9;
	s6 =	sadd.s32 @!p0 $0x88, s6;
	s7 =	simm.s32 @p2 $0x1082  }
0x22: {  	[simem:s7], [sflag:s8] =	dma.local @!p0 [hbm:s6], $0xF7A  }
0x23: {  	s9 =	sor.u32 $0xD0000000, s2;
	s6 =	simm.s32 $0x108;
	_ =	swait.ge @!p0 [sflag:s8], $0x0  }
0x24: {  	s3 =	sadd.s32 $0x88, s3;
	s6 =	simm.s32 @!p1 $0x1082;
	[sflag:s4] =	ssyncset.s32 $0xFFFFF086  }
0x25: {  	[simem:s6], [sflag:s4] =	dma.local [hbm:s3], $0xF7A  }
0x26: {  	[smem:$0x3FA0] =	sst s1;
	(tag) =	ssettag s2;
	_ =	strace s9  }
0x27: {  	s1 =	sld [smem:$0x3FB0]  }
0x28: {  	s2 =	sld [smem:$0x3FB1]  }
0x29: {  	s4 =	sld [smem:$0x3FB3]  }
0x2a: {  	p0 =	seq.s32 s5, $0x0;
	s5 =	sld [smem:$0x3FB4]  }
0x2b: {  	s6 =	sld [smem:$0x3FB5]  }
0x2c: {  	s7 =	sld [smem:$0x3FB6]  }
0x2d: {  	s3 =	simm.s32 $0x108;
	s8 =	sld [smem:$0x3FB7]  }
0x2e: {  	s3 =	simm.s32 @!p0 $0x1082;
	s9 =	sld [smem:$0x3FB8]  }
0x2f: {  	lr =	sadd.s32 s0, s3;
	s0 =	sld [smem:$0x3FAF]  }
0x30: {  	s3 =	sld [smem:$0x3FB2]  }
0x31: {  	[smem:$0x3FBB] =	sst s10  }
0x32: {  	s10 =	sld [smem:$0x3FB9];
	_ =	sdelay $0x3  }
0x33: {  	p0 =	seq.s32 s10, $0x1;
	s10 =	sld [smem:$0x3FBB];
	_ =	sdelay $0x3  }
0x34: {  	[smem:$0x3FBB] =	sst s10  }
0x35: {  	s10 =	sld [smem:$0x3FBA];
	_ =	sdelay $0x3  }
0x36: {  	p1 =	seq.s32 s10, $0x1;
	s10 =	sld [smem:$0x3FBB];
	_ =	sdelay $0x3  }
0x37: {  	[smem:$0x3FBB] =	sst s10  }
0x38: {  	s10 =	sld [smem:$0x3FBC]  }
0x39: {  	_ = 	snop;
	(pc) =	sbr.ind lr, $3  }
0x3a: {  	_ = 	snop  }
0x3b: {  	_ = 	snop  }
0x3c: {  	p2 =	seq.s32 s10, $0x1;
	s10 =	sld [smem:$0x3FBB]  }
0x3d: {  	_ =	shalt  }
0x3e: {  	_ =	shalt  }
0x3f: {  	_ =	shalt  }
0x40: {  	_ =	shalt  }
0x41: {  	_ =	shalt  }
0x42: {  	_ =	shalt  }
0x43: {  	_ =	shalt  }
0x44: {  	_ =	shalt  }
0x45: {  	_ =	shalt  }
0x46: {  	_ =	shalt  }
0x47: {  	_ =	shalt  }
0x48: {  	_ =	shalt  }
0x49: {  	_ =	shalt  }
0x4a: {  	_ =	shalt  }
0x4b: {  	_ =	shalt  }
0x4c: {  	_ =	shalt  }
0x4d: {  	_ =	shalt  }
0x4e: {  	_ =	shalt  }
0x4f: {  	_ =	shalt  }
0x50: {  	_ =	shalt  }
0x51: {  	_ =	shalt  }
0x52: {  	_ =	shalt  }
0x53: {  	_ =	shalt  }
0x54: {  	_ =	shalt  }
0x55: {  	_ =	shalt  }
0x56: {  	_ =	shalt  }
0x57: {  	_ =	shalt  }
0x58: {  	_ =	shalt  }
0x59: {  	_ =	shalt  }
0x5a: {  	_ =	shalt  }
0x5b: {  	_ =	shalt  }
0x5c: {  	_ =	shalt  }
0x5d: {  	_ =	shalt  }
0x5e: {  	_ =	shalt  }
0x5f: {  	_ =	shalt  }
0x60: {  	_ =	shalt  }
0x61: {  	_ =	shalt  }
0x62: {  	_ =	shalt  }
0x63: {  	_ =	shalt  }
0x64: {  	_ =	shalt  }
0x65: {  	_ =	shalt  }
0x66: {  	_ =	shalt  }
0x67: {  	_ =	shalt  }
0x68: {  	_ =	shalt  }
0x69: {  	_ =	shalt  }
0x6a: {  	_ =	shalt  }
0x6b: {  	_ =	shalt  }
0x6c: {  	_ =	shalt  }
0x6d: {  	_ =	shalt  }
0x6e: {  	_ =	shalt  }
0x6f: {  	_ =	shalt  }
0x70: {  	_ =	shalt  }
0x71: {  	_ =	shalt  }
0x72: {  	_ =	shalt  }
0x73: {  	_ =	shalt  }
0x74: {  	_ =	shalt  }
0x75: {  	_ =	shalt  }
0x76: {  	_ =	shalt  }
0x77: {  	_ =	shalt  }
0x78: {  	_ =	shalt  }
0x79: {  	_ =	shalt  }
0x7a: {  	_ =	shalt  }
0x7b: {  	_ =	shalt  }
0x7c: {  	_ =	shalt  }
0x7d: {  	_ =	shalt  }
0x7e: {  	_ =	shalt  }
0x7f: {  	_ =	shalt  }
0x80: {  	_ =	shalt  }
0x81: {  	_ =	shalt  }
0x82: {  	_ =	shalt  }
0x83: {  	_ =	shalt  }
0x84: {  	_ =	shalt  }
0x85: {  	_ =	shalt  }
0x86: {  	_ =	shalt  }
0x87: {  	_ =	shalt  }
.Lfunc_end0:
.L_simem_size_0:
called_computation_lowered:
.L_overlay_start_0:
0x88: {  	s2 =	sld [smem:$0x3FD9]  }
0x89: {  	s3 =	sld [smem:$0x3FFE];
	_ =	sdelay $0x1  }
0x8a: {  	s1 =	srdreg.scid  }
0x8b: {  	s0 =	sand.u32 $0x1, s1  }
0x8c: {  	s17 =	sshll.u32 s0, $0xA;
	s2 =	sadd.s32 s3, s2  }
0x8d: {  	s2 =	sadd.s32 s2, s17  }
0x8e: {  	[smem:$0x3FC7] =	sst s2  }
0x8f: {  	_ = 	snop  }
0x90: {  	s2 =	sld [smem:$0x3FC9]  }
0x91: {  	s18 =	sld [smem:$0x3FD0];
	(tm) =	ssettm $0x1  }
0x92: {  	s4 =	sld [smem:$0x3FFB];
	_ =	sdelay $0x3  }
0x93: {  	_ =	strace s4  }
0x94: {  	s4 =	sld [smem:$0x3FFC];
	_ =	sdelay $0x3  }
0x95: {  	_ =	strace s4  }
0x96: {  	s4 =	sld [smem:$0x3FFD];
	_ =	sdelay $0x3  }
0x97: {  	_ =	strace s4  }
0x98: {  	_ =	strace $0x8FFFFFFF  }
0x99: {  	s19 =	sld [smem:$0x3FDB];
	_ =	sdelay $0x1  }
0x9a: {  	s5 =	simm.s32 $_scs_section_size  }
0x9b: {  	s6 =	simm.s32 $_size__tile_overlayer_lowered;
	s7 =	simm.s32 $_tile_overlayer_lowered  }
0x9c: {  	s22 =	simm.s32 $0x1BFF;
	s21 =	sshll.u32 s7, $0x1;
	s4 =	sadd.s32 s5, s19  }
0x9d: {  	s8 =	simm.s32 $0x0;
	s20 =	sshll.u32 s6, $0x1;
	s6 =	sadd.s32 s21, s4  }
0x9e: {  	[timem:s8], [sflag:s22] =	dma.local [hbm:s6], s20  }
0x9f: {  	_ =	swait.ge [sflag:s22], s20  }
0xa0: {  	s5 =	ssub.s32 $0x0, s20;
	[sflag:s22] =	ssyncset.done $0x0  }
0xa1: {  	[sflag:s22] =	ssyncadd.s32 s5;
	_ =	sdelay $0x1  }
0xa2: {  	s23 =	simm.s32 $0x1B8B  }
0xa3: {  	_ =	swait.ge [sflag:s23], $0x1  }
0xa4: {  	[sflag:s23] =	ssyncset.done $0x0  }
0xa5: {  	s25 =	simm.s32 $0x1B8E;
	s24 =	sld [smem:$0x3FFE];
	[sflag:s23] =	ssyncadd.s32 $0xFFFFFFFF  }
0xa6: {  	s26 =	simm.s32 $execute0_lowered;
	[smem:$0x3FD2] =	sst s25  }
0xa7: {  	s6 =	sshll.u32 s26, $0x1;
	_ =	strace $0x80000046;
	[dreg:$0x1] =	wrdreg $0xFFFFFFFF  }
0xa8: {  	s28 =	simm.s32 $_size_execute0_lowered;
	s4 =	sadd.s32 s4, s6;
	[dreg:$0x0] =	wrdreg $0x0  }
0xa9: {  	s6 =	sshll.u32 s28, $0x1;
	[dreg:$0x2] =	wrdreg s4  }
0xaa: {  	[dreg:$0x3] =	wrdreg s6  }
0xab: {  	[dreg:$0x4] =	wrdreg $0xC0  }
0xac: {  	_ =	task [dreg:s8], $0x5FFFF  }
0xad: {  	[dreg:$0x1] =	wrdreg $0xFFFFFFFF  }
0xae: {  	[dreg:$0x0] =	wrdreg $0x60  }
0xaf: {  	[dreg:$0x2] =	wrdreg s2  }
0xb0: {  	[dreg:$0x3] =	wrdreg s24  }
0xb1: {  	[dreg:$0x4] =	wrdreg s18  }
0xb2: {  	[dreg:$0x5] =	wrdreg $0x9  }
0xb3: {  	_ =	task.clear_ibuf [dreg:s8], $0x6FFFF;
	_ =	strace $0x90000046  }
0xb4: {  	s29 =	simm.s32 $0x9;
	_ =	strace $0x80000048  }
0xb5: {  	_ =	swait.ge [sflag:s29], $0x1  }
0xb6: {  	[sflag:s29] =	ssyncadd.s32 $0xFFFFFFFF  }
0xb7: {  	_ =	strace $0x90000048  }
0xb8: {  	_ =	sfence  }
0xb9: {  	s30 =	sld [smem:$0x0];
	_ =	sdelay $0x2  }
0xba: {  	s31 =	sshll.u32 s1, $0xD;
	s1 =	sshrl.u32 s1, $0x2  }
0xbb: {  	s3 =	sand.u32 $0x4000, s31;
	s1 =	sadd.s32 s1, s30  }
0xbc: {  	s0 =	sor.u32 s3, s0;
	s1 =	sshll.u32 s1, $0x11  }
0xbd: {  	s0 =	sor.u32 s1, s0  }
0xbe: {  	s0 =	sadd.s32 $0x8F2B, s0  }
0xbf: {  	[sflag:s0] =	ssyncadd.remote.s32 $0x1  }
0xc0: {  	_ =	sfence.sel $0xFFFF  }
0xc1: {  	[dreg:$0x0] =	wrdreg $0xFFFFFFFF;
	(pc) =	sbr.abs _section_cstart, $3  }
0xc2: {  	[dreg:$0x1] =	wrdreg $0xFFFFFFFF  }
0xc3: {  	_ =	task.clear_ibuf [dreg:s8], $0x2FFFF;
	_ =	strace $0x9FFFFFFF  }
0xc4: {  	(tm) =	ssettm $0x7FFFFFFF  }
0xc5: {  	_ =	shalt  }
tec
execute0_lowered:
.L_overlay_start_1:
0x0: {  	(tag) =	ssettag $0x1  }
0x1: {  	s6 =	rddreg [dreg:$0x0]  }
0x2: {  	s4 =	rddreg [dreg:$0x1]  }
0x3: {  	s2 =	rddreg [dreg:$0x2]  }
0x4: {  	s0 =	rddreg [dreg:$0x3];
	s5 =	srdreg.scid;
	s3 =	simm.s32 $0x0  }
0x5: {  	s1 =	stileid.u32;
	s11 =	simm.s32 $0x6400;
	s12 =	simm.s32 $0x400  }
0x6: {  	s13 =	simm.s32 $0x20000;
	s14 =	simm.s32 $0xD800;
	s16 =	simm.s32 $0xE400  }
0x7: {  	s17 =	simm.s32 $0x2;
	s18 =	simm.s32 $0x1;
	s19 =	simm.s32 $0x0  }
0x8: {  	s5 =	sand.u32 $0x1, s5;
	[smem:$0x7FF] =	sst s3;
	s7 =	sshll.u32 s1, $0xA  }
.Ltmp0:
0x9: {  	s8 =	sshll.u32 s5, $0x9;
	s9 =	ssub.s32 $0x2, s5;
	(pc) =	sbr.rel .LBB2_1-.Ltmp0, $4  }
0xa: {  	v0 =	vimm.s32 $0x0;
	v1 =	vlaneseq.u32;
	s4 =	sadd.s32 $0x400, s4;
	s10 =	sor.u32 s8, s7;
	s30 =	sshrl.u32 s9, $0x1  }
0xb: {  	v2 =	vimm.s32 $0x64;
	v3 =	vimm.s32 $0x1;
	v4 =	vor.u32 $0x10, v1;
	_ =	strace $0x80000047;
	s5 =	sadd.s32 s2, s10;
	s31 =	ssub.s32 s9, s30  }
0xc: {  	v5 =	vor.u32 $0x20, v1;
	v6 =	vor.u32 $0x30, v1;
	v7 =	vor.u32 $0x40, v1;
	s6 =	sadd.s32 s6, s10;
	s9 =	sor.u32 $0xC8000, s10;
	s10 =	simm.s32 $0x3  }
0xd: {  	v8 =	vor.u32 $0x50, v1;
	v9 =	vor.u32 $0x60, v1;
	v10 =	vor.u32 $0x70, v1;
	s7 =	sadd.s32 $0x64000, s5;
	s8 =	smax.u32 s31, $0x1;
	s15 =	sadd.s32 $0xC000, s6  }
.LBB2_6:
0xe: {  	s19 =	sadd.s32 $0x1, s19  }
0xf: {  	_ =	swait.ge [sflag:s18], $0x6400;
	p0 =	sne.s32 s19, s8  }
.Ltmp1:
0x10: {  	[sflag:s18] =	ssyncset.done $0x0;
	(pc) =	sbr.rel @!p0 .LBB2_7-.Ltmp1, $4  }
0x11: {  	[sflag:s18] =	ssyncadd.s32 $0xFFFF9C00  }
0x12: {  	_ =	swait.ge [sflag:s17], $0x6400  }
0x13: {  	[sflag:s17] =	ssyncset.done $0x0  }
0x14: {  	[sflag:s17] =	ssyncadd.s32 $0xFFFF9C00  }
.LBB2_1:
0x15: {  	[tilespmem:s3], [sflag:$0x3] =	stream.linear.gather [hbm4b:s4+s3], $0x6400, $0x38;
	[tilespmem:$0xE800] =	vst v63  }
0x16: {  	_ =	swait.ge [sflag:s10], $0x6400  }
0x17: {  	[sflag:s10] =	ssyncset.done $0x0  }
0x18: {  	[sflag:s10] =	ssyncadd.s32 $0xFFFF9C00  }
0x19: {  	[tilespmem:s11], [sflag:$0x3] =	stream.linear.gather [hbm4b:s4+s3], $0x6400, $0x38;
	[tilespmem:$0xE800] =	vst v63  }
0x1a: {  	_ =	swait.ge [sflag:s10], $0x6400  }
0x1b: {  	[sflag:s10] =	ssyncset.done $0x0  }
0x1c: {  	[sflag:s10] =	ssyncadd.s32 $0xFFFF9C00  }
0x1d: {  	[tilespmem:$0xC800] =	vst v0  }
0x1e: {  	[tilespmem:$0xD000] =	vst v0  }
0x1f: {  	[tilespmem:$0xC880] =	vst v2  }
0x20: {  	[tilespmem:$0xD080] =	vst v2  }
0x21: {  	[tilespmem:$0xC900] =	vst v0  }
0x22: {  	[tilespmem:$0xD100] =	vst v0  }
0x23: {  	[tilespmem:$0xC980] =	vst v2  }
0x24: {  	[tilespmem:$0xD180] =	vst v2  }
0x25: {  	[tilespmem:$0xCA00] =	vst v0  }
0x26: {  	[tilespmem:$0xD200] =	vst v0  }
0x27: {  	[tilespmem:$0xCA80] =	vst v2  }
0x28: {  	[tilespmem:$0xD280] =	vst v2  }
0x29: {  	[tilespmem:$0xCB00] =	vst v0  }
0x2a: {  	[tilespmem:$0xD300] =	vst v0  }
0x2b: {  	[tilespmem:$0xCB80] =	vst v2  }
0x2c: {  	[tilespmem:$0xD380] =	vst v2  }
0x2d: {  	[tilespmem:$0xCC00] =	vst v0  }
0x2e: {  	[tilespmem:$0xD400] =	vst v0  }
0x2f: {  	[tilespmem:$0xCC80] =	vst v2  }
0x30: {  	[tilespmem:$0xD480] =	vst v2  }
0x31: {  	[tilespmem:$0xCD00] =	vst v0  }
0x32: {  	[tilespmem:$0xD500] =	vst v0  }
0x33: {  	[tilespmem:$0xCD80] =	vst v2  }
0x34: {  	[tilespmem:$0xD580] =	vst v2  }
0x35: {  	[tilespmem:$0xCE00] =	vst v0  }
0x36: {  	[tilespmem:$0xD600] =	vst v0  }
0x37: {  	[tilespmem:$0xCE80] =	vst v2  }
0x38: {  	[tilespmem:$0xD680] =	vst v2  }
0x39: {  	[tilespmem:$0xCF00] =	vst v0  }
0x3a: {  	[tilespmem:$0xD700] =	vst v0  }
0x3b: {  	[tilespmem:$0xCF80] =	vst v2  }
0x3c: {  	[tilespmem:$0xD780] =	vst v2  }
0x3d: {  	[tilespmem:s14], [sflag:$0x3] =	stream.strided.gather [hbm4b:s6+s12], $0xC00, s13, s12, $0x38;
	[tilespmem:$0xE800] =	vst v63  }
0x3e: {  	_ = 	snop  }
0x3f: {  	[tilespmem:s16], [sflag:$0x3] =	stream.linear.gather [hbm4b:s15+s3], $0x100, $0x38;
	[tilespmem:$0xE800] =	vst v63  }
0x40: {  	_ =	swait.ge [sflag:s10], $0xD00  }
0x41: {  	[sflag:s10] =	ssyncset.done $0x0  }
0x42: {  	[sflag:s10] =	ssyncadd.s32 $0xFFFFF300  }
0x43: {  	v11 =	vld [tilespmem:$0xC800]  }
0x44: {  	v12 =	vld [tilespmem:$0xD800];
	_ =	sdelay $0x4  }
0x45: {  	vm0 =	vne.s32 v11, v12;
	v11 =	vshll.u32 v11, $0x7  }
0x46: {  	v13 =	vshll.u32 v12, $0x7;
	v11 =	vor.u32 v1, v11  }
0x47: {  	v13 =	vor.u32 v1, v13;
	_ =	sdelay $0x3  }
0x48: {  	[tilespmem:v11+s3+$0x0] =	vst.idx.msk vm0, v0  }
0x49: {  	[tilespmem:v13+s3+$0x0] =	vst.idx.msk $0xffff, v3  }
0x4a: {  	v11 =	vld [tilespmem:$0xC900]  }
0x4b: {  	v13 =	vld [tilespmem:$0xD810];
	_ =	sdelay $0x4  }
0x4c: {  	vm9 =	vne.s32 v11, v13;
	v11 =	vshll.u32 v11, $0x7  }
0x4d: {  	v14 =	vshll.u32 v13, $0x7;
	v11 =	vor.u32 v4, v11  }
0x4e: {  	v14 =	vor.u32 v4, v14;
	_ =	sdelay $0x2  }
0x4f: {  	[tilespmem:$0xC800] =	vst v12  }
0x50: {  	[tilespmem:v11+s3+$0x0] =	vst.idx.msk vm9, v0  }
0x51: {  	[tilespmem:v14+s3+$0x0] =	vst.idx.msk $0xffff, v3  }
0x52: {  	v11 =	vld [tilespmem:$0xCA00]  }
0x53: {  	v59 =	vld [tilespmem:$0xD820];
	_ =	sdelay $0x4  }
0x54: {  	vm10 =	vne.s32 v11, v59;
	v11 =	vshll.u32 v11, $0x7  }
0x55: {  	v60 =	vshll.u32 v59, $0x7;
	v11 =	vor.u32 v5, v11  }
0x56: {  	v14 =	vor.u32 v5, v60;
	_ =	sdelay $0x2  }
0x57: {  	[tilespmem:$0xC900] =	vst v13  }
0x58: {  	[tilespmem:v11+s3+$0x0] =	vst.idx.msk vm10, v0  }
0x59: {  	[tilespmem:v14+s3+$0x0] =	vst.idx.msk $0xffff, v3  }
0x5a: {  	v11 =	vld [tilespmem:$0xCB00]  }
0x5b: {  	v61 =	vld [tilespmem:$0xD830];
	_ =	sdelay $0x4  }
0x5c: {  	vm11 =	vne.s32 v11, v61;
	v11 =	vshll.u32 v11, $0x7  }
0x5d: {  	v62 =	vshll.u32 v61, $0x7;
	v11 =	vor.u32 v6, v11  }
0x5e: {  	v14 =	vor.u32 v6, v62;
	_ =	sdelay $0x2  }
0x5f: {  	[tilespmem:$0xCA00] =	vst v59  }
0x60: {  	[tilespmem:v11+s3+$0x0] =	vst.idx.msk vm11, v0  }
0x61: {  	[tilespmem:v14+s3+$0x0] =	vst.idx.msk $0xffff, v3  }
0x62: {  	v11 =	vld [tilespmem:$0xCC00]  }
0x63: {  	v63 =	vld [tilespmem:$0xD840];
	_ =	sdelay $0x4  }
0x64: {  	vm12 =	vne.s32 v11, v63;
	v11 =	vshll.u32 v11, $0x7  }
0x65: {  	v16 =	vshll.u32 v63, $0x7;
	v11 =	vor.u32 v7, v11  }
0x66: {  	v14 =	vor.u32 v7, v16;
	_ =	sdelay $0x2  }
0x67: {  	[tilespmem:$0xCB00] =	vst v61  }
0x68: {  	[tilespmem:v11+s3+$0x0] =	vst.idx.msk vm12, v0  }
0x69: {  	[tilespmem:v14+s3+$0x0] =	vst.idx.msk $0xffff, v3  }
0x6a: {  	v11 =	vld [tilespmem:$0xCD00]  }
0x6b: {  	v17 =	vld [tilespmem:$0xD850];
	_ =	sdelay $0x4  }
0x6c: {  	vm13 =	vne.s32 v11, v17;
	v11 =	vshll.u32 v11, $0x7  }
0x6d: {  	v18 =	vshll.u32 v17, $0x7;
	v11 =	vor.u32 v8, v11  }
0x6e: {  	v14 =	vor.u32 v8, v18;
	_ =	sdelay $0x2  }
0x6f: {  	[tilespmem:$0xCC00] =	vst v63  }
0x70: {  	[tilespmem:v11+s3+$0x0] =	vst.idx.msk vm13, v0  }
0x71: {  	[tilespmem:v14+s3+$0x0] =	vst.idx.msk $0xffff, v3  }
0x72: {  	v11 =	vld [tilespmem:$0xCE00]  }
0x73: {  	v19 =	vld [tilespmem:$0xD860];
	_ =	sdelay $0x4  }
0x74: {  	vm14 =	vne.s32 v11, v19;
	v11 =	vshll.u32 v11, $0x7  }
0x75: {  	v20 =	vshll.u32 v19, $0x7;
	v11 =	vor.u32 v9, v11  }
0x76: {  	v14 =	vor.u32 v9, v20;
	_ =	sdelay $0x2  }
0x77: {  	[tilespmem:$0xCD00] =	vst v17  }
0x78: {  	[tilespmem:v11+s3+$0x0] =	vst.idx.msk vm14, v0  }
0x79: {  	[tilespmem:v14+s3+$0x0] =	vst.idx.msk $0xffff, v3  }
0x7a: {  	v11 =	vld [tilespmem:$0xCF00]  }
0x7b: {  	v21 =	vld [tilespmem:$0xD870];
	_ =	sdelay $0x4  }
0x7c: {  	vm15 =	vne.s32 v11, v21;
	v11 =	vshll.u32 v11, $0x7  }
0x7d: {  	v22 =	vshll.u32 v21, $0x7;
	v11 =	vor.u32 v10, v11  }
0x7e: {  	v14 =	vor.u32 v10, v22;
	_ =	sdelay $0x2  }
0x7f: {  	[tilespmem:$0xCE00] =	vst v19  }
0x80: {  	[tilespmem:v11+s3+$0x0] =	vst.idx.msk vm15, v0  }
0x81: {  	[tilespmem:v14+s3+$0x0] =	vst.idx.msk $0xffff, v3  }
0x82: {  	v11 =	vld [tilespmem:$0xD880]  }
0x83: {  	v23 =	vld [tilespmem:$0xC880];
	_ =	sdelay $0x3  }
0x84: {  	v11 =	vadd.s32 $0x64, v11  }
0x85: {  	v12 =	vshll.u32 v23, $0x7;
	vm4 =	vne.s32 v23, v11  }
0x86: {  	v12 =	vor.u32 v1, v12;
	v24 =	vshll.u32 v11, $0x7  }
0x87: {  	v14 =	vor.u32 v1, v24;
	_ =	sdelay $0x2  }
0x88: {  	[tilespmem:$0xCF00] =	vst v21  }
0x89: {  	[tilespmem:v12+s3+$0x0] =	vst.idx.msk vm4, v0  }
0x8a: {  	[tilespmem:v14+s3+$0x0] =	vst.idx.msk $0xffff, v3  }
0x8b: {  	v12 =	vld [tilespmem:$0xD890]  }
0x8c: {  	v25 =	vld [tilespmem:$0xC980];
	_ =	sdelay $0x3  }
0x8d: {  	v12 =	vadd.s32 $0x64, v12  }
0x8e: {  	v13 =	vshll.u32 v25, $0x7;
	vm5 =	vne.s32 v25, v12  }
0x8f: {  	v13 =	vor.u32 v4, v13;
	v26 =	vshll.u32 v12, $0x7  }
0x90: {  	v14 =	vor.u32 v4, v26;
	_ =	sdelay $0x2  }
0x91: {  	[tilespmem:$0xC880] =	vst v11  }
0x92: {  	[tilespmem:v13+s3+$0x0] =	vst.idx.msk vm5, v0  }
0x93: {  	[tilespmem:v14+s3+$0x0] =	vst.idx.msk $0xffff, v3  }
0x94: {  	v11 =	vld [tilespmem:$0xD8A0]  }
0x95: {  	v13 =	vld [tilespmem:$0xCA80];
	_ =	sdelay $0x3  }
0x96: {  	v11 =	vadd.s32 $0x64, v11  }
0x97: {  	vm6 =	vne.s32 v13, v11;
	v13 =	vshll.u32 v13, $0x7  }
0x98: {  	v27 =	vshll.u32 v11, $0x7;
	v13 =	vor.u32 v5, v13  }
0x99: {  	v14 =	vor.u32 v5, v27;
	_ =	sdelay $0x2  }
0x9a: {  	[tilespmem:$0xC980] =	vst v12  }
0x9b: {  	[tilespmem:v13+s3+$0x0] =	vst.idx.msk vm6, v0  }
0x9c: {  	[tilespmem:v14+s3+$0x0] =	vst.idx.msk $0xffff, v3  }
0x9d: {  	v28 =	vld [tilespmem:$0xD8B0]  }
0x9e: {  	v13 =	vld [tilespmem:$0xCB80];
	_ =	sdelay $0x3  }
0x9f: {  	v12 =	vadd.s32 $0x64, v28  }
0xa0: {  	vm7 =	vne.s32 v13, v12;
	v13 =	vshll.u32 v13, $0x7  }
0xa1: {  	v29 =	vshll.u32 v12, $0x7;
	v13 =	vor.u32 v6, v13  }
0xa2: {  	v14 =	vor.u32 v6, v29;
	_ =	sdelay $0x2  }
0xa3: {  	[tilespmem:$0xCA80] =	vst v11  }
0xa4: {  	[tilespmem:v13+s3+$0x0] =	vst.idx.msk vm7, v0  }
0xa5: {  	[tilespmem:v14+s3+$0x0] =	vst.idx.msk $0xffff, v3  }
0xa6: {  	v11 =	vld [tilespmem:$0xD8C0]  }
0xa7: {  	v13 =	vld [tilespmem:$0xCC80];
	_ =	sdelay $0x3  }
0xa8: {  	v11 =	vadd.s32 $0x64, v11  }
0xa9: {  	vm8 =	vne.s32 v13, v11;
	v13 =	vshll.u32 v13, $0x7  }
0xaa: {  	v30 =	vshll.u32 v11, $0x7;
	v13 =	vor.u32 v7, v13  }
0xab: {  	v14 =	vor.u32 v7, v30;
	_ =	sdelay $0x2  }
0xac: {  	[tilespmem:$0xCB80] =	vst v12  }
0xad: {  	[tilespmem:v13+s3+$0x0] =	vst.idx.msk vm8, v0  }
0xae: {  	[tilespmem:v14+s3+$0x0] =	vst.idx.msk $0xffff, v3  }
0xaf: {  	v31 =	vld [tilespmem:$0xD8D0]  }
0xb0: {  	v13 =	vld [tilespmem:$0xCD80];
	_ =	sdelay $0x3  }
0xb1: {  	v12 =	vadd.s32 $0x64, v31  }
0xb2: {  	vm9 =	vne.s32 v13, v12;
	v13 =	vshll.u32 v13, $0x7  }
0xb3: {  	v32 =	vshll.u32 v12, $0x7;
	v13 =	vor.u32 v8, v13  }
0xb4: {  	v14 =	vor.u32 v8, v32;
	_ =	sdelay $0x2  }
0xb5: {  	[tilespmem:$0xCC80] =	vst v11  }
0xb6: {  	[tilespmem:v13+s3+$0x0] =	vst.idx.msk vm9, v0  }
0xb7: {  	[tilespmem:v14+s3+$0x0] =	vst.idx.msk $0xffff, v3  }
0xb8: {  	v11 =	vld [tilespmem:$0xD8E0]  }
0xb9: {  	v13 =	vld [tilespmem:$0xCE80];
	_ =	sdelay $0x3  }
0xba: {  	v11 =	vadd.s32 $0x64, v11  }
0xbb: {  	vm10 =	vne.s32 v13, v11;
	v13 =	vshll.u32 v13, $0x7  }
0xbc: {  	v33 =	vshll.u32 v11, $0x7;
	v13 =	vor.u32 v9, v13  }
0xbd: {  	v14 =	vor.u32 v9, v33;
	_ =	sdelay $0x2  }
0xbe: {  	[tilespmem:$0xCD80] =	vst v12  }
0xbf: {  	[tilespmem:v13+s3+$0x0] =	vst.idx.msk vm10, v0  }
0xc0: {  	[tilespmem:v14+s3+$0x0] =	vst.idx.msk $0xffff, v3  }
0xc1: {  	v34 =	vld [tilespmem:$0xD8F0]  }
0xc2: {  	v13 =	vld [tilespmem:$0xCF80];
	_ =	sdelay $0x3  }
0xc3: {  	v12 =	vadd.s32 $0x64, v34  }
0xc4: {  	vm11 =	vne.s32 v13, v12;
	v13 =	vshll.u32 v13, $0x7  }
0xc5: {  	v35 =	vshll.u32 v12, $0x7;
	v13 =	vor.u32 v10, v13  }
0xc6: {  	v14 =	vor.u32 v10, v35;
	_ =	sdelay $0x2  }
0xc7: {  	[tilespmem:$0xCE80] =	vst v11  }
0xc8: {  	[tilespmem:v13+s3+$0x0] =	vst.idx.msk vm11, v0  }
0xc9: {  	[tilespmem:v14+s3+$0x0] =	vst.idx.msk $0xffff, v3  }
0xca: {  	[tilespmem:$0xCF80] =	vst v12  }
0xcb: {  	[hbm4b:s5+s12] =	stream.strided.scatter [tilespmem:s3], [sflag:$0x1], $0x6400, s13, s12, $0x38;
	[tilespmem:$0xE800] =	vst v63  }
0xcc: {  	v11 =	vld [tilespmem:$0xD000]  }
0xcd: {  	v36 =	vld [tilespmem:$0xD900];
	_ =	sdelay $0x4  }
0xce: {  	vm12 =	vne.s32 v11, v36;
	v11 =	vshll.u32 v11, $0x7  }
0xcf: {  	v37 =	vshll.u32 v36, $0x7;
	v11 =	vor.u32 v1, v11  }
0xd0: {  	v13 =	vor.u32 v1, v37;
	_ =	sdelay $0x3  }
0xd1: {  	[tilespmem:v11+s11+$0x0] =	vst.idx.msk vm12, v0  }
0xd2: {  	[tilespmem:v13+s11+$0x0] =	vst.idx.msk $0xffff, v3  }
0xd3: {  	v11 =	vld [tilespmem:$0xD100]  }
0xd4: {  	v13 =	vld [tilespmem:$0xD910];
	_ =	sdelay $0x4  }
0xd5: {  	vm13 =	vne.s32 v11, v13;
	v11 =	vshll.u32 v11, $0x7  }
0xd6: {  	v38 =	vshll.u32 v13, $0x7;
	v11 =	vor.u32 v4, v11  }
0xd7: {  	v14 =	vor.u32 v4, v38;
	_ =	sdelay $0x2  }
0xd8: {  	[tilespmem:$0xD000] =	vst v36  }
0xd9: {  	[tilespmem:v11+s11+$0x0] =	vst.idx.msk vm13, v0  }
0xda: {  	[tilespmem:v14+s11+$0x0] =	vst.idx.msk $0xffff, v3  }
0xdb: {  	v11 =	vld [tilespmem:$0xD200]  }
0xdc: {  	v39 =	vld [tilespmem:$0xD920];
	_ =	sdelay $0x4  }
0xdd: {  	vm14 =	vne.s32 v11, v39;
	v11 =	vshll.u32 v11, $0x7  }
0xde: {  	v40 =	vshll.u32 v39, $0x7;
	v11 =	vor.u32 v5, v11  }
0xdf: {  	v14 =	vor.u32 v5, v40;
	_ =	sdelay $0x2  }
0xe0: {  	[tilespmem:$0xD100] =	vst v13  }
0xe1: {  	[tilespmem:v11+s11+$0x0] =	vst.idx.msk vm14, v0  }
0xe2: {  	[tilespmem:v14+s11+$0x0] =	vst.idx.msk $0xffff, v3  }
0xe3: {  	v11 =	vld [tilespmem:$0xD300]  }
0xe4: {  	v41 =	vld [tilespmem:$0xD930];
	_ =	sdelay $0x4  }
0xe5: {  	vm15 =	vne.s32 v11, v41;
	v11 =	vshll.u32 v11, $0x7  }
0xe6: {  	v42 =	vshll.u32 v41, $0x7;
	v11 =	vor.u32 v6, v11  }
0xe7: {  	v14 =	vor.u32 v6, v42;
	_ =	sdelay $0x2  }
0xe8: {  	[tilespmem:$0xD200] =	vst v39  }
0xe9: {  	[tilespmem:v11+s11+$0x0] =	vst.idx.msk vm15, v0  }
0xea: {  	[tilespmem:v14+s11+$0x0] =	vst.idx.msk $0xffff, v3  }
0xeb: {  	v11 =	vld [tilespmem:$0xD400]  }
0xec: {  	v43 =	vld [tilespmem:$0xD940];
	_ =	sdelay $0x4  }
0xed: {  	vm4 =	vne.s32 v11, v43;
	v11 =	vshll.u32 v11, $0x7  }
0xee: {  	v44 =	vshll.u32 v43, $0x7;
	v11 =	vor.u32 v7, v11  }
0xef: {  	v14 =	vor.u32 v7, v44;
	_ =	sdelay $0x2  }
0xf0: {  	[tilespmem:$0xD300] =	vst v41  }
0xf1: {  	[tilespmem:v11+s11+$0x0] =	vst.idx.msk vm4, v0  }
0xf2: {  	[tilespmem:v14+s11+$0x0] =	vst.idx.msk $0xffff, v3  }
0xf3: {  	v11 =	vld [tilespmem:$0xD500]  }
0xf4: {  	v45 =	vld [tilespmem:$0xD950];
	_ =	sdelay $0x4  }
0xf5: {  	vm5 =	vne.s32 v11, v45;
	v11 =	vshll.u32 v11, $0x7  }
0xf6: {  	v46 =	vshll.u32 v45, $0x7;
	v11 =	vor.u32 v8, v11  }
0xf7: {  	v14 =	vor.u32 v8, v46;
	_ =	sdelay $0x2  }
0xf8: {  	[tilespmem:$0xD400] =	vst v43  }
0xf9: {  	[tilespmem:v11+s11+$0x0] =	vst.idx.msk vm5, v0  }
0xfa: {  	[tilespmem:v14+s11+$0x0] =	vst.idx.msk $0xffff, v3  }
0xfb: {  	v11 =	vld [tilespmem:$0xD600]  }
0xfc: {  	v47 =	vld [tilespmem:$0xD960];
	_ =	sdelay $0x4  }
0xfd: {  	vm6 =	vne.s32 v11, v47;
	v11 =	vshll.u32 v11, $0x7  }
0xfe: {  	v48 =	vshll.u32 v47, $0x7;
	v11 =	vor.u32 v9, v11  }
0xff: {  	v14 =	vor.u32 v9, v48;
	_ =	sdelay $0x2  }
0x100: {  	[tilespmem:$0xD500] =	vst v45  }
0x101: {  	[tilespmem:v11+s11+$0x0] =	vst.idx.msk vm6, v0  }
0x102: {  	[tilespmem:v14+s11+$0x0] =	vst.idx.msk $0xffff, v3  }
0x103: {  	v11 =	vld [tilespmem:$0xD700]  }
0x104: {  	v49 =	vld [tilespmem:$0xD970];
	_ =	sdelay $0x4  }
0x105: {  	vm7 =	vne.s32 v11, v49;
	v11 =	vshll.u32 v11, $0x7  }
0x106: {  	v50 =	vshll.u32 v49, $0x7;
	v11 =	vor.u32 v10, v11  }
0x107: {  	v14 =	vor.u32 v10, v50;
	_ =	sdelay $0x2  }
0x108: {  	[tilespmem:$0xD600] =	vst v47  }
0x109: {  	[tilespmem:v11+s11+$0x0] =	vst.idx.msk vm7, v0  }
0x10a: {  	[tilespmem:v14+s11+$0x0] =	vst.idx.msk $0xffff, v3  }
0x10b: {  	v11 =	vld [tilespmem:$0xD980]  }
0x10c: {  	v51 =	vld [tilespmem:$0xD080];
	_ =	sdelay $0x3  }
0x10d: {  	v11 =	vadd.s32 $0x64, v11  }
0x10e: {  	v12 =	vshll.u32 v51, $0x7;
	vm8 =	vne.s32 v51, v11  }
0x10f: {  	v12 =	vor.u32 v1, v12;
	v52 =	vshll.u32 v11, $0x7  }
0x110: {  	v14 =	vor.u32 v1, v52;
	_ =	sdelay $0x2  }
0x111: {  	[tilespmem:$0xD700] =	vst v49  }
0x112: {  	[tilespmem:v12+s11+$0x0] =	vst.idx.msk vm8, v0  }
0x113: {  	[tilespmem:v14+s11+$0x0] =	vst.idx.msk $0xffff, v3  }
0x114: {  	v12 =	vld [tilespmem:$0xD990]  }
0x115: {  	v53 =	vld [tilespmem:$0xD180];
	_ =	sdelay $0x3  }
0x116: {  	v12 =	vadd.s32 $0x64, v12  }
0x117: {  	v13 =	vshll.u32 v53, $0x7;
	vm9 =	vne.s32 v53, v12  }
0x118: {  	v13 =	vor.u32 v4, v13;
	v54 =	vshll.u32 v12, $0x7  }
0x119: {  	v14 =	vor.u32 v4, v54;
	_ =	sdelay $0x2  }
0x11a: {  	[tilespmem:$0xD080] =	vst v11  }
0x11b: {  	[tilespmem:v13+s11+$0x0] =	vst.idx.msk vm9, v0  }
0x11c: {  	[tilespmem:v14+s11+$0x0] =	vst.idx.msk $0xffff, v3  }
0x11d: {  	v11 =	vld [tilespmem:$0xD9A0]  }
0x11e: {  	v13 =	vld [tilespmem:$0xD280];
	_ =	sdelay $0x3  }
0x11f: {  	v11 =	vadd.s32 $0x64, v11  }
0x120: {  	vm10 =	vne.s32 v13, v11;
	v13 =	vshll.u32 v13, $0x7  }
0x121: {  	v55 =	vshll.u32 v11, $0x7;
	v13 =	vor.u32 v5, v13  }
0x122: {  	v14 =	vor.u32 v5, v55;
	_ =	sdelay $0x2  }
0x123: {  	[tilespmem:$0xD180] =	vst v12  }
0x124: {  	[tilespmem:v13+s11+$0x0] =	vst.idx.msk vm10, v0  }
0x125: {  	[tilespmem:v14+s11+$0x0] =	vst.idx.msk $0xffff, v3  }
0x126: {  	v56 =	vld [tilespmem:$0xD9B0]  }
0x127: {  	v13 =	vld [tilespmem:$0xD380];
	_ =	sdelay $0x3  }
0x128: {  	v12 =	vadd.s32 $0x64, v56  }
0x129: {  	vm11 =	vne.s32 v13, v12;
	v13 =	vshll.u32 v13, $0x7  }
0x12a: {  	v57 =	vshll.u32 v12, $0x7;
	v13 =	vor.u32 v6, v13  }
0x12b: {  	v14 =	vor.u32 v6, v57;
	_ =	sdelay $0x2  }
0x12c: {  	[tilespmem:$0xD280] =	vst v11  }
0x12d: {  	[tilespmem:v13+s11+$0x0] =	vst.idx.msk vm11, v0  }
0x12e: {  	[tilespmem:v14+s11+$0x0] =	vst.idx.msk $0xffff, v3  }
0x12f: {  	v11 =	vld [tilespmem:$0xD9C0]  }
0x130: {  	v13 =	vld [tilespmem:$0xD480];
	_ =	sdelay $0x3  }
0x131: {  	v11 =	vadd.s32 $0x64, v11  }
0x132: {  	vm12 =	vne.s32 v13, v11;
	v13 =	vshll.u32 v13, $0x7  }
0x133: {  	v58 =	vshll.u32 v11, $0x7;
	v13 =	vor.u32 v7, v13  }
0x134: {  	v14 =	vor.u32 v7, v58;
	_ =	sdelay $0x2  }
0x135: {  	[tilespmem:$0xD380] =	vst v12  }
0x136: {  	[tilespmem:v13+s11+$0x0] =	vst.idx.msk vm12, v0  }
0x137: {  	[tilespmem:v14+s11+$0x0] =	vst.idx.msk $0xffff, v3  }
0x138: {  	v59 =	vld [tilespmem:$0xD9D0]  }
0x139: {  	v13 =	vld [tilespmem:$0xD580];
	_ =	sdelay $0x3  }
0x13a: {  	v12 =	vadd.s32 $0x64, v59  }
0x13b: {  	vm13 =	vne.s32 v13, v12;
	v13 =	vshll.u32 v13, $0x7  }
0x13c: {  	v60 =	vshll.u32 v12, $0x7;
	v13 =	vor.u32 v8, v13  }
0x13d: {  	v14 =	vor.u32 v8, v60;
	_ =	sdelay $0x2  }
0x13e: {  	[tilespmem:$0xD480] =	vst v11  }
0x13f: {  	[tilespmem:v13+s11+$0x0] =	vst.idx.msk vm13, v0  }
0x140: {  	[tilespmem:v14+s11+$0x0] =	vst.idx.msk $0xffff, v3  }
0x141: {  	v11 =	vld [tilespmem:$0xD9E0]  }
0x142: {  	v13 =	vld [tilespmem:$0xD680];
	_ =	sdelay $0x3  }
0x143: {  	v11 =	vadd.s32 $0x64, v11  }
0x144: {  	vm14 =	vne.s32 v13, v11;
	v13 =	vshll.u32 v13, $0x7  }
0x145: {  	v61 =	vshll.u32 v11, $0x7;
	v13 =	vor.u32 v9, v13  }
0x146: {  	v14 =	vor.u32 v9, v61;
	_ =	sdelay $0x2  }
0x147: {  	[tilespmem:$0xD580] =	vst v12  }
0x148: {  	[tilespmem:v13+s11+$0x0] =	vst.idx.msk vm14, v0  }
0x149: {  	[tilespmem:v14+s11+$0x0] =	vst.idx.msk $0xffff, v3  }
0x14a: {  	v62 =	vld [tilespmem:$0xD9F0]  }
0x14b: {  	v13 =	vld [tilespmem:$0xD780];
	_ =	sdelay $0x3  }
0x14c: {  	v12 =	vadd.s32 $0x64, v62  }
0x14d: {  	vm15 =	vne.s32 v13, v12;
	v13 =	vshll.u32 v13, $0x7  }
0x14e: {  	v63 =	vshll.u32 v12, $0x7;
	v13 =	vor.u32 v10, v13  }
0x14f: {  	v14 =	vor.u32 v10, v63;
	_ =	sdelay $0x2  }
.Ltmp2:
0x150: {  	[tilespmem:$0xD680] =	vst v11;
	(pc) =	sbr.rel .LBB2_2-.Ltmp2, $4  }
0x151: {  	[tilespmem:v13+s11+$0x0] =	vst.idx.msk vm15, v0  }
0x152: {  	[tilespmem:v14+s11+$0x0] =	vst.idx.msk $0xffff, v3  }
0x153: {  	s20 =	smov.u32 s9;
	s21 =	simm.s32 $0x0;
	s22 =	simm.s32 $0x2;
	[tilespmem:$0xD780] =	vst v12  }
0x154: {  	[hbm4b:s7+s12] =	stream.strided.scatter [tilespmem:s11], [sflag:$0x2], $0x6400, s13, s12, $0x38;
	[tilespmem:$0xE800] =	vst v63  }
.LBB2_4:
0x155: {  	_ =	swait.ge [sflag:s17], $0x6400  }
0x156: {  	[sflag:s17] =	ssyncset.done $0x0  }
0x157: {  	s25 =	sshra.s32 s21, $0x2;
	[sflag:s17] =	ssyncadd.s32 $0xFFFF9C00  }
0x158: {  	s24 =	sadd.s32 s25, s24;
	v11 =	vld [tilespmem:$0xD000]  }
0x159: {  	v12 =	vld [tilespmem:s24+$0x200];
	_ =	sdelay $0x4  }
0x15a: {  	vm0 =	vne.s32 v11, v12;
	v11 =	vshll.u32 v11, $0x7  }
0x15b: {  	v13 =	vshll.u32 v12, $0x7;
	v11 =	vor.u32 v1, v11  }
0x15c: {  	v13 =	vor.u32 v1, v13;
	_ =	sdelay $0x3  }
0x15d: {  	[tilespmem:v11+s11+$0x0] =	vst.idx.msk vm0, v0  }
0x15e: {  	[tilespmem:v13+s11+$0x0] =	vst.idx.msk $0xffff, v3  }
0x15f: {  	[tilespmem:$0xD000] =	vst v12;
	v11 =	vld [tilespmem:$0xD100]  }
0x160: {  	v12 =	vld [tilespmem:s24+$0x210];
	_ =	sdelay $0x4  }
0x161: {  	vm13 =	vne.s32 v11, v12;
	v11 =	vshll.u32 v11, $0x7  }
0x162: {  	v48 =	vshll.u32 v12, $0x7;
	v11 =	vor.u32 v4, v11  }
0x163: {  	v13 =	vor.u32 v4, v48;
	_ =	sdelay $0x3  }
0x164: {  	[tilespmem:v11+s11+$0x0] =	vst.idx.msk vm13, v0  }
0x165: {  	[tilespmem:v13+s11+$0x0] =	vst.idx.msk $0xffff, v3  }
0x166: {  	[tilespmem:$0xD100] =	vst v12;
	v11 =	vld [tilespmem:$0xD200]  }
0x167: {  	v12 =	vld [tilespmem:s24+$0x220];
	_ =	sdelay $0x4  }
0x168: {  	vm14 =	vne.s32 v11, v12;
	v11 =	vshll.u32 v11, $0x7  }
0x169: {  	v49 =	vshll.u32 v12, $0x7;
	v11 =	vor.u32 v5, v11  }
0x16a: {  	v13 =	vor.u32 v5, v49;
	_ =	sdelay $0x3  }
0x16b: {  	[tilespmem:v11+s11+$0x0] =	vst.idx.msk vm14, v0  }
0x16c: {  	[tilespmem:v13+s11+$0x0] =	vst.idx.msk $0xffff, v3  }
0x16d: {  	[tilespmem:$0xD200] =	vst v12;
	v11 =	vld [tilespmem:$0xD300]  }
0x16e: {  	v12 =	vld [tilespmem:s24+$0x230];
	_ =	sdelay $0x4  }
0x16f: {  	vm15 =	vne.s32 v11, v12;
	v11 =	vshll.u32 v11, $0x7  }
0x170: {  	v50 =	vshll.u32 v12, $0x7;
	v11 =	vor.u32 v6, v11  }
0x171: {  	v13 =	vor.u32 v6, v50;
	_ =	sdelay $0x3  }
0x172: {  	[tilespmem:v11+s11+$0x0] =	vst.idx.msk vm15, v0  }
0x173: {  	[tilespmem:v13+s11+$0x0] =	vst.idx.msk $0xffff, v3  }
0x174: {  	[tilespmem:$0xD300] =	vst v12;
	v11 =	vld [tilespmem:$0xD400]  }
0x175: {  	v12 =	vld [tilespmem:s24+$0x240];
	_ =	sdelay $0x4  }
0x176: {  	vm4 =	vne.s32 v11, v12;
	v11 =	vshll.u32 v11, $0x7  }
0x177: {  	v51 =	vshll.u32 v12, $0x7;
	v11 =	vor.u32 v7, v11  }
0x178: {  	v13 =	vor.u32 v7, v51;
	_ =	sdelay $0x3  }
0x179: {  	[tilespmem:v11+s11+$0x0] =	vst.idx.msk vm4, v0  }
0x17a: {  	[tilespmem:v13+s11+$0x0] =	vst.idx.msk $0xffff, v3  }
0x17b: {  	[tilespmem:$0xD400] =	vst v12;
	v11 =	vld [tilespmem:$0xD500]  }
0x17c: {  	v12 =	vld [tilespmem:s24+$0x250];
	_ =	sdelay $0x4  }
0x17d: {  	vm5 =	vne.s32 v11, v12;
	v11 =	vshll.u32 v11, $0x7  }
0x17e: {  	v52 =	vshll.u32 v12, $0x7;
	v11 =	vor.u32 v8, v11  }
0x17f: {  	v13 =	vor.u32 v8, v52;
	_ =	sdelay $0x3  }
0x180: {  	[tilespmem:v11+s11+$0x0] =	vst.idx.msk vm5, v0  }
0x181: {  	[tilespmem:v13+s11+$0x0] =	vst.idx.msk $0xffff, v3  }
0x182: {  	[tilespmem:$0xD500] =	vst v12;
	v11 =	vld [tilespmem:$0xD600]  }
0x183: {  	v12 =	vld [tilespmem:s24+$0x260];
	_ =	sdelay $0x4  }
0x184: {  	vm6 =	vne.s32 v11, v12;
	v11 =	vshll.u32 v11, $0x7  }
0x185: {  	v53 =	vshll.u32 v12, $0x7;
	v11 =	vor.u32 v9, v11  }
0x186: {  	v13 =	vor.u32 v9, v53;
	_ =	sdelay $0x3  }
0x187: {  	[tilespmem:v11+s11+$0x0] =	vst.idx.msk vm6, v0  }
0x188: {  	[tilespmem:v13+s11+$0x0] =	vst.idx.msk $0xffff, v3  }
0x189: {  	[tilespmem:$0xD600] =	vst v12;
	v11 =	vld [tilespmem:$0xD700]  }
0x18a: {  	v12 =	vld [tilespmem:s24+$0x270];
	_ =	sdelay $0x4  }
0x18b: {  	vm7 =	vne.s32 v11, v12;
	v11 =	vshll.u32 v11, $0x7  }
0x18c: {  	v54 =	vshll.u32 v12, $0x7;
	v11 =	vor.u32 v10, v11  }
0x18d: {  	v13 =	vor.u32 v10, v54;
	_ =	sdelay $0x3  }
0x18e: {  	[tilespmem:v11+s11+$0x0] =	vst.idx.msk vm7, v0  }
0x18f: {  	[tilespmem:v13+s11+$0x0] =	vst.idx.msk $0xffff, v3  }
0x190: {  	[tilespmem:$0xD700] =	vst v12  }
0x191: {  	v11 =	vld [tilespmem:s24+$0x280]  }
0x192: {  	v55 =	vld [tilespmem:$0xD080];
	_ =	sdelay $0x3  }
0x193: {  	v11 =	vadd.s32 $0x64, v11  }
0x194: {  	v12 =	vshll.u32 v55, $0x7;
	vm8 =	vne.s32 v55, v11  }
0x195: {  	v12 =	vor.u32 v1, v12;
	v56 =	vshll.u32 v11, $0x7  }
0x196: {  	v13 =	vor.u32 v1, v56;
	_ =	sdelay $0x3  }
0x197: {  	[tilespmem:v12+s11+$0x0] =	vst.idx.msk vm8, v0  }
0x198: {  	[tilespmem:v13+s11+$0x0] =	vst.idx.msk $0xffff, v3  }
0x199: {  	[tilespmem:$0xD080] =	vst v11  }
0x19a: {  	v11 =	vld [tilespmem:s24+$0x290]  }
0x19b: {  	v12 =	vld [tilespmem:$0xD180];
	_ =	sdelay $0x3  }
0x19c: {  	v11 =	vadd.s32 $0x64, v11  }
0x19d: {  	vm9 =	vne.s32 v12, v11;
	v12 =	vshll.u32 v12, $0x7  }
0x19e: {  	v57 =	vshll.u32 v11, $0x7;
	v12 =	vor.u32 v4, v12  }
0x19f: {  	v13 =	vor.u32 v4, v57;
	_ =	sdelay $0x3  }
0x1a0: {  	[tilespmem:v12+s11+$0x0] =	vst.idx.msk vm9, v0  }
0x1a1: {  	[tilespmem:v13+s11+$0x0] =	vst.idx.msk $0xffff, v3  }
0x1a2: {  	[tilespmem:$0xD180] =	vst v11  }
0x1a3: {  	v11 =	vld [tilespmem:s24+$0x2A0]  }
0x1a4: {  	v12 =	vld [tilespmem:$0xD280];
	_ =	sdelay $0x3  }
0x1a5: {  	v11 =	vadd.s32 $0x64, v11  }
0x1a6: {  	vm10 =	vne.s32 v12, v11;
	v12 =	vshll.u32 v12, $0x7  }
0x1a7: {  	v58 =	vshll.u32 v11, $0x7;
	v12 =	vor.u32 v5, v12  }
0x1a8: {  	v13 =	vor.u32 v5, v58;
	_ =	sdelay $0x3  }
0x1a9: {  	[tilespmem:v12+s11+$0x0] =	vst.idx.msk vm10, v0  }
0x1aa: {  	[tilespmem:v13+s11+$0x0] =	vst.idx.msk $0xffff, v3  }
0x1ab: {  	[tilespmem:$0xD280] =	vst v11  }
0x1ac: {  	v11 =	vld [tilespmem:s24+$0x2B0]  }
0x1ad: {  	v12 =	vld [tilespmem:$0xD380];
	_ =	sdelay $0x3  }
0x1ae: {  	v11 =	vadd.s32 $0x64, v11  }
0x1af: {  	vm11 =	vne.s32 v12, v11;
	v12 =	vshll.u32 v12, $0x7  }
0x1b0: {  	v59 =	vshll.u32 v11, $0x7;
	v12 =	vor.u32 v6, v12  }
0x1b1: {  	v13 =	vor.u32 v6, v59;
	_ =	sdelay $0x3  }
0x1b2: {  	[tilespmem:v12+s11+$0x0] =	vst.idx.msk vm11, v0  }
0x1b3: {  	[tilespmem:v13+s11+$0x0] =	vst.idx.msk $0xffff, v3  }
0x1b4: {  	[tilespmem:$0xD380] =	vst v11  }
0x1b5: {  	v11 =	vld [tilespmem:s24+$0x2C0]  }
0x1b6: {  	v12 =	vld [tilespmem:$0xD480];
	_ =	sdelay $0x3  }
0x1b7: {  	v11 =	vadd.s32 $0x64, v11  }
0x1b8: {  	vm12 =	vne.s32 v12, v11;
	v12 =	vshll.u32 v12, $0x7  }
0x1b9: {  	v60 =	vshll.u32 v11, $0x7;
	v12 =	vor.u32 v7, v12  }
0x1ba: {  	v13 =	vor.u32 v7, v60;
	_ =	sdelay $0x3  }
0x1bb: {  	[tilespmem:v12+s11+$0x0] =	vst.idx.msk vm12, v0  }
0x1bc: {  	[tilespmem:v13+s11+$0x0] =	vst.idx.msk $0xffff, v3  }
0x1bd: {  	[tilespmem:$0xD480] =	vst v11  }
0x1be: {  	v11 =	vld [tilespmem:s24+$0x2D0]  }
0x1bf: {  	v12 =	vld [tilespmem:$0xD580];
	_ =	sdelay $0x3  }
0x1c0: {  	v11 =	vadd.s32 $0x64, v11  }
0x1c1: {  	vm13 =	vne.s32 v12, v11;
	v12 =	vshll.u32 v12, $0x7  }
0x1c2: {  	v61 =	vshll.u32 v11, $0x7;
	v12 =	vor.u32 v8, v12  }
0x1c3: {  	v13 =	vor.u32 v8, v61;
	_ =	sdelay $0x3  }
0x1c4: {  	[tilespmem:v12+s11+$0x0] =	vst.idx.msk vm13, v0  }
0x1c5: {  	[tilespmem:v13+s11+$0x0] =	vst.idx.msk $0xffff, v3  }
0x1c6: {  	[tilespmem:$0xD580] =	vst v11  }
0x1c7: {  	v11 =	vld [tilespmem:s24+$0x2E0]  }
0x1c8: {  	v12 =	vld [tilespmem:$0xD680];
	_ =	sdelay $0x3  }
0x1c9: {  	v11 =	vadd.s32 $0x64, v11  }
0x1ca: {  	vm14 =	vne.s32 v12, v11;
	v12 =	vshll.u32 v12, $0x7  }
0x1cb: {  	v62 =	vshll.u32 v11, $0x7;
	v12 =	vor.u32 v9, v12  }
0x1cc: {  	v13 =	vor.u32 v9, v62;
	_ =	sdelay $0x3  }
0x1cd: {  	[tilespmem:v12+s11+$0x0] =	vst.idx.msk vm14, v0  }
0x1ce: {  	[tilespmem:v13+s11+$0x0] =	vst.idx.msk $0xffff, v3  }
0x1cf: {  	[tilespmem:$0xD680] =	vst v11  }
0x1d0: {  	v11 =	vld [tilespmem:s24+$0x2F0]  }
0x1d1: {  	v12 =	vld [tilespmem:$0xD780];
	_ =	sdelay $0x3  }
0x1d2: {  	v11 =	vadd.s32 $0x64, v11  }
0x1d3: {  	vm15 =	vne.s32 v12, v11;
	v12 =	vshll.u32 v12, $0x7  }
0x1d4: {  	v63 =	vshll.u32 v11, $0x7;
	v12 =	vor.u32 v10, v12  }
0x1d5: {  	v13 =	vor.u32 v10, v63;
	_ =	sdelay $0x3  }
0x1d6: {  	[tilespmem:v12+s11+$0x0] =	vst.idx.msk vm15, v0  }
0x1d7: {  	[tilespmem:v13+s11+$0x0] =	vst.idx.msk $0xffff, v3  }
0x1d8: {  	[tilespmem:$0xD780] =	vst v11  }
0x1d9: {  	[hbm4b:s23+s12] =	stream.strided.scatter [tilespmem:s11], [sflag:$0x2], $0x6400, s13, s12, $0x38;
	[tilespmem:$0xE800] =	vst v63  }
.LBB2_5:
0x1da: {  	s21 =	sadd.s32 $0x400, s21  }
0x1db: {  	p0 =	sne.s32 s21, $0xC800  }
.Ltmp3:
0x1dc: {  	_ = 	snop;
	(pc) =	sbr.rel @!p0 .LBB2_6-.Ltmp3, $2  }
0x1dd: {  	_ =	sdelay $0x2  }
0x1de: {  	s22 =	sadd.s32 $0x1, s22;
	s20 =	sadd.s32 $0x64000, s20  }
.LBB2_2:
0x1df: {  	s23 =	smulhi.u32 $0x4EC4EC4F, s22;
	_ =	sdelay $0x1  }
0x1e0: {  	s25 =	smul.u32 $0x4F, s22;
	s23 =	sshrl.u32 s23, $0x2  }
0x1e1: {  	s24 =	smul.u32 $0x3400, s23;
	_ =	sdelay $0x1  }
0x1e2: {  	s25 =	sshrl.u32 s25, $0x3;
	s24 =	sadd.s32 $0xFFFFF800, s24  }
0x1e3: {  	s30 =	sand.u32 $0x1, s22;
	p0 =	sne.s32 s24, s21;
	s24 =	sand.u32 $0x1F80, s25  }
0x1e4: {  	p1 =	seq.s32 s30, $0x1;
	s26 =	smul.u32 $0x513F80, s23;
	s24 =	sadd.s32 @!p0 s24, s6  }
0x1e5: {  	s25 =	simm.s32 @!p0 $0x400;
	s28 =	simm.s32 @!p0 $0x20000;
	s29 =	simm.s32 @!p0 $0xD800  }
0x1e6: {  	[tilespmem:s29], [sflag:$0x3] =	stream.strided.gather @!p0 [hbm4b:s24+s25], $0xC00, s28, s25, $0x38;
	[tilespmem:$0xE800] =	vst v63  }
0x1e7: {  	s24 =	sadd.s32 @!p0 $0xC000, s24;
	s25 =	simm.s32 @!p0 $0x0;
	s28 =	simm.s32 @!p0 $0xE400  }
0x1e8: {  	[tilespmem:s28], [sflag:$0x3] =	stream.linear.gather @!p0 [hbm4b:s24+s25], $0x100, $0x38;
	[tilespmem:$0xE800] =	vst v63  }
.Ltmp4:
0x1e9: {  	_ = 	snop;
	(pc) =	sbr.rel @p1 .LBB2_4-.Ltmp4, $4  }
0x1ea: {  	s23 =	smul.u32 $0xFFFFCC00, s23;
	s25 =	simm.s32 @!p0 $0x3  }
0x1eb: {  	s29 =	ssub.s32 s20, s26;
	_ =	swait.ge @!p0 [sflag:s25], $0xD00  }
0x1ec: {  	s23 =	sshra.s32 s23, $0x2;
	s31 =	sand.u32 $0x1FFFFF80, s29;
	[sflag:s25] =	ssyncset.done @!p0 $0x0  }
0x1ed: {  	s24 =	sadd.s32 $0xD800, s23;
	s23 =	sadd.s32 s2, s31;
	[sflag:s25] =	ssyncadd.s32 @!p0 $0xFFFFF300  }
0x1ee: {  	_ =	swait.ge [sflag:s18], $0x6400  }
0x1ef: {  	[sflag:s18] =	ssyncset.done $0x0  }
0x1f0: {  	s25 =	sshra.s32 s21, $0x2;
	[sflag:s18] =	ssyncadd.s32 $0xFFFF9C00  }
0x1f1: {  	s24 =	sadd.s32 s25, s24;
	v11 =	vld [tilespmem:$0xC800]  }
0x1f2: {  	v12 =	vld [tilespmem:s24+$0x200];
	_ =	sdelay $0x4  }
0x1f3: {  	vm0 =	vne.s32 v11, v12;
	v11 =	vshll.u32 v11, $0x7  }
0x1f4: {  	v13 =	vshll.u32 v12, $0x7;
	v11 =	vor.u32 v1, v11  }
0x1f5: {  	v13 =	vor.u32 v1, v13;
	_ =	sdelay $0x3  }
0x1f6: {  	[tilespmem:v11+s3+$0x0] =	vst.idx.msk vm0, v0  }
0x1f7: {  	[tilespmem:v13+s3+$0x0] =	vst.idx.msk $0xffff, v3  }
0x1f8: {  	[tilespmem:$0xC800] =	vst v12;
	v11 =	vld [tilespmem:$0xC900]  }
0x1f9: {  	v12 =	vld [tilespmem:s24+$0x210];
	_ =	sdelay $0x4  }
0x1fa: {  	vm13 =	vne.s32 v11, v12;
	v11 =	vshll.u32 v11, $0x7  }
0x1fb: {  	v48 =	vshll.u32 v12, $0x7;
	v11 =	vor.u32 v4, v11  }
0x1fc: {  	v13 =	vor.u32 v4, v48;
	_ =	sdelay $0x3  }
0x1fd: {  	[tilespmem:v11+s3+$0x0] =	vst.idx.msk vm13, v0  }
0x1fe: {  	[tilespmem:v13+s3+$0x0] =	vst.idx.msk $0xffff, v3  }
0x1ff: {  	[tilespmem:$0xC900] =	vst v12;
	v11 =	vld [tilespmem:$0xCA00]  }
0x200: {  	v12 =	vld [tilespmem:s24+$0x220];
	_ =	sdelay $0x4  }
0x201: {  	vm14 =	vne.s32 v11, v12;
	v11 =	vshll.u32 v11, $0x7  }
0x202: {  	v49 =	vshll.u32 v12, $0x7;
	v11 =	vor.u32 v5, v11  }
0x203: {  	v13 =	vor.u32 v5, v49;
	_ =	sdelay $0x3  }
0x204: {  	[tilespmem:v11+s3+$0x0] =	vst.idx.msk vm14, v0  }
0x205: {  	[tilespmem:v13+s3+$0x0] =	vst.idx.msk $0xffff, v3  }
0x206: {  	[tilespmem:$0xCA00] =	vst v12;
	v11 =	vld [tilespmem:$0xCB00]  }
0x207: {  	v12 =	vld [tilespmem:s24+$0x230];
	_ =	sdelay $0x4  }
0x208: {  	vm15 =	vne.s32 v11, v12;
	v11 =	vshll.u32 v11, $0x7  }
0x209: {  	v50 =	vshll.u32 v12, $0x7;
	v11 =	vor.u32 v6, v11  }
0x20a: {  	v13 =	vor.u32 v6, v50;
	_ =	sdelay $0x3  }
0x20b: {  	[tilespmem:v11+s3+$0x0] =	vst.idx.msk vm15, v0  }
0x20c: {  	[tilespmem:v13+s3+$0x0] =	vst.idx.msk $0xffff, v3  }
0x20d: {  	[tilespmem:$0xCB00] =	vst v12;
	v11 =	vld [tilespmem:$0xCC00]  }
0x20e: {  	v12 =	vld [tilespmem:s24+$0x240];
	_ =	sdelay $0x4  }
0x20f: {  	vm4 =	vne.s32 v11, v12;
	v11 =	vshll.u32 v11, $0x7  }
0x210: {  	v51 =	vshll.u32 v12, $0x7;
	v11 =	vor.u32 v7, v11  }
0x211: {  	v13 =	vor.u32 v7, v51;
	_ =	sdelay $0x3  }
0x212: {  	[tilespmem:v11+s3+$0x0] =	vst.idx.msk vm4, v0  }
0x213: {  	[tilespmem:v13+s3+$0x0] =	vst.idx.msk $0xffff, v3  }
0x214: {  	[tilespmem:$0xCC00] =	vst v12;
	v11 =	vld [tilespmem:$0xCD00]  }
0x215: {  	v12 =	vld [tilespmem:s24+$0x250];
	_ =	sdelay $0x4  }
0x216: {  	vm5 =	vne.s32 v11, v12;
	v11 =	vshll.u32 v11, $0x7  }
0x217: {  	v52 =	vshll.u32 v12, $0x7;
	v11 =	vor.u32 v8, v11  }
0x218: {  	v13 =	vor.u32 v8, v52;
	_ =	sdelay $0x3  }
0x219: {  	[tilespmem:v11+s3+$0x0] =	vst.idx.msk vm5, v0  }
0x21a: {  	[tilespmem:v13+s3+$0x0] =	vst.idx.msk $0xffff, v3  }
0x21b: {  	[tilespmem:$0xCD00] =	vst v12;
	v11 =	vld [tilespmem:$0xCE00]  }
0x21c: {  	v12 =	vld [tilespmem:s24+$0x260];
	_ =	sdelay $0x4  }
0x21d: {  	vm6 =	vne.s32 v11, v12;
	v11 =	vshll.u32 v11, $0x7  }
0x21e: {  	v53 =	vshll.u32 v12, $0x7;
	v11 =	vor.u32 v9, v11  }
0x21f: {  	v13 =	vor.u32 v9, v53;
	_ =	sdelay $0x3  }
0x220: {  	[tilespmem:v11+s3+$0x0] =	vst.idx.msk vm6, v0  }
0x221: {  	[tilespmem:v13+s3+$0x0] =	vst.idx.msk $0xffff, v3  }
0x222: {  	[tilespmem:$0xCE00] =	vst v12;
	v11 =	vld [tilespmem:$0xCF00]  }
0x223: {  	v12 =	vld [tilespmem:s24+$0x270];
	_ =	sdelay $0x4  }
0x224: {  	vm7 =	vne.s32 v11, v12;
	v11 =	vshll.u32 v11, $0x7  }
0x225: {  	v54 =	vshll.u32 v12, $0x7;
	v11 =	vor.u32 v10, v11  }
0x226: {  	v13 =	vor.u32 v10, v54;
	_ =	sdelay $0x3  }
0x227: {  	[tilespmem:v11+s3+$0x0] =	vst.idx.msk vm7, v0  }
0x228: {  	[tilespmem:v13+s3+$0x0] =	vst.idx.msk $0xffff, v3  }
0x229: {  	[tilespmem:$0xCF00] =	vst v12  }
0x22a: {  	v11 =	vld [tilespmem:s24+$0x280]  }
0x22b: {  	v55 =	vld [tilespmem:$0xC880];
	_ =	sdelay $0x3  }
0x22c: {  	v11 =	vadd.s32 $0x64, v11  }
0x22d: {  	v12 =	vshll.u32 v55, $0x7;
	vm8 =	vne.s32 v55, v11  }
0x22e: {  	v12 =	vor.u32 v1, v12;
	v56 =	vshll.u32 v11, $0x7  }
0x22f: {  	v13 =	vor.u32 v1, v56;
	_ =	sdelay $0x3  }
0x230: {  	[tilespmem:v12+s3+$0x0] =	vst.idx.msk vm8, v0  }
0x231: {  	[tilespmem:v13+s3+$0x0] =	vst.idx.msk $0xffff, v3  }
0x232: {  	[tilespmem:$0xC880] =	vst v11  }
0x233: {  	v11 =	vld [tilespmem:s24+$0x290]  }
0x234: {  	v12 =	vld [tilespmem:$0xC980];
	_ =	sdelay $0x3  }
0x235: {  	v11 =	vadd.s32 $0x64, v11  }
0x236: {  	vm9 =	vne.s32 v12, v11;
	v12 =	vshll.u32 v12, $0x7  }
0x237: {  	v57 =	vshll.u32 v11, $0x7;
	v12 =	vor.u32 v4, v12  }
0x238: {  	v13 =	vor.u32 v4, v57;
	_ =	sdelay $0x3  }
0x239: {  	[tilespmem:v12+s3+$0x0] =	vst.idx.msk vm9, v0  }
0x23a: {  	[tilespmem:v13+s3+$0x0] =	vst.idx.msk $0xffff, v3  }
0x23b: {  	[tilespmem:$0xC980] =	vst v11  }
0x23c: {  	v11 =	vld [tilespmem:s24+$0x2A0]  }
0x23d: {  	v12 =	vld [tilespmem:$0xCA80];
	_ =	sdelay $0x3  }
0x23e: {  	v11 =	vadd.s32 $0x64, v11  }
0x23f: {  	vm10 =	vne.s32 v12, v11;
	v12 =	vshll.u32 v12, $0x7  }
0x240: {  	v58 =	vshll.u32 v11, $0x7;
	v12 =	vor.u32 v5, v12  }
0x241: {  	v13 =	vor.u32 v5, v58;
	_ =	sdelay $0x3  }
0x242: {  	[tilespmem:v12+s3+$0x0] =	vst.idx.msk vm10, v0  }
0x243: {  	[tilespmem:v13+s3+$0x0] =	vst.idx.msk $0xffff, v3  }
0x244: {  	[tilespmem:$0xCA80] =	vst v11  }
0x245: {  	v11 =	vld [tilespmem:s24+$0x2B0]  }
0x246: {  	v12 =	vld [tilespmem:$0xCB80];
	_ =	sdelay $0x3  }
0x247: {  	v11 =	vadd.s32 $0x64, v11  }
0x248: {  	vm11 =	vne.s32 v12, v11;
	v12 =	vshll.u32 v12, $0x7  }
0x249: {  	v59 =	vshll.u32 v11, $0x7;
	v12 =	vor.u32 v6, v12  }
0x24a: {  	v13 =	vor.u32 v6, v59;
	_ =	sdelay $0x3  }
0x24b: {  	[tilespmem:v12+s3+$0x0] =	vst.idx.msk vm11, v0  }
0x24c: {  	[tilespmem:v13+s3+$0x0] =	vst.idx.msk $0xffff, v3  }
0x24d: {  	[tilespmem:$0xCB80] =	vst v11  }
0x24e: {  	v11 =	vld [tilespmem:s24+$0x2C0]  }
0x24f: {  	v12 =	vld [tilespmem:$0xCC80];
	_ =	sdelay $0x3  }
0x250: {  	v11 =	vadd.s32 $0x64, v11  }
0x251: {  	vm12 =	vne.s32 v12, v11;
	v12 =	vshll.u32 v12, $0x7  }
0x252: {  	v60 =	vshll.u32 v11, $0x7;
	v12 =	vor.u32 v7, v12  }
0x253: {  	v13 =	vor.u32 v7, v60;
	_ =	sdelay $0x3  }
0x254: {  	[tilespmem:v12+s3+$0x0] =	vst.idx.msk vm12, v0  }
0x255: {  	[tilespmem:v13+s3+$0x0] =	vst.idx.msk $0xffff, v3  }
0x256: {  	[tilespmem:$0xCC80] =	vst v11  }
0x257: {  	v11 =	vld [tilespmem:s24+$0x2D0]  }
0x258: {  	v12 =	vld [tilespmem:$0xCD80];
	_ =	sdelay $0x3  }
0x259: {  	v11 =	vadd.s32 $0x64, v11  }
0x25a: {  	vm13 =	vne.s32 v12, v11;
	v12 =	vshll.u32 v12, $0x7  }
0x25b: {  	v61 =	vshll.u32 v11, $0x7;
	v12 =	vor.u32 v8, v12  }
0x25c: {  	v13 =	vor.u32 v8, v61;
	_ =	sdelay $0x3  }
0x25d: {  	[tilespmem:v12+s3+$0x0] =	vst.idx.msk vm13, v0  }
0x25e: {  	[tilespmem:v13+s3+$0x0] =	vst.idx.msk $0xffff, v3  }
0x25f: {  	[tilespmem:$0xCD80] =	vst v11  }
0x260: {  	v11 =	vld [tilespmem:s24+$0x2E0]  }
0x261: {  	v12 =	vld [tilespmem:$0xCE80];
	_ =	sdelay $0x3  }
0x262: {  	v11 =	vadd.s32 $0x64, v11  }
0x263: {  	vm14 =	vne.s32 v12, v11;
	v12 =	vshll.u32 v12, $0x7  }
0x264: {  	v62 =	vshll.u32 v11, $0x7;
	v12 =	vor.u32 v9, v12  }
0x265: {  	v13 =	vor.u32 v9, v62;
	_ =	sdelay $0x3  }
0x266: {  	[tilespmem:v12+s3+$0x0] =	vst.idx.msk vm14, v0  }
0x267: {  	[tilespmem:v13+s3+$0x0] =	vst.idx.msk $0xffff, v3  }
0x268: {  	[tilespmem:$0xCE80] =	vst v11  }
0x269: {  	v11 =	vld [tilespmem:s24+$0x2F0]  }
0x26a: {  	v12 =	vld [tilespmem:$0xCF80];
	_ =	sdelay $0x3  }
0x26b: {  	v11 =	vadd.s32 $0x64, v11  }
0x26c: {  	vm15 =	vne.s32 v12, v11;
	v12 =	vshll.u32 v12, $0x7  }
0x26d: {  	v63 =	vshll.u32 v11, $0x7;
	v12 =	vor.u32 v10, v12  }
0x26e: {  	v13 =	vor.u32 v10, v63;
	_ =	sdelay $0x2  }
.Ltmp5:
0x26f: {  	_ = 	snop;
	(pc) =	sbr.rel .LBB2_5-.Ltmp5, $4  }
0x270: {  	[tilespmem:v12+s3+$0x0] =	vst.idx.msk vm15, v0  }
0x271: {  	[tilespmem:v13+s3+$0x0] =	vst.idx.msk $0xffff, v3  }
0x272: {  	[tilespmem:$0xCF80] =	vst v11  }
0x273: {  	[hbm4b:s23+s12] =	stream.strided.scatter [tilespmem:s3], [sflag:$0x1], $0x6400, s13, s12, $0x38;
	[tilespmem:$0xE800] =	vst v63  }
.LBB2_7:
0x274: {  	_ =	sfence.sel $0x180000  }
0x275: {  	[bflag:$0x0] =	sbarrier.arrive $0xFFFF  }
0x276: {  	p0 =	sne.s32 s1, $0x0;
	_ =	strace $0x90000047  }
0x277: {  	s0 =	sadd.s32 @!p0 $0x100000, s0;
	[bflag:$0x2] =	sbarrier.arrive $0xFFFF  }
0x278: {  	[sflag:s0] =	ssyncadd.tile.s32 @!p0 $0x1;
	_ =	shalt  }
.Lfunc_end2:
_tile_overlayer_lowered:
.L_overlay_start_2:
0x279: {  	(tag) =	ssettag $0x2  }
0x27a: {  	s0 =	rddreg [dreg:$0x0];
	s2 =	stileid.u32  }
0x27b: {  	s1 =	rddreg [dreg:$0x1];
	p0 =	sne.s32 s2, $0x0  }
0x27c: {  	s3 =	rddreg [dreg:$0x2];
	[bflag:$0x3] =	sbarrier.arrive $0xFFFF;
	s2 =	simm.s32 @!p0 $0x1C03  }
0x27d: {  	[timem:s3], [sflag:s2] =	dma.local @!p0 [hbm:s0], s1  }
0x27e: {  	s0 =	simm.s32 @!p0 $0x3  }
0x27f: {  	_ =	swait.ge @!p0 [sflag:s0], s1  }
0x280: {  	s1 =	ssub.s32 @!p0 $0x0, s1;
	[sflag:s0] =	ssyncset.done @!p0 $0x0  }
0x281: {  	[sflag:s0] =	ssyncadd.s32 @!p0 s1  }
0x282: {  	[bflag:$0x3] =	sbarrier.arrive $0xFFFF  }
0x283: {  	_ =	shalt  }

</sc_bundles>
